<compile_context>
chip_gen: v7x
topology: tpu7x:2x2x1
jax: 0.10.2.dev20260603
libtpu: 0.0.44.dev20260713+nightly
codegen_flags: <defaults>
</compile_context>

<pallas_src>
import functools

import jax
import jax.numpy as jnp
from jax import lax
from jax.experimental import pallas as pl
from jax.experimental.pallas import tpu as pltpu
from jax.experimental.pallas import tpu_sc as plsc

_N = 10000
_E = 160000
_D = 256
_H = 16
_DH = 16



def _dotbf(a, b):
    return jnp.dot(a, b, preferred_element_type=jnp.float32)


def _qkv_body(h_ref, wq_ref, wk_ref, wv_ref, q_ref, kv_ref):
    hb = h_ref[...]
    q_ref[...] = _dotbf(hb, wq_ref[...])
    kv_ref[:, 0:_D] = _dotbf(hb, wk_ref[...])
    kv_ref[:, _D:2 * _D] = _dotbf(hb, wv_ref[...])


def _qkv(h, Wq, Wk, Wv):
    BN = 1000
    mat = pl.BlockSpec((_D, _D), lambda i: (0, 0))
    blk = pl.BlockSpec((BN, _D), lambda i: (i, 0))
    return pl.pallas_call(
        _qkv_body,
        grid=(_N // BN,),
        in_specs=[blk, mat, mat, mat],
        out_specs=[blk, pl.BlockSpec((BN, 2 * _D), lambda i: (i, 0))],
        out_shape=[jax.ShapeDtypeStruct((_N, _D), jnp.float32),
                   jax.ShapeDtypeStruct((_N, 2 * _D), jnp.float32)],
    )(h, Wq, Wk, Wv)


def _edge1_body(e_ref, kvs_ref, qd_ref, we_ref, woe_ref, boe_ref,
                hsum_ref, hexp_ref, hrep_ref, eo_ref, wv_ref, sexp_ref,
                stats_ref):
    i = pl.program_id(0)
    eb = e_ref[...]
    pe = _dotbf(eb, we_ref[...])
    score = kvs_ref[:, 0:_D] * qd_ref[...] * (pe * (1.0 / 4.0))
    hs = jnp.dot(score, hsum_ref[...], preferred_element_type=jnp.float32)
    sexp = jnp.exp(jnp.clip(hs, -5.0, 5.0))
    sexp_ref[...] = jnp.dot(sexp, hrep_ref[...],
                            preferred_element_type=jnp.float32)
    eo = eb + _dotbf(score, woe_ref[...]) + boe_ref[...]
    eo_ref[...] = eo
    wv_ref[...] = kvs_ref[:, _D:2 * _D] * jnp.dot(
        sexp, hexp_ref[...], preferred_element_type=jnp.float32)

    @pl.when(i == 0)
    def _():
        stats_ref[...] = jnp.zeros_like(stats_ref)

    stats_ref[0:1, :] += jnp.sum(eo, axis=0, keepdims=True)
    stats_ref[1:2, :] += jnp.sum(eo * eo, axis=0, keepdims=True)


def _edge1(e, kvsrc, qdst, We, Wo_e, bo_e, hsum, hexp, hrep):
    BE = 1600
    blk = pl.BlockSpec((BE, _D), lambda i: (i, 0))
    mat = pl.BlockSpec((_D, _D), lambda i: (0, 0))
    return pl.pallas_call(
        _edge1_body,
        grid=(_E // BE,),
        in_specs=[blk, pl.BlockSpec((BE, 2 * _D), lambda i: (i, 0)),
                  blk, mat, mat,
                  pl.BlockSpec((1, _D), lambda i: (0, 0)),
                  pl.BlockSpec((_D, _H), lambda i: (0, 0)),
                  pl.BlockSpec((_H, _D), lambda i: (0, 0)),
                  pl.BlockSpec((_H, 128), lambda i: (0, 0))],
        out_specs=[blk, blk,
                   pl.BlockSpec((BE, 128), lambda i: (i, 0)),
                   pl.BlockSpec((8, _D), lambda i: (0, 0))],
        out_shape=[jax.ShapeDtypeStruct((_E, _D), jnp.float32),
                   jax.ShapeDtypeStruct((_E, _D), jnp.float32),
                   jax.ShapeDtypeStruct((_E, 128), jnp.float32),
                   jax.ShapeDtypeStruct((8, _D), jnp.float32)],
    )(e, kvsrc, qdst, We, Wo_e, bo_e, hsum, hexp, hrep)


def _node1_body(wv_ref, za_ref, zb_ref, h_ref, wo_ref, bo_ref, zsel_ref,
                ho_ref, stats_ref):
    i = pl.program_id(0)
    zrep = jnp.dot(za_ref[...] + zb_ref[...], zsel_ref[...],
                   preferred_element_type=jnp.float32)
    hattn = wv_ref[...] / (zrep + 1e-6)
    ho = h_ref[...] + _dotbf(hattn, wo_ref[...]) + bo_ref[...]
    ho_ref[...] = ho

    @pl.when(i == 0)
    def _():
        stats_ref[...] = jnp.zeros_like(stats_ref)

    stats_ref[0:1, :] += jnp.sum(ho, axis=0, keepdims=True)
    stats_ref[1:2, :] += jnp.sum(ho * ho, axis=0, keepdims=True)


def _node1(wV, za, zb, h, Wo_h, bo_h, zsel):
    BN = 1000
    blk = pl.BlockSpec((BN, _D), lambda i: (i, 0))
    zblk = pl.BlockSpec((BN, 128), lambda i: (i, 0))
    return pl.pallas_call(
        _node1_body,
        grid=(_N // BN,),
        in_specs=[blk, zblk, zblk, blk,
                  pl.BlockSpec((_D, _D), lambda i: (0, 0)),
                  pl.BlockSpec((1, _D), lambda i: (0, 0)),
                  pl.BlockSpec((128, _D), lambda i: (0, 0))],
        out_specs=[blk, pl.BlockSpec((8, _D), lambda i: (0, 0))],
        out_shape=[jax.ShapeDtypeStruct((_N, _D), jnp.float32),
                   jax.ShapeDtypeStruct((8, _D), jnp.float32)],
    )(wV, za, zb, h, Wo_h, bo_h, zsel)


def _ffn_body(count, x_ref, stats_ref, w1_ref, b1_ref, w2_ref, b2_ref,
              out_ref, stats2_ref):
    i = pl.program_id(0)
    mu = stats_ref[0:1, :] * (1.0 / count)
    var = stats_ref[1:2, :] * (1.0 / count) - mu * mu
    inv = lax.rsqrt(var + 1e-5)
    xb = (x_ref[...] - mu) * inv
    u = jnp.maximum(_dotbf(xb, w1_ref[...]) + b1_ref[...], 0.0)
    pre2 = xb + _dotbf(u, w2_ref[...]) + b2_ref[...]
    out_ref[...] = pre2

    @pl.when(i == 0)
    def _():
        stats2_ref[...] = jnp.zeros_like(stats2_ref)

    stats2_ref[0:1, :] += jnp.sum(pre2, axis=0, keepdims=True)
    stats2_ref[1:2, :] += jnp.sum(pre2 * pre2, axis=0, keepdims=True)


def _ffn(x, stats, count, W1, b1, W2, b2, bx):
    rows = x.shape[0]
    blk = pl.BlockSpec((bx, _D), lambda i: (i, 0))
    return pl.pallas_call(
        functools.partial(_ffn_body, float(count)),
        grid=(rows // bx,),
        in_specs=[blk, pl.BlockSpec((8, _D), lambda i: (0, 0)),
                  pl.BlockSpec((_D, 2 * _D), lambda i: (0, 0)),
                  pl.BlockSpec((1, 2 * _D), lambda i: (0, 0)),
                  pl.BlockSpec((2 * _D, _D), lambda i: (0, 0)),
                  pl.BlockSpec((1, _D), lambda i: (0, 0))],
        out_specs=[blk, pl.BlockSpec((8, _D), lambda i: (0, 0))],
        out_shape=[jax.ShapeDtypeStruct((rows, _D), jnp.float32),
                   jax.ShapeDtypeStruct((8, _D), jnp.float32)],
    )(x, stats, W1, b1, W2, b2)


def _norm_body(count, x_ref, stats_ref, out_ref):
    mu = stats_ref[0:1, :] * (1.0 / count)
    var = stats_ref[1:2, :] * (1.0 / count) - mu * mu
    inv = lax.rsqrt(var + 1e-5)
    out_ref[...] = (x_ref[...] - mu) * inv


def _norm(x, stats, count, bx):
    rows = x.shape[0]
    blk = pl.BlockSpec((bx, _D), lambda i: (i, 0))
    return pl.pallas_call(
        functools.partial(_norm_body, float(count)),
        grid=(rows // bx,),
        in_specs=[blk, pl.BlockSpec((8, _D), lambda i: (0, 0))],
        out_specs=blk,
        out_shape=jax.ShapeDtypeStruct((rows, _D), jnp.float32),
    )(x, stats)



def _gather3(ktab, qtab, src, dst):
    NW = 32
    per_w = _E // NW
    CH = 64
    nfull = per_w // CH
    tail = per_w - nfull * CH
    mesh = plsc.VectorSubcoreMesh(core_axis_name="c", subcore_axis_name="s",
                                  num_cores=2, num_subcores=16)

    @functools.partial(
        pl.kernel,
        out_type=[jax.ShapeDtypeStruct((_E, 2 * _D), jnp.float32),
                  jax.ShapeDtypeStruct((_E, _D), jnp.float32)],
        mesh=mesh,
        scratch_types=[
            [pltpu.VMEM((CH,), jnp.int32)] * 2,
            [pltpu.VMEM((CH,), jnp.int32)] * 2,
            [pltpu.VMEM((CH, 2 * _D), jnp.float32)] * 2,
            [pltpu.VMEM((CH, _D), jnp.float32)] * 2,
            [pltpu.SemaphoreType.DMA] * 4,
            [pltpu.SemaphoreType.DMA] * 4,
        ])
    def kk(kv_hbm, q_hbm, src_hbm, dst_hbm, kvs_hbm, qd_hbm,
           idxs, idxd, kvrows, qrows, gsem, wsem):
        c = lax.axis_index("c")
        s = lax.axis_index("s")
        base0 = (s * 2 + c) * per_w

        def dstep(g, _):
            for b in (0, 1):
                i = 2 * g + b
                base = pl.multiple_of(base0 + i * CH, 8)

                @pl.when(g > 0)
                def _():
                    pltpu.make_async_copy(
                        kvrows[b], kvs_hbm.at[pl.ds(base, CH)],
                        wsem[2 * b]).wait()
                    pltpu.make_async_copy(
                        qrows[b], qd_hbm.at[pl.ds(base, CH)],
                        wsem[2 * b + 1]).wait()

                pltpu.sync_copy(src_hbm.at[pl.ds(base, CH)], idxs[b])
                pltpu.sync_copy(dst_hbm.at[pl.ds(base, CH)], idxd[b])
                pltpu.async_copy(kv_hbm.at[idxs[b]], kvrows[b], gsem[2 * b])
                pltpu.async_copy(q_hbm.at[idxd[b]], qrows[b],
                                 gsem[2 * b + 1])
            for b in (0, 1):
                i = 2 * g + b
                base = pl.multiple_of(base0 + i * CH, 8)
                pltpu.make_async_copy(kv_hbm.at[idxs[b]], kvrows[b],
                                      gsem[2 * b]).wait()
                pltpu.async_copy(kvrows[b], kvs_hbm.at[pl.ds(base, CH)],
                                 wsem[2 * b])
                pltpu.make_async_copy(q_hbm.at[idxd[b]], qrows[b],
                                      gsem[2 * b + 1]).wait()
                pltpu.async_copy(qrows[b], qd_hbm.at[pl.ds(base, CH)],
                                 wsem[2 * b + 1])
            return 0

        lax.fori_loop(0, nfull // 2, dstep, 0)
        for b in (0, 1):
            base = pl.multiple_of(base0, 8)
            pltpu.make_async_copy(kvrows[b], kvs_hbm.at[pl.ds(base, CH)],
                                  wsem[2 * b]).wait()
            pltpu.make_async_copy(qrows[b], qd_hbm.at[pl.ds(base, CH)],
                                  wsem[2 * b + 1]).wait()
        tb = pl.multiple_of(base0 + nfull * CH, 8)
        pltpu.sync_copy(src_hbm.at[pl.ds(tb, tail)],
                        idxs[0].at[pl.ds(0, tail)])
        pltpu.sync_copy(dst_hbm.at[pl.ds(tb, tail)],
                        idxd[0].at[pl.ds(0, tail)])
        pltpu.async_copy(kv_hbm.at[idxs[0].at[pl.ds(0, tail)]],
                         kvrows[0].at[pl.ds(0, tail)], gsem[0]).wait()
        pltpu.sync_copy(kvrows[0].at[pl.ds(0, tail)],
                        kvs_hbm.at[pl.ds(tb, tail)])
        pltpu.async_copy(q_hbm.at[idxd[0].at[pl.ds(0, tail)]],
                         qrows[0].at[pl.ds(0, tail)], gsem[1]).wait()
        pltpu.sync_copy(qrows[0].at[pl.ds(0, tail)],
                        qd_hbm.at[pl.ds(tb, tail)])

    return kk(ktab, qtab, src, dst)


_WIN = 640
_ZR = 40


def _win_start(s):
    return pl.multiple_of(
        jnp.minimum(s * (_N // 16) - lax.rem(s, 8), _N - _WIN), 8)


def _zero_rows(zbuf, acc, start):
    def zrow(i, _):
        def zlane(j, _):
            zbuf[i, pl.ds(j * 16, 16)] = jnp.zeros((16,), jnp.float32)
            return 0
        lax.fori_loop(0, 8, zlane, 0)
        return 0

    lax.fori_loop(0, _ZR, zrow, 0)

    def zcp(i, _):
        off = pl.multiple_of(start + i * _ZR, 8)
        pltpu.sync_copy(zbuf, acc.at[pl.ds(off, _ZR)])
        return 0

    lax.fori_loop(0, _WIN // _ZR, zcp, 0)


def _scatter_wv(wv, dst):
    per_s = _E // 16
    CH = 80
    nchunk = per_s // CH
    mesh = plsc.VectorSubcoreMesh(core_axis_name="c", subcore_axis_name="s",
                                  num_cores=2, num_subcores=16)

    @functools.partial(
        pl.kernel,
        out_type=jax.ShapeDtypeStruct((_N, _D), jnp.float32),
        mesh=mesh,
        scratch_types=[
            pltpu.VMEM_SHARED((_N, 128), jnp.float32),
            pltpu.VMEM((_ZR, 128), jnp.float32),
            [pltpu.VMEM((CH, 128), jnp.float32)] * 2,
            [pltpu.VMEM((CH,), jnp.int32)] * 2,
            [pltpu.SemaphoreType.DMA] * 2,
            [pltpu.SemaphoreType.DMA] * 2,
            [pltpu.SemaphoreType.DMA] * 2,
        ])
    def kk(wv_hbm, dst_hbm, out_hbm, acc, zbuf, buf, idxb, psem, isem, ssem):
        c = lax.axis_index("c")
        s = lax.axis_index("s")
        coff = c * 128
        start = _win_start(s)
        _zero_rows(zbuf, acc, start)
        plsc.subcore_barrier()
        base0 = s * per_s

        def dstep(g, _):
            for b in (0, 1):
                i = 2 * g + b
                base = pl.multiple_of(base0 + i * CH, 8)

                @pl.when(g > 0)
                def _():
                    pltpu.make_async_copy(buf[b], acc.at[idxb[b]],
                                          ssem[b]).wait()

                pltpu.async_copy(dst_hbm.at[pl.ds(base, CH)], idxb[b],
                                 isem[b])
                pltpu.async_copy(
                    wv_hbm.at[pl.ds(base, CH), pl.ds(coff, 128)],
                    buf[b], psem[b])
            for b in (0, 1):
                i = 2 * g + b
                base = pl.multiple_of(base0 + i * CH, 8)
                pltpu.make_async_copy(dst_hbm.at[pl.ds(base, CH)], idxb[b],
                                      isem[b]).wait()
                pltpu.make_async_copy(
                    wv_hbm.at[pl.ds(base, CH), pl.ds(coff, 128)],
                    buf[b], psem[b]).wait()
                pltpu.async_copy(buf[b], acc.at[idxb[b]], ssem[b], add=True)
            return 0

        lax.fori_loop(0, nchunk // 2, dstep, 0)
        lb = pl.multiple_of(base0 + (nchunk - 1) * CH, 8)
        pltpu.make_async_copy(buf[0], acc.at[idxb[0]], ssem[0]).wait()
        pltpu.sync_copy(dst_hbm.at[pl.ds(lb, CH)], idxb[0])
        pltpu.sync_copy(wv_hbm.at[pl.ds(lb, CH), pl.ds(coff, 128)], buf[0])
        pltpu.async_copy(buf[0], acc.at[idxb[0]], ssem[0], add=True)
        pltpu.make_async_copy(buf[0], acc.at[idxb[0]], ssem[0]).wait()
        pltpu.make_async_copy(buf[1], acc.at[idxb[1]], ssem[1]).wait()
        plsc.subcore_barrier()
        pltpu.sync_copy(acc.at[pl.ds(start, _WIN)],
                        out_hbm.at[pl.ds(start, _WIN), pl.ds(coff, 128)])

    return kk(wv, dst)


def _scatter_z(sexp128, dst):
    half = _E // 2
    per_s = half // 16
    CH = 40
    nchunk = per_s // CH
    mesh = plsc.VectorSubcoreMesh(core_axis_name="c", subcore_axis_name="s",
                                  num_cores=2, num_subcores=16)

    @functools.partial(
        pl.kernel,
        out_type=[jax.ShapeDtypeStruct((_N, 128), jnp.float32),
                  jax.ShapeDtypeStruct((_N, 128), jnp.float32)],
        mesh=mesh,
        scratch_types=[
            pltpu.VMEM_SHARED((_N, 128), jnp.float32),
            pltpu.VMEM((_ZR, 128), jnp.float32),
            [pltpu.VMEM((CH, 128), jnp.float32)] * 2,
            [pltpu.VMEM((CH,), jnp.int32)] * 2,
            [pltpu.SemaphoreType.DMA] * 2,
            [pltpu.SemaphoreType.DMA] * 2,
            [pltpu.SemaphoreType.DMA] * 2,
        ])
    def kk(se_hbm, dst_hbm, outa_hbm, outb_hbm, acc, zbuf, buf, idxb,
           psem, isem, ssem):
        c = lax.axis_index("c")
        s = lax.axis_index("s")
        start = _win_start(s)
        _zero_rows(zbuf, acc, start)
        plsc.subcore_barrier()
        base0 = c * half + s * per_s

        def dstep(g, _):
            for b in (0, 1):
                i = 2 * g + b
                base = pl.multiple_of(base0 + i * CH, 8)

                @pl.when(g > 0)
                def _():
                    pltpu.make_async_copy(buf[b], acc.at[idxb[b]],
                                          ssem[b]).wait()

                pltpu.async_copy(dst_hbm.at[pl.ds(base, CH)], idxb[b],
                                 isem[b])
                pltpu.async_copy(se_hbm.at[pl.ds(base, CH)], buf[b],
                                 psem[b])
            for b in (0, 1):
                i = 2 * g + b
                base = pl.multiple_of(base0 + i * CH, 8)
                pltpu.make_async_copy(dst_hbm.at[pl.ds(base, CH)], idxb[b],
                                      isem[b]).wait()
                pltpu.make_async_copy(se_hbm.at[pl.ds(base, CH)], buf[b],
                                      psem[b]).wait()
                pltpu.async_copy(buf[b], acc.at[idxb[b]], ssem[b], add=True)
            return 0

        lax.fori_loop(0, nchunk // 2, dstep, 0)
        lb = pl.multiple_of(base0 + (nchunk - 1) * CH, 8)
        pltpu.make_async_copy(buf[0], acc.at[idxb[0]], ssem[0]).wait()
        pltpu.sync_copy(dst_hbm.at[pl.ds(lb, CH)], idxb[0])
        pltpu.sync_copy(se_hbm.at[pl.ds(lb, CH)], buf[0])
        pltpu.async_copy(buf[0], acc.at[idxb[0]], ssem[0], add=True)
        pltpu.make_async_copy(buf[0], acc.at[idxb[0]], ssem[0]).wait()
        pltpu.make_async_copy(buf[1], acc.at[idxb[1]], ssem[1]).wait()
        plsc.subcore_barrier()

        @pl.when(c == 0)
        def _():
            pltpu.sync_copy(acc.at[pl.ds(start, _WIN)],
                            outa_hbm.at[pl.ds(start, _WIN)])

        @pl.when(c == 1)
        def _():
            pltpu.sync_copy(acc.at[pl.ds(start, _WIN)],
                            outb_hbm.at[pl.ds(start, _WIN)])

    return kk(sexp128, dst)



def kernel(h, e, edge_index, Wq, Wk, Wv, We, Wo_h, bo_h, Wo_e, bo_e,
           W1h, b1h, W2h, b2h, W1e, b1e, W2e, b2e):
    src = edge_index[0].astype(jnp.int32)
    dst = edge_index[1].astype(jnp.int32)
    heads = jnp.arange(_D, dtype=jnp.int32) // _DH
    hsum = (heads[:, None] == jnp.arange(_H, dtype=jnp.int32)[None, :]
            ).astype(jnp.float32)
    hexp = hsum.T
    j8 = jnp.arange(128, dtype=jnp.int32) // 8
    hrep = (jnp.arange(_H, dtype=jnp.int32)[:, None] == j8[None, :]
            ).astype(jnp.float32)
    zsel = (j8[:, None] == heads[None, :]).astype(jnp.float32) * (1.0 / 8.0)
    bo_h2 = bo_h.reshape(1, _D)
    bo_e2 = bo_e.reshape(1, _D)

    q, kv = _qkv(h, Wq, Wk, Wv)
    kvsrc, qdst = _gather3(kv, q, src, dst)
    eo, wv, sexp128, stats_e = _edge1(e, kvsrc, qdst, We, Wo_e, bo_e2,
                                      hsum, hexp, hrep)
    wV = _scatter_wv(wv, dst)
    za, zb = _scatter_z(sexp128, dst)
    ho, stats_h = _node1(wV, za, zb, h, Wo_h, bo_h2, zsel)
    pre2_h, stats2_h = _ffn(ho, stats_h, _N, W1h, b1h.reshape(1, 2 * _D),
                            W2h, b2h.reshape(1, _D), 1000)
    pre2_e, stats2_e = _ffn(eo, stats_e, _E, W1e, b1e.reshape(1, 2 * _D),
                            W2e, b2e.reshape(1, _D), 1600)
    hh = _norm(pre2_h, stats2_h, _N, 1000)
    ee = _norm(pre2_e, stats2_e, _E, 1600)
    return (hh, ee)

# --- scband reference (transcript-rebuilt; emitter-appended) ---
"""Pipeline reference for scband-weighted-graph-transformer-layer-33088428049201 (READ-ONLY COPY).

The authoritative reference and input builder live on the scoring server;
editing this copy changes nothing except your own understanding.
"""

import jax, jax.numpy as jnp
import numpy as np

N = 10000
E = 160000
D = 256
H = 16
DH = D // H


def _bn(x):
    mu = jnp.mean(x, axis=0, keepdims=True)
    var = jnp.var(x, axis=0, keepdims=True)
    return (x - mu) / jnp.sqrt(var + 1e-5)


def setup_inputs(seed: int = 0) -> dict:
    key = jax.random.key(seed)
    ks = jax.random.split(key, 24)
    s = 0.05
    inp = {
        'h': jax.random.normal(ks[0], (N, D), jnp.float32),
        'e': jax.random.normal(ks[1], (E, D), jnp.float32),
        'edge_index': jax.random.randint(ks[2], (2, E), 0, N),
        'Wq': jax.random.normal(ks[3], (D, D), jnp.float32) * s,
        'Wk': jax.random.normal(ks[4], (D, D), jnp.float32) * s,
        'Wv': jax.random.normal(ks[5], (D, D), jnp.float32) * s,
        'We': jax.random.normal(ks[6], (D, D), jnp.float32) * s,
        'Wo_h': jax.random.normal(ks[7], (D, D), jnp.float32) * s,
        'bo_h': jnp.zeros((D,), jnp.float32),
        'Wo_e': jax.random.normal(ks[8], (D, D), jnp.float32) * s,
        'bo_e': jnp.zeros((D,), jnp.float32),
        'W1h': jax.random.normal(ks[9], (D, 2 * D), jnp.float32) * s,
        'b1h': jnp.zeros((2 * D,), jnp.float32),
        'W2h': jax.random.normal(ks[10], (2 * D, D), jnp.float32) * s,
        'b2h': jnp.zeros((D,), jnp.float32),
        'W1e': jax.random.normal(ks[11], (D, 2 * D), jnp.float32) * s,
        'b1e': jnp.zeros((2 * D,), jnp.float32),
        'W2e': jax.random.normal(ks[12], (2 * D, D), jnp.float32) * s,
        'b2e': jnp.zeros((D,), jnp.float32),
    }
    return inp


def reference(h, e, edge_index, Wq, Wk, Wv, We, Wo_h, bo_h, Wo_e, bo_e,
              W1h, b1h, W2h, b2h, W1e, b1e, W2e, b2e):
    src = edge_index[0]
    dst = edge_index[1]
    # multi-head attention (use_bias=False)
    Q = (h @ Wq).reshape(N, H, DH)
    K = (h @ Wk).reshape(N, H, DH)
    V = (h @ Wv).reshape(N, H, DH)
    pe = (e @ We).reshape(E, H, DH)
    # src_dot_dst -> elementwise K_src * Q_dst; scale; multiply explicit edge feats
    score = (K[src] * Q[dst]) / np.sqrt(DH)
    score = score * pe
    e_out = score  # out_edge_features before exp
    sexp = jnp.exp(jnp.clip(jnp.sum(score, axis=-1, keepdims=True), -5.0, 5.0))
    wV = jax.ops.segment_sum(V[src] * sexp, dst, num_segments=N)
    z = jax.ops.segment_sum(sexp, dst, num_segments=N)
    h_attn = wV / (z + 1e-6)
    hh = h_attn.reshape(N, D)
    ee = e_out.reshape(E, D)
    # O projections (bias=True by nn.Linear default)
    hh = hh @ Wo_h + bo_h
    ee = ee @ Wo_e + bo_e
    # residual 1
    hh = h + hh
    ee = e + ee
    # batch norm 1 (training-mode batch stats, affine weight=1 bias=0)
    hh = _bn(hh)
    ee = _bn(ee)
    h_in2 = hh
    e_in2 = ee
    # FFN
    hh = jnp.maximum(hh @ W1h + b1h, 0.0) @ W2h + b2h
    ee = jnp.maximum(ee @ W1e + b1e, 0.0) @ W2e + b2e
    # residual 2 + batch norm 2
    hh = _bn(h_in2 + hh)
    ee = _bn(e_in2 + ee)
    return (hh, ee)

if __name__ == "__main__":
    import jax
    _d = setup_inputs()
    print(jax.jit(kernel)(*tuple(_d.values())))

</pallas_src>

<mosaic_0001>
#map = affine_map<(d0, d1) -> (0, 0)>
#map1 = affine_map<(d0, d1) -> (0)>
module attributes {stable_mosaic.version = 14 : i64} {
  func.func @kk(%arg0: i32, %arg1: i32, %arg2: memref<160000x128xf32, #tpu.memory_space<hbm>>, %arg3: memref<160000xi32, #tpu.memory_space<hbm>>, %arg4: memref<10000x128xf32, #tpu.memory_space<hbm>>, %arg5: memref<10000x128xf32, #tpu.memory_space<hbm>>, %arg6: memref<10000x128xf32, #tpu.memory_space<vmem_shared>>, %arg7: memref<40x128xf32, #tpu.memory_space<vmem>>, %arg8: memref<40x128xf32, #tpu.memory_space<vmem>>, %arg9: memref<40x128xf32, #tpu.memory_space<vmem>>, %arg10: memref<40xi32, #tpu.memory_space<vmem>>, %arg11: memref<40xi32, #tpu.memory_space<vmem>>, %arg12: memref<!tpu.dma_semaphore, #tpu.memory_space<semaphore_mem>>, %arg13: memref<!tpu.dma_semaphore, #tpu.memory_space<semaphore_mem>>, %arg14: memref<!tpu.dma_semaphore, #tpu.memory_space<semaphore_mem>>, %arg15: memref<!tpu.dma_semaphore, #tpu.memory_space<semaphore_mem>>, %arg16: memref<!tpu.dma_semaphore, #tpu.memory_space<semaphore_mem>>, %arg17: memref<!tpu.dma_semaphore, #tpu.memory_space<semaphore_mem>>) attributes {dimension_semantics = [#tpu.dimension_semantics<core_parallel>, #tpu.dimension_semantics<subcore_parallel>], iteration_bounds = array<i64: 2, 16>, scalar_prefetch = 0 : i64, scratch_operands = 12 : i64, tpu.core_type = #tpu.core_type<sc_vector_subcore>, window_params = [{transform_indices = #map}, {transform_indices = #map1}, {transform_indices = #map}, {transform_indices = #map}]} {
    %mul3A = arith.constant 625 : i32
    %mul3A_0 = arith.muli %arg1, %mul3A : i32
    %rem3A = arith.constant 8 : i32
    %rem3A_1 = arith.remsi %arg1, %rem3A : i32
    %sub3A = arith.subi %mul3A_0, %rem3A_1 : i32
    %min3A = arith.constant 9360 : i32
    %min3A_2 = arith.minsi %sub3A, %min3A : i32
    %multiple_of3A = tpu.assume_multiple %min3A_2, 8 : i32
    %scan3A = arith.constant 0 : i32
    %scan3A_3 = arith.constant 0 : i32
    %scan3A_4 = arith.constant 40 : i32
    %scan3A_5 = arith.addi %scan3A_3, %scan3A_4 : i32
    %scan3A_6 = arith.constant 1 : i32
    %scan3A_7 = scf.for %scan3A_48 = %scan3A_3 to %scan3A_5 step %scan3A_6 iter_args(%scan3A_49 = %scan3A) -> (i32)  : i32 {
      %scan3A_50 = arith.constant 0 : i32
      %scan3A_51 = arith.constant 0 : i32
      %scan3A_52 = arith.constant 8 : i32
      %scan3A_53 = arith.addi %scan3A_51, %scan3A_52 : i32
      %scan3A_54 = arith.constant 1 : i32
      %scan3A_55 = scf.for %scan3A_58 = %scan3A_51 to %scan3A_53 step %scan3A_54 iter_args(%scan3A_59 = %scan3A_50) -> (i32)  : i32 {
        %broadcast_in_dim3A = arith.constant 0.000000e+00 : f32
        %broadcast_in_dim3A_60 = vector.broadcast %broadcast_in_dim3A : f32 to vector<16xf32>
        %mul3A_61 = arith.constant 16 : i32
        %mul3A_62 = arith.muli %scan3A_58, %mul3A_61 : i32
        %swap3A = arith.index_cast %scan3A_48 : i32 to index
        %swap3A_63 = arith.index_cast %mul3A_62 : i32 to index
        %swap3A_64 = tpu.vector_load %arg7[%swap3A, %swap3A_63] {strides = array<i32>} : memref<40x128xf32, #tpu.memory_space<vmem>>, vector<1x16xf32>,
        %swap3A_65 = vector.shape_cast %swap3A_64 : vector<1x16xf32> to vector<16xf32>
        %swap3A_66 = vector.shape_cast %broadcast_in_dim3A_60 : vector<16xf32> to vector<1x16xf32>
        tpu.vector_store %arg7[%swap3A, %swap3A_63], %swap3A_66 {strides = array<i32>} : memref<40x128xf32, #tpu.memory_space<vmem>>, vector<1x16xf32>,
        %scan3A_67 = arith.constant 0 : i32
        scf.yield %scan3A_67 : i32
      }
      %scan3A_56 = arith.constant 8 : i32
      %scan3A_57 = arith.constant 0 : i32
      scf.yield %scan3A_57 : i32
    }
    %scan3A_8 = arith.constant 40 : i32
    %scan3A_9 = arith.constant 0 : i32
    %scan3A_10 = arith.constant 0 : i32
    %scan3A_11 = arith.constant 16 : i32
    %scan3A_12 = arith.addi %scan3A_10, %scan3A_11 : i32
    %scan3A_13 = arith.constant 1 : i32
    %scan3A_14 = scf.for %scan3A_48 = %scan3A_10 to %scan3A_12 step %scan3A_13 iter_args(%scan3A_49 = %scan3A_9) -> (i32)  : i32 {
      %mul3A_50 = arith.constant 40 : i32
      %mul3A_51 = arith.muli %scan3A_48, %mul3A_50 : i32
      %add3A_52 = arith.addi %multiple_of3A, %mul3A_51 : i32
      %multiple_of3A_53 = tpu.assume_multiple %add3A_52, 8 : i32
      "tpu.region"() ({
        %run_scoped3A = tpu.sem_alloc : memref<!tpu.dma_semaphore, #tpu.memory_space<semaphore_mem>>
        %dma_start3A_55 = arith.constant 0 : i32
        %dma_start3A_56 = tpu.memref_slice %arg6[%multiple_of3A_53, %dma_start3A_55] : memref<10000x128xf32, #tpu.memory_space<vmem_shared>> -> memref<40x128xf32, #tpu.memory_space<vmem_shared>>
        %dma_start3A_57 = arith.constant 0 : i32
        %dma_start3A_58 = tpu.memref_slice %arg6[%multiple_of3A_53, %dma_start3A_57] : memref<10000x128xf32, #tpu.memory_space<vmem_shared>> -> memref<40x128xf32, #tpu.memory_space<vmem_shared>>
        tpu.enqueue_dma source(%arg7 : memref<40x128xf32, #tpu.memory_space<vmem>>) target(%dma_start3A_58 : memref<40x128xf32, #tpu.memory_space<vmem_shared>>) target_semaphore(%run_scoped3A : memref<!tpu.dma_semaphore, #tpu.memory_space<semaphore_mem>>)
        %dma_wait3A_59 = arith.constant 0 : i32
        %dma_wait3A_60 = tpu.memref_slice %arg6[%multiple_of3A_53, %dma_wait3A_59] : memref<10000x128xf32, #tpu.memory_space<vmem_shared>> -> memref<40x128xf32, #tpu.memory_space<vmem_shared>>
        %dma_wait3A_61 = arith.constant 0 : i32
        %dma_wait3A_62 = tpu.memref_slice %arg6[%multiple_of3A_53, %dma_wait3A_61] : memref<10000x128xf32, #tpu.memory_space<vmem_shared>> -> memref<40x128xf32, #tpu.memory_space<vmem_shared>>
        tpu.wait_dma2 semaphore(%run_scoped3A : memref<!tpu.dma_semaphore, #tpu.memory_space<semaphore_mem>>) src(%arg7 : memref<40x128xf32, #tpu.memory_space<vmem>>) dst(%dma_wait3A_62 : memref<40x128xf32, #tpu.memory_space<vmem_shared>>)
        tpu.yield
      }) : () -> ()
      %scan3A_54 = arith.constant 0 : i32
      scf.yield %scan3A_54 : i32
    }
    %scan3A_15 = arith.constant 16 : i32
    %barrier3A = arith.constant 0 : index
    tpu.barrier barrier_id(%barrier3A)
    %mul3A_16 = arith.constant 80000 : i32
    %mul3A_17 = arith.muli %arg0, %mul3A_16 : i32
    %mul3A_18 = arith.constant 5000 : i32
    %mul3A_19 = arith.muli %arg1, %mul3A_18 : i32
    %add3A = arith.addi %mul3A_17, %mul3A_19 : i32
    %scan3A_20 = arith.constant 0 : i32
    %scan3A_21 = arith.constant 0 : i32
    %scan3A_22 = arith.constant 62 : i32
    %scan3A_23 = arith.addi %scan3A_21, %scan3A_22 : i32
    %scan3A_24 = arith.constant 1 : i32
    %scan3A_25 = scf.for %scan3A_48 = %scan3A_21 to %scan3A_23 step %scan3A_24 iter_args(%scan3A_49 = %scan3A_20) -> (i32)  : i32 {
      %mul3A_50 = arith.constant 2 : i32
      %mul3A_51 = arith.muli %mul3A_50, %scan3A_48 : i32
      %add3A_52 = arith.constant 0 : i32
      %add3A_53 = arith.addi %mul3A_51, %add3A_52 : i32
      %mul3A_54 = arith.constant 40 : i32
      %mul3A_55 = arith.muli %add3A_53, %mul3A_54 : i32
      %add3A_56 = arith.addi %add3A, %mul3A_55 : i32
      %multiple_of3A_57 = tpu.assume_multiple %add3A_56, 8 : i32
      %gt3A = arith.constant 0 : i32
      %gt3A_58 = arith.cmpi sgt, %scan3A_48, %gt3A : i32
      %convert_element_type3A_59 = arith.extui %gt3A_58 : i1 to i32
      %cond3A_60 = arith.constant 0 : i32
      %cond3A_61 = arith.cmpi ne, %convert_element_type3A_59, %cond3A_60 : i32
      scf.if %cond3A_61 {
        %dma_wait3A_122 = arith.constant 0 : i32
        %dma_wait3A_123 = arith.constant 0 : i32
        %dma_wait3A_124 = tpu.memref_slice %arg6[%dma_wait3A_122, %dma_wait3A_123] : memref<10000x128xf32, #tpu.memory_space<vmem_shared>> -> memref<10000x128xf32, #tpu.memory_space<vmem_shared>>
        tpu.wait_indirect_dma semaphore(%arg16 : memref<!tpu.dma_semaphore, #tpu.memory_space<semaphore_mem>>) src(%arg8 : memref<40x128xf32, #tpu.memory_space<vmem>>) dst(%dma_wait3A_124 : memref<10000x128xf32, #tpu.memory_space<vmem_shared>>)
      } else {
      }
      %dma_start3A_62 = tpu.memref_slice %arg3[%multiple_of3A_57] : memref<160000xi32, #tpu.memory_space<hbm>> -> memref<40xi32, #tpu.memory_space<hbm>>
      %dma_start3A_63 = tpu.memref_slice %arg3[%multiple_of3A_57] : memref<160000xi32, #tpu.memory_space<hbm>> -> memref<40xi32, #tpu.memory_space<hbm>>
      tpu.enqueue_dma source(%dma_start3A_63 : memref<40xi32, #tpu.memory_space<hbm>>) target(%arg10 : memref<40xi32, #tpu.memory_space<vmem>>) target_semaphore(%arg14 : memref<!tpu.dma_semaphore, #tpu.memory_space<semaphore_mem>>)
      %dma_start3A_64 = arith.constant 0 : i32
      %dma_start3A_65 = tpu.memref_slice %arg2[%multiple_of3A_57, %dma_start3A_64] : memref<160000x128xf32, #tpu.memory_space<hbm>> -> memref<40x128xf32, #tpu.memory_space<hbm>>
      %dma_start3A_66 = arith.constant 0 : i32
      %dma_start3A_67 = tpu.memref_slice %arg2[%multiple_of3A_57, %dma_start3A_66] : memref<160000x128xf32, #tpu.memory_space<hbm>> -> memref<40x128xf32, #tpu.memory_space<hbm>>
      tpu.enqueue_dma source(%dma_start3A_67 : memref<40x128xf32, #tpu.memory_space<hbm>>) target(%arg8 : memref<40x128xf32, #tpu.memory_space<vmem>>) target_semaphore(%arg12 : memref<!tpu.dma_semaphore, #tpu.memory_space<semaphore_mem>>)
      %mul3A_68 = arith.constant 2 : i32
      %mul3A_69 = arith.muli %mul3A_68, %scan3A_48 : i32
      %add3A_70 = arith.constant 1 : i32
      %add3A_71 = arith.addi %mul3A_69, %add3A_70 : i32
      %mul3A_72 = arith.constant 40 : i32
      %mul3A_73 = arith.muli %add3A_71, %mul3A_72 : i32
      %add3A_74 = arith.addi %add3A, %mul3A_73 : i32
      %multiple_of3A_75 = tpu.assume_multiple %add3A_74, 8 : i32
      %gt3A_76 = arith.constant 0 : i32
      %gt3A_77 = arith.cmpi sgt, %scan3A_48, %gt3A_76 : i32
      %convert_element_type3A_78 = arith.extui %gt3A_77 : i1 to i32
      %cond3A_79 = arith.constant 0 : i32
      %cond3A_80 = arith.cmpi ne, %convert_element_type3A_78, %cond3A_79 : i32
      scf.if %cond3A_80 {
        %dma_wait3A_122 = arith.constant 0 : i32
        %dma_wait3A_123 = arith.constant 0 : i32
        %dma_wait3A_124 = tpu.memref_slice %arg6[%dma_wait3A_122, %dma_wait3A_123] : memref<10000x128xf32, #tpu.memory_space<vmem_shared>> -> memref<10000x128xf32, #tpu.memory_space<vmem_shared>>
        tpu.wait_indirect_dma semaphore(%arg17 : memref<!tpu.dma_semaphore, #tpu.memory_space<semaphore_mem>>) src(%arg9 : memref<40x128xf32, #tpu.memory_space<vmem>>) dst(%dma_wait3A_124 : memref<10000x128xf32, #tpu.memory_space<vmem_shared>>)
      } else {
      }
      %dma_start3A_81 = tpu.memref_slice %arg3[%multiple_of3A_75] : memref<160000xi32, #tpu.memory_space<hbm>> -> memref<40xi32, #tpu.memory_space<hbm>>
      %dma_start3A_82 = tpu.memref_slice %arg3[%multiple_of3A_75] : memref<160000xi32, #tpu.memory_space<hbm>> -> memref<40xi32, #tpu.memory_space<hbm>>
      tpu.enqueue_dma source(%dma_start3A_82 : memref<40xi32, #tpu.memory_space<hbm>>) target(%arg11 : memref<40xi32, #tpu.memory_space<vmem>>) target_semaphore(%arg15 : memref<!tpu.dma_semaphore, #tpu.memory_space<semaphore_mem>>)
      %dma_start3A_83 = arith.constant 0 : i32
      %dma_start3A_84 = tpu.memref_slice %arg2[%multiple_of3A_75, %dma_start3A_83] : memref<160000x128xf32, #tpu.memory_space<hbm>> -> memref<40x128xf32, #tpu.memory_space<hbm>>
      %dma_start3A_85 = arith.constant 0 : i32
      %dma_start3A_86 = tpu.memref_slice %arg2[%multiple_of3A_75, %dma_start3A_85] : memref<160000x128xf32, #tpu.memory_space<hbm>> -> memref<40x128xf32, #tpu.memory_space<hbm>>
      tpu.enqueue_dma source(%dma_start3A_86 : memref<40x128xf32, #tpu.memory_space<hbm>>) target(%arg9 : memref<40x128xf32, #tpu.memory_space<vmem>>) target_semaphore(%arg13 : memref<!tpu.dma_semaphore, #tpu.memory_space<semaphore_mem>>)
      %mul3A_87 = arith.constant 2 : i32
      %mul3A_88 = arith.muli %mul3A_87, %scan3A_48 : i32
      %add3A_89 = arith.constant 0 : i32
      %add3A_90 = arith.addi %mul3A_88, %add3A_89 : i32
      %mul3A_91 = arith.constant 40 : i32
      %mul3A_92 = arith.muli %add3A_90, %mul3A_91 : i32
      %add3A_93 = arith.addi %add3A, %mul3A_92 : i32
      %multiple_of3A_94 = tpu.assume_multiple %add3A_93, 8 : i32
      %dma_wait3A_95 = tpu.memref_slice %arg3[%multiple_of3A_94] : memref<160000xi32, #tpu.memory_space<hbm>> -> memref<40xi32, #tpu.memory_space<hbm>>
      %dma_wait3A_96 = tpu.memref_slice %arg3[%multiple_of3A_94] : memref<160000xi32, #tpu.memory_space<hbm>> -> memref<40xi32, #tpu.memory_space<hbm>>
      tpu.wait_dma2 semaphore(%arg14 : memref<!tpu.dma_semaphore, #tpu.memory_space<semaphore_mem>>) src(%dma_wait3A_96 : memref<40xi32, #tpu.memory_space<hbm>>) dst(%arg10 : memref<40xi32, #tpu.memory_space<vmem>>)
      %dma_wait3A_97 = arith.constant 0 : i32
      %dma_wait3A_98 = tpu.memref_slice %arg2[%multiple_of3A_94, %dma_wait3A_97] : memref<160000x128xf32, #tpu.memory_space<hbm>> -> memref<40x128xf32, #tpu.memory_space<hbm>>
      %dma_wait3A_99 = arith.constant 0 : i32
      %dma_wait3A_100 = tpu.memref_slice %arg2[%multiple_of3A_94, %dma_wait3A_99] : memref<160000x128xf32, #tpu.memory_space<hbm>> -> memref<40x128xf32, #tpu.memory_space<hbm>>
      tpu.wait_dma2 semaphore(%arg12 : memref<!tpu.dma_semaphore, #tpu.memory_space<semaphore_mem>>) src(%dma_wait3A_100 : memref<40x128xf32, #tpu.memory_space<hbm>>) dst(%arg8 : memref<40x128xf32, #tpu.memory_space<vmem>>)
      %dma_start3A_101 = arith.constant 0 : i32
      %dma_start3A_102 = arith.constant 0 : i32
      %dma_start3A_103 = tpu.memref_slice %arg6[%dma_start3A_101, %dma_start3A_102] : memref<10000x128xf32, #tpu.memory_space<vmem_shared>> -> memref<10000x128xf32, #tpu.memory_space<vmem_shared>>
      tpu.enqueue_indirect_dma source(%arg8 : memref<40x128xf32, #tpu.memory_space<vmem>>) target(%dma_start3A_103 : memref<10000x128xf32, #tpu.memory_space<vmem_shared>>) offsets(%arg10 : memref<40xi32, #tpu.memory_space<vmem>>) semaphore(%arg16 : memref<!tpu.dma_semaphore, #tpu.memory_space<semaphore_mem>>) {add = true}
      %mul3A_104 = arith.constant 2 : i32
      %mul3A_105 = arith.muli %mul3A_104, %scan3A_48 : i32
      %add3A_106 = arith.constant 1 : i32
      %add3A_107 = arith.addi %mul3A_105, %add3A_106 : i32
      %mul3A_108 = arith.constant 40 : i32
      %mul3A_109 = arith.muli %add3A_107, %mul3A_108 : i32
      %add3A_110 = arith.addi %add3A, %mul3A_109 : i32
      %multiple_of3A_111 = tpu.assume_multiple %add3A_110, 8 : i32
      %dma_wait3A_112 = tpu.memref_slice %arg3[%multiple_of3A_111] : memref<160000xi32, #tpu.memory_space<hbm>> -> memref<40xi32, #tpu.memory_space<hbm>>
      %dma_wait3A_113 = tpu.memref_slice %arg3[%multiple_of3A_111] : memref<160000xi32, #tpu.memory_space<hbm>> -> memref<40xi32, #tpu.memory_space<hbm>>
      tpu.wait_dma2 semaphore(%arg15 : memref<!tpu.dma_semaphore, #tpu.memory_space<semaphore_mem>>) src(%dma_wait3A_113 : memref<40xi32, #tpu.memory_space<hbm>>) dst(%arg11 : memref<40xi32, #tpu.memory_space<vmem>>)
      %dma_wait3A_114 = arith.constant 0 : i32
      %dma_wait3A_115 = tpu.memref_slice %arg2[%multiple_of3A_111, %dma_wait3A_114] : memref<160000x128xf32, #tpu.memory_space<hbm>> -> memref<40x128xf32, #tpu.memory_space<hbm>>
      %dma_wait3A_116 = arith.constant 0 : i32
      %dma_wait3A_117 = tpu.memref_slice %arg2[%multiple_of3A_111, %dma_wait3A_116] : memref<160000x128xf32, #tpu.memory_space<hbm>> -> memref<40x128xf32, #tpu.memory_space<hbm>>
      tpu.wait_dma2 semaphore(%arg13 : memref<!tpu.dma_semaphore, #tpu.memory_space<semaphore_mem>>) src(%dma_wait3A_117 : memref<40x128xf32, #tpu.memory_space<hbm>>) dst(%arg9 : memref<40x128xf32, #tpu.memory_space<vmem>>)
      %dma_start3A_118 = arith.constant 0 : i32
      %dma_start3A_119 = arith.constant 0 : i32
      %dma_start3A_120 = tpu.memref_slice %arg6[%dma_start3A_118, %dma_start3A_119] : memref<10000x128xf32, #tpu.memory_space<vmem_shared>> -> memref<10000x128xf32, #tpu.memory_space<vmem_shared>>
      tpu.enqueue_indirect_dma source(%arg9 : memref<40x128xf32, #tpu.memory_space<vmem>>) target(%dma_start3A_120 : memref<10000x128xf32, #tpu.memory_space<vmem_shared>>) offsets(%arg11 : memref<40xi32, #tpu.memory_space<vmem>>) semaphore(%arg17 : memref<!tpu.dma_semaphore, #tpu.memory_space<semaphore_mem>>) {add = true}
      %scan3A_121 = arith.constant 0 : i32
      scf.yield %scan3A_121 : i32
    }
    %scan3A_26 = arith.constant 62 : i32
    %add3A_27 = arith.constant 4960 : i32
    %add3A_28 = arith.addi %add3A, %add3A_27 : i32
    %multiple_of3A_29 = tpu.assume_multiple %add3A_28, 8 : i32
    %dma_wait3A = arith.constant 0 : i32
    %dma_wait3A_30 = arith.constant 0 : i32
    %dma_wait3A_31 = tpu.memref_slice %arg6[%dma_wait3A, %dma_wait3A_30] : memref<10000x128xf32, #tpu.memory_space<vmem_shared>> -> memref<10000x128xf32, #tpu.memory_space<vmem_shared>>
    tpu.wait_indirect_dma semaphore(%arg16 : memref<!tpu.dma_semaphore, #tpu.memory_space<semaphore_mem>>) src(%arg8 : memref<40x128xf32, #tpu.memory_space<vmem>>) dst(%dma_wait3A_31 : memref<10000x128xf32, #tpu.memory_space<vmem_shared>>)
    "tpu.region"() ({
      %run_scoped3A = tpu.sem_alloc : memref<!tpu.dma_semaphore, #tpu.memory_space<semaphore_mem>>
      %dma_start3A_48 = tpu.memref_slice %arg3[%multiple_of3A_29] : memref<160000xi32, #tpu.memory_space<hbm>> -> memref<40xi32, #tpu.memory_space<hbm>>
      %dma_start3A_49 = tpu.memref_slice %arg3[%multiple_of3A_29] : memref<160000xi32, #tpu.memory_space<hbm>> -> memref<40xi32, #tpu.memory_space<hbm>>
      tpu.enqueue_dma source(%dma_start3A_49 : memref<40xi32, #tpu.memory_space<hbm>>) target(%arg10 : memref<40xi32, #tpu.memory_space<vmem>>) target_semaphore(%run_scoped3A : memref<!tpu.dma_semaphore, #tpu.memory_space<semaphore_mem>>)
      %dma_wait3A_50 = tpu.memref_slice %arg3[%multiple_of3A_29] : memref<160000xi32, #tpu.memory_space<hbm>> -> memref<40xi32, #tpu.memory_space<hbm>>
      %dma_wait3A_51 = tpu.memref_slice %arg3[%multiple_of3A_29] : memref<160000xi32, #tpu.memory_space<hbm>> -> memref<40xi32, #tpu.memory_space<hbm>>
      tpu.wait_dma2 semaphore(%run_scoped3A : memref<!tpu.dma_semaphore, #tpu.memory_space<semaphore_mem>>) src(%dma_wait3A_51 : memref<40xi32, #tpu.memory_space<hbm>>) dst(%arg10 : memref<40xi32, #tpu.memory_space<vmem>>)
      tpu.yield
    }) : () -> ()
    "tpu.region"() ({
      %run_scoped3A = tpu.sem_alloc : memref<!tpu.dma_semaphore, #tpu.memory_space<semaphore_mem>>
      %dma_start3A_48 = arith.constant 0 : i32
      %dma_start3A_49 = tpu.memref_slice %arg2[%multiple_of3A_29, %dma_start3A_48] : memref<160000x128xf32, #tpu.memory_space<hbm>> -> memref<40x128xf32, #tpu.memory_space<hbm>>
      %dma_start3A_50 = arith.constant 0 : i32
      %dma_start3A_51 = tpu.memref_slice %arg2[%multiple_of3A_29, %dma_start3A_50] : memref<160000x128xf32, #tpu.memory_space<hbm>> -> memref<40x128xf32, #tpu.memory_space<hbm>>
      tpu.enqueue_dma source(%dma_start3A_51 : memref<40x128xf32, #tpu.memory_space<hbm>>) target(%arg8 : memref<40x128xf32, #tpu.memory_space<vmem>>) target_semaphore(%run_scoped3A : memref<!tpu.dma_semaphore, #tpu.memory_space<semaphore_mem>>)
      %dma_wait3A_52 = arith.constant 0 : i32
      %dma_wait3A_53 = tpu.memref_slice %arg2[%multiple_of3A_29, %dma_wait3A_52] : memref<160000x128xf32, #tpu.memory_space<hbm>> -> memref<40x128xf32, #tpu.memory_space<hbm>>
      %dma_wait3A_54 = arith.constant 0 : i32
      %dma_wait3A_55 = tpu.memref_slice %arg2[%multiple_of3A_29, %dma_wait3A_54] : memref<160000x128xf32, #tpu.memory_space<hbm>> -> memref<40x128xf32, #tpu.memory_space<hbm>>
      tpu.wait_dma2 semaphore(%run_scoped3A : memref<!tpu.dma_semaphore, #tpu.memory_space<semaphore_mem>>) src(%dma_wait3A_55 : memref<40x128xf32, #tpu.memory_space<hbm>>) dst(%arg8 : memref<40x128xf32, #tpu.memory_space<vmem>>)
      tpu.yield
    }) : () -> ()
    %dma_start3A = arith.constant 0 : i32
    %dma_start3A_32 = arith.constant 0 : i32
    %dma_start3A_33 = tpu.memref_slice %arg6[%dma_start3A, %dma_start3A_32] : memref<10000x128xf32, #tpu.memory_space<vmem_shared>> -> memref<10000x128xf32, #tpu.memory_space<vmem_shared>>
    tpu.enqueue_indirect_dma source(%arg8 : memref<40x128xf32, #tpu.memory_space<vmem>>) target(%dma_start3A_33 : memref<10000x128xf32, #tpu.memory_space<vmem_shared>>) offsets(%arg10 : memref<40xi32, #tpu.memory_space<vmem>>) semaphore(%arg16 : memref<!tpu.dma_semaphore, #tpu.memory_space<semaphore_mem>>) {add = true}
    %dma_wait3A_34 = arith.constant 0 : i32
    %dma_wait3A_35 = arith.constant 0 : i32
    %dma_wait3A_36 = tpu.memref_slice %arg6[%dma_wait3A_34, %dma_wait3A_35] : memref<10000x128xf32, #tpu.memory_space<vmem_shared>> -> memref<10000x128xf32, #tpu.memory_space<vmem_shared>>
    tpu.wait_indirect_dma semaphore(%arg16 : memref<!tpu.dma_semaphore, #tpu.memory_space<semaphore_mem>>) src(%arg8 : memref<40x128xf32, #tpu.memory_space<vmem>>) dst(%dma_wait3A_36 : memref<10000x128xf32, #tpu.memory_space<vmem_shared>>)
    %dma_wait3A_37 = arith.constant 0 : i32
    %dma_wait3A_38 = arith.constant 0 : i32
    %dma_wait3A_39 = tpu.memref_slice %arg6[%dma_wait3A_37, %dma_wait3A_38] : memref<10000x128xf32, #tpu.memory_space<vmem_shared>> -> memref<10000x128xf32, #tpu.memory_space<vmem_shared>>
    tpu.wait_indirect_dma semaphore(%arg17 : memref<!tpu.dma_semaphore, #tpu.memory_space<semaphore_mem>>) src(%arg9 : memref<40x128xf32, #tpu.memory_space<vmem>>) dst(%dma_wait3A_39 : memref<10000x128xf32, #tpu.memory_space<vmem_shared>>)
    %barrier3A_40 = arith.constant 0 : index
    tpu.barrier barrier_id(%barrier3A_40)
    %eq3A = arith.constant 0 : i32
    %eq3A_41 = arith.cmpi eq, %arg0, %eq3A : i32
    %convert_element_type3A = arith.extui %eq3A_41 : i1 to i32
    %cond3A = arith.constant 0 : i32
    %cond3A_42 = arith.cmpi ne, %convert_element_type3A, %cond3A : i32
    scf.if %cond3A_42 {
      "tpu.region"() ({
        %run_scoped3A = tpu.sem_alloc : memref<!tpu.dma_semaphore, #tpu.memory_space<semaphore_mem>>
        %dma_start3A_48 = arith.constant 0 : i32
        %dma_start3A_49 = tpu.memref_slice %arg4[%multiple_of3A, %dma_start3A_48] : memref<10000x128xf32, #tpu.memory_space<hbm>> -> memref<640x128xf32, #tpu.memory_space<hbm>>
        %dma_start3A_50 = arith.constant 0 : i32
        %dma_start3A_51 = tpu.memref_slice %arg6[%multiple_of3A, %dma_start3A_50] : memref<10000x128xf32, #tpu.memory_space<vmem_shared>> -> memref<640x128xf32, #tpu.memory_space<vmem_shared>>
        tpu.enqueue_dma source(%dma_start3A_51 : memref<640x128xf32, #tpu.memory_space<vmem_shared>>) target(%dma_start3A_49 : memref<640x128xf32, #tpu.memory_space<hbm>>) target_semaphore(%run_scoped3A : memref<!tpu.dma_semaphore, #tpu.memory_space<semaphore_mem>>)
        %dma_wait3A_52 = arith.constant 0 : i32
        %dma_wait3A_53 = tpu.memref_slice %arg4[%multiple_of3A, %dma_wait3A_52] : memref<10000x128xf32, #tpu.memory_space<hbm>> -> memref<640x128xf32, #tpu.memory_space<hbm>>
        %dma_wait3A_54 = arith.constant 0 : i32
        %dma_wait3A_55 = tpu.memref_slice %arg6[%multiple_of3A, %dma_wait3A_54] : memref<10000x128xf32, #tpu.memory_space<vmem_shared>> -> memref<640x128xf32, #tpu.memory_space<vmem_shared>>
        tpu.wait_dma2 semaphore(%run_scoped3A : memref<!tpu.dma_semaphore, #tpu.memory_space<semaphore_mem>>) src(%dma_wait3A_55 : memref<640x128xf32, #tpu.memory_space<vmem_shared>>) dst(%dma_wait3A_53 : memref<640x128xf32, #tpu.memory_space<hbm>>)
        tpu.yield
      }) : () -> ()
    } else {
    }
    %eq3A_43 = arith.constant 1 : i32
    %eq3A_44 = arith.cmpi eq, %arg0, %eq3A_43 : i32
    %convert_element_type3A_45 = arith.extui %eq3A_44 : i1 to i32
    %cond3A_46 = arith.constant 0 : i32
    %cond3A_47 = arith.cmpi ne, %convert_element_type3A_45, %cond3A_46 : i32
    scf.if %cond3A_47 {
      "tpu.region"() ({
        %run_scoped3A = tpu.sem_alloc : memref<!tpu.dma_semaphore, #tpu.memory_space<semaphore_mem>>
        %dma_start3A_48 = arith.constant 0 : i32
        %dma_start3A_49 = tpu.memref_slice %arg5[%multiple_of3A, %dma_start3A_48] : memref<10000x128xf32, #tpu.memory_space<hbm>> -> memref<640x128xf32, #tpu.memory_space<hbm>>
        %dma_start3A_50 = arith.constant 0 : i32
        %dma_start3A_51 = tpu.memref_slice %arg6[%multiple_of3A, %dma_start3A_50] : memref<10000x128xf32, #tpu.memory_space<vmem_shared>> -> memref<640x128xf32, #tpu.memory_space<vmem_shared>>
        tpu.enqueue_dma source(%dma_start3A_51 : memref<640x128xf32, #tpu.memory_space<vmem_shared>>) target(%dma_start3A_49 : memref<640x128xf32, #tpu.memory_space<hbm>>) target_semaphore(%run_scoped3A : memref<!tpu.dma_semaphore, #tpu.memory_space<semaphore_mem>>)
        %dma_wait3A_52 = arith.constant 0 : i32
        %dma_wait3A_53 = tpu.memref_slice %arg5[%multiple_of3A, %dma_wait3A_52] : memref<10000x128xf32, #tpu.memory_space<hbm>> -> memref<640x128xf32, #tpu.memory_space<hbm>>
        %dma_wait3A_54 = arith.constant 0 : i32
        %dma_wait3A_55 = tpu.memref_slice %arg6[%multiple_of3A, %dma_wait3A_54] : memref<10000x128xf32, #tpu.memory_space<vmem_shared>> -> memref<640x128xf32, #tpu.memory_space<vmem_shared>>
        tpu.wait_dma2 semaphore(%run_scoped3A : memref<!tpu.dma_semaphore, #tpu.memory_space<semaphore_mem>>) src(%dma_wait3A_55 : memref<640x128xf32, #tpu.memory_space<vmem_shared>>) dst(%dma_wait3A_53 : memref<640x128xf32, #tpu.memory_space<hbm>>)
        tpu.yield
      }) : () -> ()
    } else {
    }
    return
  }
}

#map = affine_map<(d0, d1) -> (0, 0)>
#map1 = affine_map<(d0, d1) -> (0)>
module attributes {stable_mosaic.version = 14 : i64} {
  func.func @kk(%arg0: i32, %arg1: i32, %arg2: memref<10000x512xf32, #tpu.memory_space<hbm>>, %arg3: memref<10000x256xf32, #tpu.memory_space<hbm>>, %arg4: memref<160000xi32, #tpu.memory_space<hbm>>, %arg5: memref<160000xi32, #tpu.memory_space<hbm>>, %arg6: memref<160000x512xf32, #tpu.memory_space<hbm>>, %arg7: memref<160000x256xf32, #tpu.memory_space<hbm>>, %arg8: memref<64xi32, #tpu.memory_space<vmem>>, %arg9: memref<64xi32, #tpu.memory_space<vmem>>, %arg10: memref<64xi32, #tpu.memory_space<vmem>>, %arg11: memref<64xi32, #tpu.memory_space<vmem>>, %arg12: memref<64x512xf32, #tpu.memory_space<vmem>>, %arg13: memref<64x512xf32, #tpu.memory_space<vmem>>, %arg14: memref<64x256xf32, #tpu.memory_space<vmem>>, %arg15: memref<64x256xf32, #tpu.memory_space<vmem>>, %arg16: memref<!tpu.dma_semaphore, #tpu.memory_space<semaphore_mem>>, %arg17: memref<!tpu.dma_semaphore, #tpu.memory_space<semaphore_mem>>, %arg18: memref<!tpu.dma_semaphore, #tpu.memory_space<semaphore_mem>>, %arg19: memref<!tpu.dma_semaphore, #tpu.memory_space<semaphore_mem>>, %arg20: memref<!tpu.dma_semaphore, #tpu.memory_space<semaphore_mem>>, %arg21: memref<!tpu.dma_semaphore, #tpu.memory_space<semaphore_mem>>, %arg22: memref<!tpu.dma_semaphore, #tpu.memory_space<semaphore_mem>>, %arg23: memref<!tpu.dma_semaphore, #tpu.memory_space<semaphore_mem>>) attributes {dimension_semantics = [#tpu.dimension_semantics<core_parallel>, #tpu.dimension_semantics<subcore_parallel>], iteration_bounds = array<i64: 2, 16>, scalar_prefetch = 0 : i64, scratch_operands = 16 : i64, tpu.core_type = #tpu.core_type<sc_vector_subcore>, window_params = [{transform_indices = #map}, {transform_indices = #map}, {transform_indices = #map1}, {transform_indices = #map1}, {transform_indices = #map}, {transform_indices = #map}]} {
    %mul3A = arith.constant 2 : i32
    %mul3A_0 = arith.muli %arg1, %mul3A : i32
    %add3A = arith.addi %mul3A_0, %arg0 : i32
    %mul3A_1 = arith.constant 5000 : i32
    %mul3A_2 = arith.muli %add3A, %mul3A_1 : i32
    %scan3A = arith.constant 0 : i32
    %scan3A_3 = arith.constant 0 : i32
    %scan3A_4 = arith.constant 39 : i32
    %scan3A_5 = arith.addi %scan3A_3, %scan3A_4 : i32
    %scan3A_6 = arith.constant 1 : i32
    %scan3A_7 = scf.for %scan3A_59 = %scan3A_3 to %scan3A_5 step %scan3A_6 iter_args(%scan3A_60 = %scan3A) -> (i32)  : i32 {
      %mul3A_61 = arith.constant 2 : i32
      %mul3A_62 = arith.muli %mul3A_61, %scan3A_59 : i32
      %add3A_63 = arith.constant 0 : i32
      %add3A_64 = arith.addi %mul3A_62, %add3A_63 : i32
      %mul3A_65 = arith.constant 64 : i32
      %mul3A_66 = arith.muli %add3A_64, %mul3A_65 : i32
      %add3A_67 = arith.addi %mul3A_2, %mul3A_66 : i32
      %multiple_of3A_68 = tpu.assume_multiple %add3A_67, 8 : i32
      %gt3A = arith.constant 0 : i32
      %gt3A_69 = arith.cmpi sgt, %scan3A_59, %gt3A : i32
      %convert_element_type3A = arith.extui %gt3A_69 : i1 to i32
      %cond3A = arith.constant 0 : i32
      %cond3A_70 = arith.cmpi ne, %convert_element_type3A, %cond3A : i32
      scf.if %cond3A_70 {
        %dma_wait3A_141 = arith.constant 0 : i32
        %dma_wait3A_142 = tpu.memref_slice %arg6[%multiple_of3A_68, %dma_wait3A_141] : memref<160000x512xf32, #tpu.memory_space<hbm>> -> memref<64x512xf32, #tpu.memory_space<hbm>>
        %dma_wait3A_143 = arith.constant 0 : i32
        %dma_wait3A_144 = tpu.memref_slice %arg6[%multiple_of3A_68, %dma_wait3A_143] : memref<160000x512xf32, #tpu.memory_space<hbm>> -> memref<64x512xf32, #tpu.memory_space<hbm>>
        tpu.wait_dma2 semaphore(%arg20 : memref<!tpu.dma_semaphore, #tpu.memory_space<semaphore_mem>>) src(%arg12 : memref<64x512xf32, #tpu.memory_space<vmem>>) dst(%dma_wait3A_144 : memref<64x512xf32, #tpu.memory_space<hbm>>)
        %dma_wait3A_145 = arith.constant 0 : i32
        %dma_wait3A_146 = tpu.memref_slice %arg7[%multiple_of3A_68, %dma_wait3A_145] : memref<160000x256xf32, #tpu.memory_space<hbm>> -> memref<64x256xf32, #tpu.memory_space<hbm>>
        %dma_wait3A_147 = arith.constant 0 : i32
        %dma_wait3A_148 = tpu.memref_slice %arg7[%multiple_of3A_68, %dma_wait3A_147] : memref<160000x256xf32, #tpu.memory_space<hbm>> -> memref<64x256xf32, #tpu.memory_space<hbm>>
        tpu.wait_dma2 semaphore(%arg21 : memref<!tpu.dma_semaphore, #tpu.memory_space<semaphore_mem>>) src(%arg14 : memref<64x256xf32, #tpu.memory_space<vmem>>) dst(%dma_wait3A_148 : memref<64x256xf32, #tpu.memory_space<hbm>>)
      } else {
      }
      "tpu.region"() ({
        %run_scoped3A = tpu.sem_alloc : memref<!tpu.dma_semaphore, #tpu.memory_space<semaphore_mem>>
        %dma_start3A_141 = tpu.memref_slice %arg4[%multiple_of3A_68] : memref<160000xi32, #tpu.memory_space<hbm>> -> memref<64xi32, #tpu.memory_space<hbm>>
        %dma_start3A_142 = tpu.memref_slice %arg4[%multiple_of3A_68] : memref<160000xi32, #tpu.memory_space<hbm>> -> memref<64xi32, #tpu.memory_space<hbm>>
        tpu.enqueue_dma source(%dma_start3A_142 : memref<64xi32, #tpu.memory_space<hbm>>) target(%arg8 : memref<64xi32, #tpu.memory_space<vmem>>) target_semaphore(%run_scoped3A : memref<!tpu.dma_semaphore, #tpu.memory_space<semaphore_mem>>)
        %dma_wait3A_143 = tpu.memref_slice %arg4[%multiple_of3A_68] : memref<160000xi32, #tpu.memory_space<hbm>> -> memref<64xi32, #tpu.memory_space<hbm>>
        %dma_wait3A_144 = tpu.memref_slice %arg4[%multiple_of3A_68] : memref<160000xi32, #tpu.memory_space<hbm>> -> memref<64xi32, #tpu.memory_space<hbm>>
        tpu.wait_dma2 semaphore(%run_scoped3A : memref<!tpu.dma_semaphore, #tpu.memory_space<semaphore_mem>>) src(%dma_wait3A_144 : memref<64xi32, #tpu.memory_space<hbm>>) dst(%arg8 : memref<64xi32, #tpu.memory_space<vmem>>)
        tpu.yield
      }) : () -> ()
      "tpu.region"() ({
        %run_scoped3A = tpu.sem_alloc : memref<!tpu.dma_semaphore, #tpu.memory_space<semaphore_mem>>
        %dma_start3A_141 = tpu.memref_slice %arg5[%multiple_of3A_68] : memref<160000xi32, #tpu.memory_space<hbm>> -> memref<64xi32, #tpu.memory_space<hbm>>
        %dma_start3A_142 = tpu.memref_slice %arg5[%multiple_of3A_68] : memref<160000xi32, #tpu.memory_space<hbm>> -> memref<64xi32, #tpu.memory_space<hbm>>
        tpu.enqueue_dma source(%dma_start3A_142 : memref<64xi32, #tpu.memory_space<hbm>>) target(%arg10 : memref<64xi32, #tpu.memory_space<vmem>>) target_semaphore(%run_scoped3A : memref<!tpu.dma_semaphore, #tpu.memory_space<semaphore_mem>>)
        %dma_wait3A_143 = tpu.memref_slice %arg5[%multiple_of3A_68] : memref<160000xi32, #tpu.memory_space<hbm>> -> memref<64xi32, #tpu.memory_space<hbm>>
        %dma_wait3A_144 = tpu.memref_slice %arg5[%multiple_of3A_68] : memref<160000xi32, #tpu.memory_space<hbm>> -> memref<64xi32, #tpu.memory_space<hbm>>
        tpu.wait_dma2 semaphore(%run_scoped3A : memref<!tpu.dma_semaphore, #tpu.memory_space<semaphore_mem>>) src(%dma_wait3A_144 : memref<64xi32, #tpu.memory_space<hbm>>) dst(%arg10 : memref<64xi32, #tpu.memory_space<vmem>>)
        tpu.yield
      }) : () -> ()
      %dma_start3A_71 = arith.constant 0 : i32
      %dma_start3A_72 = arith.constant 0 : i32
      %dma_start3A_73 = tpu.memref_slice %arg2[%dma_start3A_71, %dma_start3A_72] : memref<10000x512xf32, #tpu.memory_space<hbm>> -> memref<10000x512xf32, #tpu.memory_space<hbm>>
      tpu.enqueue_indirect_dma source(%dma_start3A_73 : memref<10000x512xf32, #tpu.memory_space<hbm>>) target(%arg12 : memref<64x512xf32, #tpu.memory_space<vmem>>) offsets(%arg8 : memref<64xi32, #tpu.memory_space<vmem>>) semaphore(%arg16 : memref<!tpu.dma_semaphore, #tpu.memory_space<semaphore_mem>>)
      %dma_start3A_74 = arith.constant 0 : i32
      %dma_start3A_75 = arith.constant 0 : i32
      %dma_start3A_76 = tpu.memref_slice %arg3[%dma_start3A_74, %dma_start3A_75] : memref<10000x256xf32, #tpu.memory_space<hbm>> -> memref<10000x256xf32, #tpu.memory_space<hbm>>
      tpu.enqueue_indirect_dma source(%dma_start3A_76 : memref<10000x256xf32, #tpu.memory_space<hbm>>) target(%arg14 : memref<64x256xf32, #tpu.memory_space<vmem>>) offsets(%arg10 : memref<64xi32, #tpu.memory_space<vmem>>) semaphore(%arg17 : memref<!tpu.dma_semaphore, #tpu.memory_space<semaphore_mem>>)
      %mul3A_77 = arith.constant 2 : i32
      %mul3A_78 = arith.muli %mul3A_77, %scan3A_59 : i32
      %add3A_79 = arith.constant 1 : i32
      %add3A_80 = arith.addi %mul3A_78, %add3A_79 : i32
      %mul3A_81 = arith.constant 64 : i32
      %mul3A_82 = arith.muli %add3A_80, %mul3A_81 : i32
      %add3A_83 = arith.addi %mul3A_2, %mul3A_82 : i32
      %multiple_of3A_84 = tpu.assume_multiple %add3A_83, 8 : i32
      %gt3A_85 = arith.constant 0 : i32
      %gt3A_86 = arith.cmpi sgt, %scan3A_59, %gt3A_85 : i32
      %convert_element_type3A_87 = arith.extui %gt3A_86 : i1 to i32
      %cond3A_88 = arith.constant 0 : i32
      %cond3A_89 = arith.cmpi ne, %convert_element_type3A_87, %cond3A_88 : i32
      scf.if %cond3A_89 {
        %dma_wait3A_141 = arith.constant 0 : i32
        %dma_wait3A_142 = tpu.memref_slice %arg6[%multiple_of3A_84, %dma_wait3A_141] : memref<160000x512xf32, #tpu.memory_space<hbm>> -> memref<64x512xf32, #tpu.memory_space<hbm>>
        %dma_wait3A_143 = arith.constant 0 : i32
        %dma_wait3A_144 = tpu.memref_slice %arg6[%multiple_of3A_84, %dma_wait3A_143] : memref<160000x512xf32, #tpu.memory_space<hbm>> -> memref<64x512xf32, #tpu.memory_space<hbm>>
        tpu.wait_dma2 semaphore(%arg22 : memref<!tpu.dma_semaphore, #tpu.memory_space<semaphore_mem>>) src(%arg13 : memref<64x512xf32, #tpu.memory_space<vmem>>) dst(%dma_wait3A_144 : memref<64x512xf32, #tpu.memory_space<hbm>>)
        %dma_wait3A_145 = arith.constant 0 : i32
        %dma_wait3A_146 = tpu.memref_slice %arg7[%multiple_of3A_84, %dma_wait3A_145] : memref<160000x256xf32, #tpu.memory_space<hbm>> -> memref<64x256xf32, #tpu.memory_space<hbm>>
        %dma_wait3A_147 = arith.constant 0 : i32
        %dma_wait3A_148 = tpu.memref_slice %arg7[%multiple_of3A_84, %dma_wait3A_147] : memref<160000x256xf32, #tpu.memory_space<hbm>> -> memref<64x256xf32, #tpu.memory_space<hbm>>
        tpu.wait_dma2 semaphore(%arg23 : memref<!tpu.dma_semaphore, #tpu.memory_space<semaphore_mem>>) src(%arg15 : memref<64x256xf32, #tpu.memory_space<vmem>>) dst(%dma_wait3A_148 : memref<64x256xf32, #tpu.memory_space<hbm>>)
      } else {
      }
      "tpu.region"() ({
        %run_scoped3A = tpu.sem_alloc : memref<!tpu.dma_semaphore, #tpu.memory_space<semaphore_mem>>
        %dma_start3A_141 = tpu.memref_slice %arg4[%multiple_of3A_84] : memref<160000xi32, #tpu.memory_space<hbm>> -> memref<64xi32, #tpu.memory_space<hbm>>
        %dma_start3A_142 = tpu.memref_slice %arg4[%multiple_of3A_84] : memref<160000xi32, #tpu.memory_space<hbm>> -> memref<64xi32, #tpu.memory_space<hbm>>
        tpu.enqueue_dma source(%dma_start3A_142 : memref<64xi32, #tpu.memory_space<hbm>>) target(%arg9 : memref<64xi32, #tpu.memory_space<vmem>>) target_semaphore(%run_scoped3A : memref<!tpu.dma_semaphore, #tpu.memory_space<semaphore_mem>>)
        %dma_wait3A_143 = tpu.memref_slice %arg4[%multiple_of3A_84] : memref<160000xi32, #tpu.memory_space<hbm>> -> memref<64xi32, #tpu.memory_space<hbm>>
        %dma_wait3A_144 = tpu.memref_slice %arg4[%multiple_of3A_84] : memref<160000xi32, #tpu.memory_space<hbm>> -> memref<64xi32, #tpu.memory_space<hbm>>
        tpu.wait_dma2 semaphore(%run_scoped3A : memref<!tpu.dma_semaphore, #tpu.memory_space<semaphore_mem>>) src(%dma_wait3A_144 : memref<64xi32, #tpu.memory_space<hbm>>) dst(%arg9 : memref<64xi32, #tpu.memory_space<vmem>>)
        tpu.yield
      }) : () -> ()
      "tpu.region"() ({
        %run_scoped3A = tpu.sem_alloc : memref<!tpu.dma_semaphore, #tpu.memory_space<semaphore_mem>>
        %dma_start3A_141 = tpu.memref_slice %arg5[%multiple_of3A_84] : memref<160000xi32, #tpu.memory_space<hbm>> -> memref<64xi32, #tpu.memory_space<hbm>>
        %dma_start3A_142 = tpu.memref_slice %arg5[%multiple_of3A_84] : memref<160000xi32, #tpu.memory_space<hbm>> -> memref<64xi32, #tpu.memory_space<hbm>>
        tpu.enqueue_dma source(%dma_start3A_142 : memref<64xi32, #tpu.memory_space<hbm>>) target(%arg11 : memref<64xi32, #tpu.memory_space<vmem>>) target_semaphore(%run_scoped3A : memref<!tpu.dma_semaphore, #tpu.memory_space<semaphore_mem>>)
        %dma_wait3A_143 = tpu.memref_slice %arg5[%multiple_of3A_84] : memref<160000xi32, #tpu.memory_space<hbm>> -> memref<64xi32, #tpu.memory_space<hbm>>
        %dma_wait3A_144 = tpu.memref_slice %arg5[%multiple_of3A_84] : memref<160000xi32, #tpu.memory_space<hbm>> -> memref<64xi32, #tpu.memory_space<hbm>>
        tpu.wait_dma2 semaphore(%run_scoped3A : memref<!tpu.dma_semaphore, #tpu.memory_space<semaphore_mem>>) src(%dma_wait3A_144 : memref<64xi32, #tpu.memory_space<hbm>>) dst(%arg11 : memref<64xi32, #tpu.memory_space<vmem>>)
        tpu.yield
      }) : () -> ()
      %dma_start3A_90 = arith.constant 0 : i32
      %dma_start3A_91 = arith.constant 0 : i32
      %dma_start3A_92 = tpu.memref_slice %arg2[%dma_start3A_90, %dma_start3A_91] : memref<10000x512xf32, #tpu.memory_space<hbm>> -> memref<10000x512xf32, #tpu.memory_space<hbm>>
      tpu.enqueue_indirect_dma source(%dma_start3A_92 : memref<10000x512xf32, #tpu.memory_space<hbm>>) target(%arg13 : memref<64x512xf32, #tpu.memory_space<vmem>>) offsets(%arg9 : memref<64xi32, #tpu.memory_space<vmem>>) semaphore(%arg18 : memref<!tpu.dma_semaphore, #tpu.memory_space<semaphore_mem>>)
      %dma_start3A_93 = arith.constant 0 : i32
      %dma_start3A_94 = arith.constant 0 : i32
      %dma_start3A_95 = tpu.memref_slice %arg3[%dma_start3A_93, %dma_start3A_94] : memref<10000x256xf32, #tpu.memory_space<hbm>> -> memref<10000x256xf32, #tpu.memory_space<hbm>>
      tpu.enqueue_indirect_dma source(%dma_start3A_95 : memref<10000x256xf32, #tpu.memory_space<hbm>>) target(%arg15 : memref<64x256xf32, #tpu.memory_space<vmem>>) offsets(%arg11 : memref<64xi32, #tpu.memory_space<vmem>>) semaphore(%arg19 : memref<!tpu.dma_semaphore, #tpu.memory_space<semaphore_mem>>)
      %mul3A_96 = arith.constant 2 : i32
      %mul3A_97 = arith.muli %mul3A_96, %scan3A_59 : i32
      %add3A_98 = arith.constant 0 : i32
      %add3A_99 = arith.addi %mul3A_97, %add3A_98 : i32
      %mul3A_100 = arith.constant 64 : i32
      %mul3A_101 = arith.muli %add3A_99, %mul3A_100 : i32
      %add3A_102 = arith.addi %mul3A_2, %mul3A_101 : i32
      %multiple_of3A_103 = tpu.assume_multiple %add3A_102, 8 : i32
      %dma_wait3A_104 = arith.constant 0 : i32
      %dma_wait3A_105 = arith.constant 0 : i32
      %dma_wait3A_106 = tpu.memref_slice %arg2[%dma_wait3A_104, %dma_wait3A_105] : memref<10000x512xf32, #tpu.memory_space<hbm>> -> memref<10000x512xf32, #tpu.memory_space<hbm>>
      tpu.wait_indirect_dma semaphore(%arg16 : memref<!tpu.dma_semaphore, #tpu.memory_space<semaphore_mem>>) src(%dma_wait3A_106 : memref<10000x512xf32, #tpu.memory_space<hbm>>) dst(%arg12 : memref<64x512xf32, #tpu.memory_space<vmem>>)
      %dma_start3A_107 = arith.constant 0 : i32
      %dma_start3A_108 = tpu.memref_slice %arg6[%multiple_of3A_103, %dma_start3A_107] : memref<160000x512xf32, #tpu.memory_space<hbm>> -> memref<64x512xf32, #tpu.memory_space<hbm>>
      %dma_start3A_109 = arith.constant 0 : i32
      %dma_start3A_110 = tpu.memref_slice %arg6[%multiple_of3A_103, %dma_start3A_109] : memref<160000x512xf32, #tpu.memory_space<hbm>> -> memref<64x512xf32, #tpu.memory_space<hbm>>
      tpu.enqueue_dma source(%arg12 : memref<64x512xf32, #tpu.memory_space<vmem>>) target(%dma_start3A_110 : memref<64x512xf32, #tpu.memory_space<hbm>>) target_semaphore(%arg20 : memref<!tpu.dma_semaphore, #tpu.memory_space<semaphore_mem>>)
      %dma_wait3A_111 = arith.constant 0 : i32
      %dma_wait3A_112 = arith.constant 0 : i32
      %dma_wait3A_113 = tpu.memref_slice %arg3[%dma_wait3A_111, %dma_wait3A_112] : memref<10000x256xf32, #tpu.memory_space<hbm>> -> memref<10000x256xf32, #tpu.memory_space<hbm>>
      tpu.wait_indirect_dma semaphore(%arg17 : memref<!tpu.dma_semaphore, #tpu.memory_space<semaphore_mem>>) src(%dma_wait3A_113 : memref<10000x256xf32, #tpu.memory_space<hbm>>) dst(%arg14 : memref<64x256xf32, #tpu.memory_space<vmem>>)
      %dma_start3A_114 = arith.constant 0 : i32
      %dma_start3A_115 = tpu.memref_slice %arg7[%multiple_of3A_103, %dma_start3A_114] : memref<160000x256xf32, #tpu.memory_space<hbm>> -> memref<64x256xf32, #tpu.memory_space<hbm>>
      %dma_start3A_116 = arith.constant 0 : i32
      %dma_start3A_117 = tpu.memref_slice %arg7[%multiple_of3A_103, %dma_start3A_116] : memref<160000x256xf32, #tpu.memory_space<hbm>> -> memref<64x256xf32, #tpu.memory_space<hbm>>
      tpu.enqueue_dma source(%arg14 : memref<64x256xf32, #tpu.memory_space<vmem>>) target(%dma_start3A_117 : memref<64x256xf32, #tpu.memory_space<hbm>>) target_semaphore(%arg21 : memref<!tpu.dma_semaphore, #tpu.memory_space<semaphore_mem>>)
      %mul3A_118 = arith.constant 2 : i32
      %mul3A_119 = arith.muli %mul3A_118, %scan3A_59 : i32
      %add3A_120 = arith.constant 1 : i32
      %add3A_121 = arith.addi %mul3A_119, %add3A_120 : i32
      %mul3A_122 = arith.constant 64 : i32
      %mul3A_123 = arith.muli %add3A_121, %mul3A_122 : i32
      %add3A_124 = arith.addi %mul3A_2, %mul3A_123 : i32
      %multiple_of3A_125 = tpu.assume_multiple %add3A_124, 8 : i32
      %dma_wait3A_126 = arith.constant 0 : i32
      %dma_wait3A_127 = arith.constant 0 : i32
      %dma_wait3A_128 = tpu.memref_slice %arg2[%dma_wait3A_126, %dma_wait3A_127] : memref<10000x512xf32, #tpu.memory_space<hbm>> -> memref<10000x512xf32, #tpu.memory_space<hbm>>
      tpu.wait_indirect_dma semaphore(%arg18 : memref<!tpu.dma_semaphore, #tpu.memory_space<semaphore_mem>>) src(%dma_wait3A_128 : memref<10000x512xf32, #tpu.memory_space<hbm>>) dst(%arg13 : memref<64x512xf32, #tpu.memory_space<vmem>>)
      %dma_start3A_129 = arith.constant 0 : i32
      %dma_start3A_130 = tpu.memref_slice %arg6[%multiple_of3A_125, %dma_start3A_129] : memref<160000x512xf32, #tpu.memory_space<hbm>> -> memref<64x512xf32, #tpu.memory_space<hbm>>
      %dma_start3A_131 = arith.constant 0 : i32
      %dma_start3A_132 = tpu.memref_slice %arg6[%multiple_of3A_125, %dma_start3A_131] : memref<160000x512xf32, #tpu.memory_space<hbm>> -> memref<64x512xf32, #tpu.memory_space<hbm>>
      tpu.enqueue_dma source(%arg13 : memref<64x512xf32, #tpu.memory_space<vmem>>) target(%dma_start3A_132 : memref<64x512xf32, #tpu.memory_space<hbm>>) target_semaphore(%arg22 : memref<!tpu.dma_semaphore, #tpu.memory_space<semaphore_mem>>)
      %dma_wait3A_133 = arith.constant 0 : i32
      %dma_wait3A_134 = arith.constant 0 : i32
      %dma_wait3A_135 = tpu.memref_slice %arg3[%dma_wait3A_133, %dma_wait3A_134] : memref<10000x256xf32, #tpu.memory_space<hbm>> -> memref<10000x256xf32, #tpu.memory_space<hbm>>
      tpu.wait_indirect_dma semaphore(%arg19 : memref<!tpu.dma_semaphore, #tpu.memory_space<semaphore_mem>>) src(%dma_wait3A_135 : memref<10000x256xf32, #tpu.memory_space<hbm>>) dst(%arg15 : memref<64x256xf32, #tpu.memory_space<vmem>>)
      %dma_start3A_136 = arith.constant 0 : i32
      %dma_start3A_137 = tpu.memref_slice %arg7[%multiple_of3A_125, %dma_start3A_136] : memref<160000x256xf32, #tpu.memory_space<hbm>> -> memref<64x256xf32, #tpu.memory_space<hbm>>
      %dma_start3A_138 = arith.constant 0 : i32
      %dma_start3A_139 = tpu.memref_slice %arg7[%multiple_of3A_125, %dma_start3A_138] : memref<160000x256xf32, #tpu.memory_space<hbm>> -> memref<64x256xf32, #tpu.memory_space<hbm>>
      tpu.enqueue_dma source(%arg15 : memref<64x256xf32, #tpu.memory_space<vmem>>) target(%dma_start3A_139 : memref<64x256xf32, #tpu.memory_space<hbm>>) target_semaphore(%arg23 : memref<!tpu.dma_semaphore, #tpu.memory_space<semaphore_mem>>)
      %scan3A_140 = arith.constant 0 : i32
      scf.yield %scan3A_140 : i32
    }
    %scan3A_8 = arith.constant 39 : i32
    %multiple_of3A = tpu.assume_multiple %mul3A_2, 8 : i32
    %dma_wait3A = arith.constant 0 : i32
    %dma_wait3A_9 = tpu.memref_slice %arg6[%multiple_of3A, %dma_wait3A] : memref<160000x512xf32, #tpu.memory_space<hbm>> -> memref<64x512xf32, #tpu.memory_space<hbm>>
    %dma_wait3A_10 = arith.constant 0 : i32
    %dma_wait3A_11 = tpu.memref_slice %arg6[%multiple_of3A, %dma_wait3A_10] : memref<160000x512xf32, #tpu.memory_space<hbm>> -> memref<64x512xf32, #tpu.memory_space<hbm>>
    tpu.wait_dma2 semaphore(%arg20 : memref<!tpu.dma_semaphore, #tpu.memory_space<semaphore_mem>>) src(%arg12 : memref<64x512xf32, #tpu.memory_space<vmem>>) dst(%dma_wait3A_11 : memref<64x512xf32, #tpu.memory_space<hbm>>)
    %dma_wait3A_12 = arith.constant 0 : i32
    %dma_wait3A_13 = tpu.memref_slice %arg7[%multiple_of3A, %dma_wait3A_12] : memref<160000x256xf32, #tpu.memory_space<hbm>> -> memref<64x256xf32, #tpu.memory_space<hbm>>
    %dma_wait3A_14 = arith.constant 0 : i32
    %dma_wait3A_15 = tpu.memref_slice %arg7[%multiple_of3A, %dma_wait3A_14] : memref<160000x256xf32, #tpu.memory_space<hbm>> -> memref<64x256xf32, #tpu.memory_space<hbm>>
    tpu.wait_dma2 semaphore(%arg21 : memref<!tpu.dma_semaphore, #tpu.memory_space<semaphore_mem>>) src(%arg14 : memref<64x256xf32, #tpu.memory_space<vmem>>) dst(%dma_wait3A_15 : memref<64x256xf32, #tpu.memory_space<hbm>>)
    %multiple_of3A_16 = tpu.assume_multiple %mul3A_2, 8 : i32
    %dma_wait3A_17 = arith.constant 0 : i32
    %dma_wait3A_18 = tpu.memref_slice %arg6[%multiple_of3A_16, %dma_wait3A_17] : memref<160000x512xf32, #tpu.memory_space<hbm>> -> memref<64x512xf32, #tpu.memory_space<hbm>>
    %dma_wait3A_19 = arith.constant 0 : i32
    %dma_wait3A_20 = tpu.memref_slice %arg6[%multiple_of3A_16, %dma_wait3A_19] : memref<160000x512xf32, #tpu.memory_space<hbm>> -> memref<64x512xf32, #tpu.memory_space<hbm>>
    tpu.wait_dma2 semaphore(%arg22 : memref<!tpu.dma_semaphore, #tpu.memory_space<semaphore_mem>>) src(%arg13 : memref<64x512xf32, #tpu.memory_space<vmem>>) dst(%dma_wait3A_20 : memref<64x512xf32, #tpu.memory_space<hbm>>)
    %dma_wait3A_21 = arith.constant 0 : i32
    %dma_wait3A_22 = tpu.memref_slice %arg7[%multiple_of3A_16, %dma_wait3A_21] : memref<160000x256xf32, #tpu.memory_space<hbm>> -> memref<64x256xf32, #tpu.memory_space<hbm>>
    %dma_wait3A_23 = arith.constant 0 : i32
    %dma_wait3A_24 = tpu.memref_slice %arg7[%multiple_of3A_16, %dma_wait3A_23] : memref<160000x256xf32, #tpu.memory_space<hbm>> -> memref<64x256xf32, #tpu.memory_space<hbm>>
    tpu.wait_dma2 semaphore(%arg23 : memref<!tpu.dma_semaphore, #tpu.memory_space<semaphore_mem>>) src(%arg15 : memref<64x256xf32, #tpu.memory_space<vmem>>) dst(%dma_wait3A_24 : memref<64x256xf32, #tpu.memory_space<hbm>>)
    %add3A_25 = arith.constant 4992 : i32
    %add3A_26 = arith.addi %mul3A_2, %add3A_25 : i32
    %multiple_of3A_27 = tpu.assume_multiple %add3A_26, 8 : i32
    "tpu.region"() ({
      %run_scoped3A = tpu.sem_alloc : memref<!tpu.dma_semaphore, #tpu.memory_space<semaphore_mem>>
      %dma_start3A_59 = arith.constant 0 : i32
      %dma_start3A_60 = tpu.memref_slice %arg8[%dma_start3A_59] : memref<64xi32, #tpu.memory_space<vmem>> -> memref<8xi32, #tpu.memory_space<vmem>>
      %dma_start3A_61 = tpu.memref_slice %arg4[%multiple_of3A_27] : memref<160000xi32, #tpu.memory_space<hbm>> -> memref<8xi32, #tpu.memory_space<hbm>>
      %dma_start3A_62 = arith.constant 0 : i32
      %dma_start3A_63 = tpu.memref_slice %arg8[%dma_start3A_62] : memref<64xi32, #tpu.memory_space<vmem>> -> memref<8xi32, #tpu.memory_space<vmem>>
      %dma_start3A_64 = tpu.memref_slice %arg4[%multiple_of3A_27] : memref<160000xi32, #tpu.memory_space<hbm>> -> memref<8xi32, #tpu.memory_space<hbm>>
      tpu.enqueue_dma source(%dma_start3A_64 : memref<8xi32, #tpu.memory_space<hbm>>) target(%dma_start3A_63 : memref<8xi32, #tpu.memory_space<vmem>>) target_semaphore(%run_scoped3A : memref<!tpu.dma_semaphore, #tpu.memory_space<semaphore_mem>>)
      %dma_wait3A_65 = arith.constant 0 : i32
      %dma_wait3A_66 = tpu.memref_slice %arg8[%dma_wait3A_65] : memref<64xi32, #tpu.memory_space<vmem>> -> memref<8xi32, #tpu.memory_space<vmem>>
      %dma_wait3A_67 = tpu.memref_slice %arg4[%multiple_of3A_27] : memref<160000xi32, #tpu.memory_space<hbm>> -> memref<8xi32, #tpu.memory_space<hbm>>
      %dma_wait3A_68 = arith.constant 0 : i32
      %dma_wait3A_69 = tpu.memref_slice %arg8[%dma_wait3A_68] : memref<64xi32, #tpu.memory_space<vmem>> -> memref<8xi32, #tpu.memory_space<vmem>>
      %dma_wait3A_70 = tpu.memref_slice %arg4[%multiple_of3A_27] : memref<160000xi32, #tpu.memory_space<hbm>> -> memref<8xi32, #tpu.memory_space<hbm>>
      tpu.wait_dma2 semaphore(%run_scoped3A : memref<!tpu.dma_semaphore, #tpu.memory_space<semaphore_mem>>) src(%dma_wait3A_70 : memref<8xi32, #tpu.memory_space<hbm>>) dst(%dma_wait3A_69 : memref<8xi32, #tpu.memory_space<vmem>>)
      tpu.yield
    }) : () -> ()
    "tpu.region"() ({
      %run_scoped3A = tpu.sem_alloc : memref<!tpu.dma_semaphore, #tpu.memory_space<semaphore_mem>>
      %dma_start3A_59 = arith.constant 0 : i32
      %dma_start3A_60 = tpu.memref_slice %arg10[%dma_start3A_59] : memref<64xi32, #tpu.memory_space<vmem>> -> memref<8xi32, #tpu.memory_space<vmem>>
      %dma_start3A_61 = tpu.memref_slice %arg5[%multiple_of3A_27] : memref<160000xi32, #tpu.memory_space<hbm>> -> memref<8xi32, #tpu.memory_space<hbm>>
      %dma_start3A_62 = arith.constant 0 : i32
      %dma_start3A_63 = tpu.memref_slice %arg10[%dma_start3A_62] : memref<64xi32, #tpu.memory_space<vmem>> -> memref<8xi32, #tpu.memory_space<vmem>>
      %dma_start3A_64 = tpu.memref_slice %arg5[%multiple_of3A_27] : memref<160000xi32, #tpu.memory_space<hbm>> -> memref<8xi32, #tpu.memory_space<hbm>>
      tpu.enqueue_dma source(%dma_start3A_64 : memref<8xi32, #tpu.memory_space<hbm>>) target(%dma_start3A_63 : memref<8xi32, #tpu.memory_space<vmem>>) target_semaphore(%run_scoped3A : memref<!tpu.dma_semaphore, #tpu.memory_space<semaphore_mem>>)
      %dma_wait3A_65 = arith.constant 0 : i32
      %dma_wait3A_66 = tpu.memref_slice %arg10[%dma_wait3A_65] : memref<64xi32, #tpu.memory_space<vmem>> -> memref<8xi32, #tpu.memory_space<vmem>>
      %dma_wait3A_67 = tpu.memref_slice %arg5[%multiple_of3A_27] : memref<160000xi32, #tpu.memory_space<hbm>> -> memref<8xi32, #tpu.memory_space<hbm>>
      %dma_wait3A_68 = arith.constant 0 : i32
      %dma_wait3A_69 = tpu.memref_slice %arg10[%dma_wait3A_68] : memref<64xi32, #tpu.memory_space<vmem>> -> memref<8xi32, #tpu.memory_space<vmem>>
      %dma_wait3A_70 = tpu.memref_slice %arg5[%multiple_of3A_27] : memref<160000xi32, #tpu.memory_space<hbm>> -> memref<8xi32, #tpu.memory_space<hbm>>
      tpu.wait_dma2 semaphore(%run_scoped3A : memref<!tpu.dma_semaphore, #tpu.memory_space<semaphore_mem>>) src(%dma_wait3A_70 : memref<8xi32, #tpu.memory_space<hbm>>) dst(%dma_wait3A_69 : memref<8xi32, #tpu.memory_space<vmem>>)
      tpu.yield
    }) : () -> ()
    %dma_start3A = arith.constant 0 : i32
    %dma_start3A_28 = arith.constant 0 : i32
    %dma_start3A_29 = tpu.memref_slice %arg12[%dma_start3A, %dma_start3A_28] : memref<64x512xf32, #tpu.memory_space<vmem>> -> memref<8x512xf32, #tpu.memory_space<vmem>>
    %dma_start3A_30 = arith.constant 0 : i32
    %dma_start3A_31 = tpu.memref_slice %arg8[%dma_start3A_30] : memref<64xi32, #tpu.memory_space<vmem>> -> memref<8xi32, #tpu.memory_space<vmem>>
    %dma_start3A_32 = arith.constant 0 : i32
    %dma_start3A_33 = arith.constant 0 : i32
    %dma_start3A_34 = tpu.memref_slice %arg2[%dma_start3A_32, %dma_start3A_33] : memref<10000x512xf32, #tpu.memory_space<hbm>> -> memref<10000x512xf32, #tpu.memory_space<hbm>>
    tpu.enqueue_indirect_dma source(%dma_start3A_34 : memref<10000x512xf32, #tpu.memory_space<hbm>>) target(%dma_start3A_29 : memref<8x512xf32, #tpu.memory_space<vmem>>) offsets(%dma_start3A_31 : memref<8xi32, #tpu.memory_space<vmem>>) semaphore(%arg16 : memref<!tpu.dma_semaphore, #tpu.memory_space<semaphore_mem>>)
    %dma_wait3A_35 = arith.constant 0 : i32
    %dma_wait3A_36 = arith.constant 0 : i32
    %dma_wait3A_37 = tpu.memref_slice %arg12[%dma_wait3A_35, %dma_wait3A_36] : memref<64x512xf32, #tpu.memory_space<vmem>> -> memref<8x512xf32, #tpu.memory_space<vmem>>
    %dma_wait3A_38 = arith.constant 0 : i32
    %dma_wait3A_39 = tpu.memref_slice %arg8[%dma_wait3A_38] : memref<64xi32, #tpu.memory_space<vmem>> -> memref<8xi32, #tpu.memory_space<vmem>>
    %dma_wait3A_40 = arith.constant 0 : i32
    %dma_wait3A_41 = arith.constant 0 : i32
    %dma_wait3A_42 = tpu.memref_slice %arg2[%dma_wait3A_40, %dma_wait3A_41] : memref<10000x512xf32, #tpu.memory_space<hbm>> -> memref<10000x512xf32, #tpu.memory_space<hbm>>
    tpu.wait_indirect_dma semaphore(%arg16 : memref<!tpu.dma_semaphore, #tpu.memory_space<semaphore_mem>>) src(%dma_wait3A_42 : memref<10000x512xf32, #tpu.memory_space<hbm>>) dst(%dma_wait3A_37 : memref<8x512xf32, #tpu.memory_space<vmem>>)
    "tpu.region"() ({
      %run_scoped3A = tpu.sem_alloc : memref<!tpu.dma_semaphore, #tpu.memory_space<semaphore_mem>>
      %dma_start3A_59 = arith.constant 0 : i32
      %dma_start3A_60 = arith.constant 0 : i32
      %dma_start3A_61 = tpu.memref_slice %arg12[%dma_start3A_59, %dma_start3A_60] : memref<64x512xf32, #tpu.memory_space<vmem>> -> memref<8x512xf32, #tpu.memory_space<vmem>>
      %dma_start3A_62 = arith.constant 0 : i32
      %dma_start3A_63 = tpu.memref_slice %arg6[%multiple_of3A_27, %dma_start3A_62] : memref<160000x512xf32, #tpu.memory_space<hbm>> -> memref<8x512xf32, #tpu.memory_space<hbm>>
      %dma_start3A_64 = arith.constant 0 : i32
      %dma_start3A_65 = tpu.memref_slice %arg6[%multiple_of3A_27, %dma_start3A_64] : memref<160000x512xf32, #tpu.memory_space<hbm>> -> memref<8x512xf32, #tpu.memory_space<hbm>>
      %dma_start3A_66 = arith.constant 0 : i32
      %dma_start3A_67 = arith.constant 0 : i32
      %dma_start3A_68 = tpu.memref_slice %arg12[%dma_start3A_66, %dma_start3A_67] : memref<64x512xf32, #tpu.memory_space<vmem>> -> memref<8x512xf32, #tpu.memory_space<vmem>>
      tpu.enqueue_dma source(%dma_start3A_68 : memref<8x512xf32, #tpu.memory_space<vmem>>) target(%dma_start3A_65 : memref<8x512xf32, #tpu.memory_space<hbm>>) target_semaphore(%run_scoped3A : memref<!tpu.dma_semaphore, #tpu.memory_space<semaphore_mem>>)
      %dma_wait3A_69 = arith.constant 0 : i32
      %dma_wait3A_70 = arith.constant 0 : i32
      %dma_wait3A_71 = tpu.memref_slice %arg12[%dma_wait3A_69, %dma_wait3A_70] : memref<64x512xf32, #tpu.memory_space<vmem>> -> memref<8x512xf32, #tpu.memory_space<vmem>>
      %dma_wait3A_72 = arith.constant 0 : i32
      %dma_wait3A_73 = tpu.memref_slice %arg6[%multiple_of3A_27, %dma_wait3A_72] : memref<160000x512xf32, #tpu.memory_space<hbm>> -> memref<8x512xf32, #tpu.memory_space<hbm>>
      %dma_wait3A_74 = arith.constant 0 : i32
      %dma_wait3A_75 = tpu.memref_slice %arg6[%multiple_of3A_27, %dma_wait3A_74] : memref<160000x512xf32, #tpu.memory_space<hbm>> -> memref<8x512xf32, #tpu.memory_space<hbm>>
      %dma_wait3A_76 = arith.constant 0 : i32
      %dma_wait3A_77 = arith.constant 0 : i32
      %dma_wait3A_78 = tpu.memref_slice %arg12[%dma_wait3A_76, %dma_wait3A_77] : memref<64x512xf32, #tpu.memory_space<vmem>> -> memref<8x512xf32, #tpu.memory_space<vmem>>
      tpu.wait_dma2 semaphore(%run_scoped3A : memref<!tpu.dma_semaphore, #tpu.memory_space<semaphore_mem>>) src(%dma_wait3A_78 : memref<8x512xf32, #tpu.memory_space<vmem>>) dst(%dma_wait3A_75 : memref<8x512xf32, #tpu.memory_space<hbm>>)
      tpu.yield
    }) : () -> ()
    %dma_start3A_43 = arith.constant 0 : i32
    %dma_start3A_44 = arith.constant 0 : i32
    %dma_start3A_45 = tpu.memref_slice %arg14[%dma_start3A_43, %dma_start3A_44] : memref<64x256xf32, #tpu.memory_space<vmem>> -> memref<8x256xf32, #tpu.memory_space<vmem>>
    %dma_start3A_46 = arith.constant 0 : i32
    %dma_start3A_47 = tpu.memref_slice %arg10[%dma_start3A_46] : memref<64xi32, #tpu.memory_space<vmem>> -> memref<8xi32, #tpu.memory_space<vmem>>
    %dma_start3A_48 = arith.constant 0 : i32
    %dma_start3A_49 = arith.constant 0 : i32
    %dma_start3A_50 = tpu.memref_slice %arg3[%dma_start3A_48, %dma_start3A_49] : memref<10000x256xf32, #tpu.memory_space<hbm>> -> memref<10000x256xf32, #tpu.memory_space<hbm>>
    tpu.enqueue_indirect_dma source(%dma_start3A_50 : memref<10000x256xf32, #tpu.memory_space<hbm>>) target(%dma_start3A_45 : memref<8x256xf32, #tpu.memory_space<vmem>>) offsets(%dma_start3A_47 : memref<8xi32, #tpu.memory_space<vmem>>) semaphore(%arg17 : memref<!tpu.dma_semaphore, #tpu.memory_space<semaphore_mem>>)
    %dma_wait3A_51 = arith.constant 0 : i32
    %dma_wait3A_52 = arith.constant 0 : i32
    %dma_wait3A_53 = tpu.memref_slice %arg14[%dma_wait3A_51, %dma_wait3A_52] : memref<64x256xf32, #tpu.memory_space<vmem>> -> memref<8x256xf32, #tpu.memory_space<vmem>>
    %dma_wait3A_54 = arith.constant 0 : i32
    %dma_wait3A_55 = tpu.memref_slice %arg10[%dma_wait3A_54] : memref<64xi32, #tpu.memory_space<vmem>> -> memref<8xi32, #tpu.memory_space<vmem>>
    %dma_wait3A_56 = arith.constant 0 : i32
    %dma_wait3A_57 = arith.constant 0 : i32
    %dma_wait3A_58 = tpu.memref_slice %arg3[%dma_wait3A_56, %dma_wait3A_57] : memref<10000x256xf32, #tpu.memory_space<hbm>> -> memref<10000x256xf32, #tpu.memory_space<hbm>>
    tpu.wait_indirect_dma semaphore(%arg17 : memref<!tpu.dma_semaphore, #tpu.memory_space<semaphore_mem>>) src(%dma_wait3A_58 : memref<10000x256xf32, #tpu.memory_space<hbm>>) dst(%dma_wait3A_53 : memref<8x256xf32, #tpu.memory_space<vmem>>)
    "tpu.region"() ({
      %run_scoped3A = tpu.sem_alloc : memref<!tpu.dma_semaphore, #tpu.memory_space<semaphore_mem>>
      %dma_start3A_59 = arith.constant 0 : i32
      %dma_start3A_60 = arith.constant 0 : i32
      %dma_start3A_61 = tpu.memref_slice %arg14[%dma_start3A_59, %dma_start3A_60] : memref<64x256xf32, #tpu.memory_space<vmem>> -> memref<8x256xf32, #tpu.memory_space<vmem>>
      %dma_start3A_62 = arith.constant 0 : i32
      %dma_start3A_63 = tpu.memref_slice %arg7[%multiple_of3A_27, %dma_start3A_62] : memref<160000x256xf32, #tpu.memory_space<hbm>> -> memref<8x256xf32, #tpu.memory_space<hbm>>
      %dma_start3A_64 = arith.constant 0 : i32
      %dma_start3A_65 = tpu.memref_slice %arg7[%multiple_of3A_27, %dma_start3A_64] : memref<160000x256xf32, #tpu.memory_space<hbm>> -> memref<8x256xf32, #tpu.memory_space<hbm>>
      %dma_start3A_66 = arith.constant 0 : i32
      %dma_start3A_67 = arith.constant 0 : i32
      %dma_start3A_68 = tpu.memref_slice %arg14[%dma_start3A_66, %dma_start3A_67] : memref<64x256xf32, #tpu.memory_space<vmem>> -> memref<8x256xf32, #tpu.memory_space<vmem>>
      tpu.enqueue_dma source(%dma_start3A_68 : memref<8x256xf32, #tpu.memory_space<vmem>>) target(%dma_start3A_65 : memref<8x256xf32, #tpu.memory_space<hbm>>) target_semaphore(%run_scoped3A : memref<!tpu.dma_semaphore, #tpu.memory_space<semaphore_mem>>)
      %dma_wait3A_69 = arith.constant 0 : i32
      %dma_wait3A_70 = arith.constant 0 : i32
      %dma_wait3A_71 = tpu.memref_slice %arg14[%dma_wait3A_69, %dma_wait3A_70] : memref<64x256xf32, #tpu.memory_space<vmem>> -> memref<8x256xf32, #tpu.memory_space<vmem>>
      %dma_wait3A_72 = arith.constant 0 : i32
      %dma_wait3A_73 = tpu.memref_slice %arg7[%multiple_of3A_27, %dma_wait3A_72] : memref<160000x256xf32, #tpu.memory_space<hbm>> -> memref<8x256xf32, #tpu.memory_space<hbm>>
      %dma_wait3A_74 = arith.constant 0 : i32
      %dma_wait3A_75 = tpu.memref_slice %arg7[%multiple_of3A_27, %dma_wait3A_74] : memref<160000x256xf32, #tpu.memory_space<hbm>> -> memref<8x256xf32, #tpu.memory_space<hbm>>
      %dma_wait3A_76 = arith.constant 0 : i32
      %dma_wait3A_77 = arith.constant 0 : i32
      %dma_wait3A_78 = tpu.memref_slice %arg14[%dma_wait3A_76, %dma_wait3A_77] : memref<64x256xf32, #tpu.memory_space<vmem>> -> memref<8x256xf32, #tpu.memory_space<vmem>>
      tpu.wait_dma2 semaphore(%run_scoped3A : memref<!tpu.dma_semaphore, #tpu.memory_space<semaphore_mem>>) src(%dma_wait3A_78 : memref<8x256xf32, #tpu.memory_space<vmem>>) dst(%dma_wait3A_75 : memref<8x256xf32, #tpu.memory_space<hbm>>)
      tpu.yield
    }) : () -> ()
    return
  }
}

#map = affine_map<(d0, d1) -> (0, 0)>
#map1 = affine_map<(d0, d1) -> (0)>
module attributes {stable_mosaic.version = 14 : i64} {
  func.func @kk(%arg0: i32, %arg1: i32, %arg2: memref<160000x256xf32, #tpu.memory_space<hbm>>, %arg3: memref<160000xi32, #tpu.memory_space<hbm>>, %arg4: memref<10000x256xf32, #tpu.memory_space<hbm>>, %arg5: memref<10000x128xf32, #tpu.memory_space<vmem_shared>>, %arg6: memref<40x128xf32, #tpu.memory_space<vmem>>, %arg7: memref<80x128xf32, #tpu.memory_space<vmem>>, %arg8: memref<80x128xf32, #tpu.memory_space<vmem>>, %arg9: memref<80xi32, #tpu.memory_space<vmem>>, %arg10: memref<80xi32, #tpu.memory_space<vmem>>, %arg11: memref<!tpu.dma_semaphore, #tpu.memory_space<semaphore_mem>>, %arg12: memref<!tpu.dma_semaphore, #tpu.memory_space<semaphore_mem>>, %arg13: memref<!tpu.dma_semaphore, #tpu.memory_space<semaphore_mem>>, %arg14: memref<!tpu.dma_semaphore, #tpu.memory_space<semaphore_mem>>, %arg15: memref<!tpu.dma_semaphore, #tpu.memory_space<semaphore_mem>>, %arg16: memref<!tpu.dma_semaphore, #tpu.memory_space<semaphore_mem>>) attributes {dimension_semantics = [#tpu.dimension_semantics<core_parallel>, #tpu.dimension_semantics<subcore_parallel>], iteration_bounds = array<i64: 2, 16>, scalar_prefetch = 0 : i64, scratch_operands = 12 : i64, tpu.core_type = #tpu.core_type<sc_vector_subcore>, window_params = [{transform_indices = #map}, {transform_indices = #map1}, {transform_indices = #map}]} {
    %mul3A = arith.constant 128 : i32
    %mul3A_0 = arith.muli %arg0, %mul3A : i32
    %mul3A_1 = arith.constant 625 : i32
    %mul3A_2 = arith.muli %arg1, %mul3A_1 : i32
    %rem3A = arith.constant 8 : i32
    %rem3A_3 = arith.remsi %arg1, %rem3A : i32
    %sub3A = arith.subi %mul3A_2, %rem3A_3 : i32
    %min3A = arith.constant 9360 : i32
    %min3A_4 = arith.minsi %sub3A, %min3A : i32
    %multiple_of3A = tpu.assume_multiple %min3A_4, 8 : i32
    %scan3A = arith.constant 0 : i32
    %scan3A_5 = arith.constant 0 : i32
    %scan3A_6 = arith.constant 40 : i32
    %scan3A_7 = arith.addi %scan3A_5, %scan3A_6 : i32
    %scan3A_8 = arith.constant 1 : i32
    %scan3A_9 = scf.for %scan3A_40 = %scan3A_5 to %scan3A_7 step %scan3A_8 iter_args(%scan3A_41 = %scan3A) -> (i32)  : i32 {
      %scan3A_42 = arith.constant 0 : i32
      %scan3A_43 = arith.constant 0 : i32
      %scan3A_44 = arith.constant 8 : i32
      %scan3A_45 = arith.addi %scan3A_43, %scan3A_44 : i32
      %scan3A_46 = arith.constant 1 : i32
      %scan3A_47 = scf.for %scan3A_50 = %scan3A_43 to %scan3A_45 step %scan3A_46 iter_args(%scan3A_51 = %scan3A_42) -> (i32)  : i32 {
        %broadcast_in_dim3A = arith.constant 0.000000e+00 : f32
        %broadcast_in_dim3A_52 = vector.broadcast %broadcast_in_dim3A : f32 to vector<16xf32>
        %mul3A_53 = arith.constant 16 : i32
        %mul3A_54 = arith.muli %scan3A_50, %mul3A_53 : i32
        %swap3A = arith.index_cast %scan3A_40 : i32 to index
        %swap3A_55 = arith.index_cast %mul3A_54 : i32 to index
        %swap3A_56 = tpu.vector_load %arg6[%swap3A, %swap3A_55] {strides = array<i32>} : memref<40x128xf32, #tpu.memory_space<vmem>>, vector<1x16xf32>,
        %swap3A_57 = vector.shape_cast %swap3A_56 : vector<1x16xf32> to vector<16xf32>
        %swap3A_58 = vector.shape_cast %broadcast_in_dim3A_52 : vector<16xf32> to vector<1x16xf32>
        tpu.vector_store %arg6[%swap3A, %swap3A_55], %swap3A_58 {strides = array<i32>} : memref<40x128xf32, #tpu.memory_space<vmem>>, vector<1x16xf32>,
        %scan3A_59 = arith.constant 0 : i32
        scf.yield %scan3A_59 : i32
      }
      %scan3A_48 = arith.constant 8 : i32
      %scan3A_49 = arith.constant 0 : i32
      scf.yield %scan3A_49 : i32
    }
    %scan3A_10 = arith.constant 40 : i32
    %scan3A_11 = arith.constant 0 : i32
    %scan3A_12 = arith.constant 0 : i32
    %scan3A_13 = arith.constant 16 : i32
    %scan3A_14 = arith.addi %scan3A_12, %scan3A_13 : i32
    %scan3A_15 = arith.constant 1 : i32
    %scan3A_16 = scf.for %scan3A_40 = %scan3A_12 to %scan3A_14 step %scan3A_15 iter_args(%scan3A_41 = %scan3A_11) -> (i32)  : i32 {
      %mul3A_42 = arith.constant 40 : i32
      %mul3A_43 = arith.muli %scan3A_40, %mul3A_42 : i32
      %add3A_44 = arith.addi %multiple_of3A, %mul3A_43 : i32
      %multiple_of3A_45 = tpu.assume_multiple %add3A_44, 8 : i32
      "tpu.region"() ({
        %run_scoped3A = tpu.sem_alloc : memref<!tpu.dma_semaphore, #tpu.memory_space<semaphore_mem>>
        %dma_start3A_47 = arith.constant 0 : i32
        %dma_start3A_48 = tpu.memref_slice %arg5[%multiple_of3A_45, %dma_start3A_47] : memref<10000x128xf32, #tpu.memory_space<vmem_shared>> -> memref<40x128xf32, #tpu.memory_space<vmem_shared>>
        %dma_start3A_49 = arith.constant 0 : i32
        %dma_start3A_50 = tpu.memref_slice %arg5[%multiple_of3A_45, %dma_start3A_49] : memref<10000x128xf32, #tpu.memory_space<vmem_shared>> -> memref<40x128xf32, #tpu.memory_space<vmem_shared>>
        tpu.enqueue_dma source(%arg6 : memref<40x128xf32, #tpu.memory_space<vmem>>) target(%dma_start3A_50 : memref<40x128xf32, #tpu.memory_space<vmem_shared>>) target_semaphore(%run_scoped3A : memref<!tpu.dma_semaphore, #tpu.memory_space<semaphore_mem>>)
        %dma_wait3A_51 = arith.constant 0 : i32
        %dma_wait3A_52 = tpu.memref_slice %arg5[%multiple_of3A_45, %dma_wait3A_51] : memref<10000x128xf32, #tpu.memory_space<vmem_shared>> -> memref<40x128xf32, #tpu.memory_space<vmem_shared>>
        %dma_wait3A_53 = arith.constant 0 : i32
        %dma_wait3A_54 = tpu.memref_slice %arg5[%multiple_of3A_45, %dma_wait3A_53] : memref<10000x128xf32, #tpu.memory_space<vmem_shared>> -> memref<40x128xf32, #tpu.memory_space<vmem_shared>>
        tpu.wait_dma2 semaphore(%run_scoped3A : memref<!tpu.dma_semaphore, #tpu.memory_space<semaphore_mem>>) src(%arg6 : memref<40x128xf32, #tpu.memory_space<vmem>>) dst(%dma_wait3A_54 : memref<40x128xf32, #tpu.memory_space<vmem_shared>>)
        tpu.yield
      }) : () -> ()
      %scan3A_46 = arith.constant 0 : i32
      scf.yield %scan3A_46 : i32
    }
    %scan3A_17 = arith.constant 16 : i32
    %barrier3A = arith.constant 0 : index
    tpu.barrier barrier_id(%barrier3A)
    %mul3A_18 = arith.constant 10000 : i32
    %mul3A_19 = arith.muli %arg1, %mul3A_18 : i32
    %scan3A_20 = arith.constant 0 : i32
    %scan3A_21 = arith.constant 0 : i32
    %scan3A_22 = arith.constant 62 : i32
    %scan3A_23 = arith.addi %scan3A_21, %scan3A_22 : i32
    %scan3A_24 = arith.constant 1 : i32
    %scan3A_25 = scf.for %scan3A_40 = %scan3A_21 to %scan3A_23 step %scan3A_24 iter_args(%scan3A_41 = %scan3A_20) -> (i32)  : i32 {
      %mul3A_42 = arith.constant 2 : i32
      %mul3A_43 = arith.muli %mul3A_42, %scan3A_40 : i32
      %add3A_44 = arith.constant 0 : i32
      %add3A_45 = arith.addi %mul3A_43, %add3A_44 : i32
      %mul3A_46 = arith.constant 80 : i32
      %mul3A_47 = arith.muli %add3A_45, %mul3A_46 : i32
      %add3A_48 = arith.addi %mul3A_19, %mul3A_47 : i32
      %multiple_of3A_49 = tpu.assume_multiple %add3A_48, 8 : i32
      %gt3A = arith.constant 0 : i32
      %gt3A_50 = arith.cmpi sgt, %scan3A_40, %gt3A : i32
      %convert_element_type3A = arith.extui %gt3A_50 : i1 to i32
      %cond3A = arith.constant 0 : i32
      %cond3A_51 = arith.cmpi ne, %convert_element_type3A, %cond3A : i32
      scf.if %cond3A_51 {
        %dma_wait3A_104 = arith.constant 0 : i32
        %dma_wait3A_105 = arith.constant 0 : i32
        %dma_wait3A_106 = tpu.memref_slice %arg5[%dma_wait3A_104, %dma_wait3A_105] : memref<10000x128xf32, #tpu.memory_space<vmem_shared>> -> memref<10000x128xf32, #tpu.memory_space<vmem_shared>>
        tpu.wait_indirect_dma semaphore(%arg15 : memref<!tpu.dma_semaphore, #tpu.memory_space<semaphore_mem>>) src(%arg7 : memref<80x128xf32, #tpu.memory_space<vmem>>) dst(%dma_wait3A_106 : memref<10000x128xf32, #tpu.memory_space<vmem_shared>>)
      } else {
      }
      %dma_start3A_52 = tpu.memref_slice %arg3[%multiple_of3A_49] : memref<160000xi32, #tpu.memory_space<hbm>> -> memref<80xi32, #tpu.memory_space<hbm>>
      %dma_start3A_53 = tpu.memref_slice %arg3[%multiple_of3A_49] : memref<160000xi32, #tpu.memory_space<hbm>> -> memref<80xi32, #tpu.memory_space<hbm>>
      tpu.enqueue_dma source(%dma_start3A_53 : memref<80xi32, #tpu.memory_space<hbm>>) target(%arg9 : memref<80xi32, #tpu.memory_space<vmem>>) target_semaphore(%arg13 : memref<!tpu.dma_semaphore, #tpu.memory_space<semaphore_mem>>)
      %dma_start3A_54 = tpu.memref_slice %arg2[%multiple_of3A_49, %mul3A_0] : memref<160000x256xf32, #tpu.memory_space<hbm>> -> memref<80x128xf32, #tpu.memory_space<hbm>>
      %dma_start3A_55 = tpu.memref_slice %arg2[%multiple_of3A_49, %mul3A_0] : memref<160000x256xf32, #tpu.memory_space<hbm>> -> memref<80x128xf32, #tpu.memory_space<hbm>>
      tpu.enqueue_dma source(%dma_start3A_55 : memref<80x128xf32, #tpu.memory_space<hbm>>) target(%arg7 : memref<80x128xf32, #tpu.memory_space<vmem>>) target_semaphore(%arg11 : memref<!tpu.dma_semaphore, #tpu.memory_space<semaphore_mem>>)
      %mul3A_56 = arith.constant 2 : i32
      %mul3A_57 = arith.muli %mul3A_56, %scan3A_40 : i32
      %add3A_58 = arith.constant 1 : i32
      %add3A_59 = arith.addi %mul3A_57, %add3A_58 : i32
      %mul3A_60 = arith.constant 80 : i32
      %mul3A_61 = arith.muli %add3A_59, %mul3A_60 : i32
      %add3A_62 = arith.addi %mul3A_19, %mul3A_61 : i32
      %multiple_of3A_63 = tpu.assume_multiple %add3A_62, 8 : i32
      %gt3A_64 = arith.constant 0 : i32
      %gt3A_65 = arith.cmpi sgt, %scan3A_40, %gt3A_64 : i32
      %convert_element_type3A_66 = arith.extui %gt3A_65 : i1 to i32
      %cond3A_67 = arith.constant 0 : i32
      %cond3A_68 = arith.cmpi ne, %convert_element_type3A_66, %cond3A_67 : i32
      scf.if %cond3A_68 {
        %dma_wait3A_104 = arith.constant 0 : i32
        %dma_wait3A_105 = arith.constant 0 : i32
        %dma_wait3A_106 = tpu.memref_slice %arg5[%dma_wait3A_104, %dma_wait3A_105] : memref<10000x128xf32, #tpu.memory_space<vmem_shared>> -> memref<10000x128xf32, #tpu.memory_space<vmem_shared>>
        tpu.wait_indirect_dma semaphore(%arg16 : memref<!tpu.dma_semaphore, #tpu.memory_space<semaphore_mem>>) src(%arg8 : memref<80x128xf32, #tpu.memory_space<vmem>>) dst(%dma_wait3A_106 : memref<10000x128xf32, #tpu.memory_space<vmem_shared>>)
      } else {
      }
      %dma_start3A_69 = tpu.memref_slice %arg3[%multiple_of3A_63] : memref<160000xi32, #tpu.memory_space<hbm>> -> memref<80xi32, #tpu.memory_space<hbm>>
      %dma_start3A_70 = tpu.memref_slice %arg3[%multiple_of3A_63] : memref<160000xi32, #tpu.memory_space<hbm>> -> memref<80xi32, #tpu.memory_space<hbm>>
      tpu.enqueue_dma source(%dma_start3A_70 : memref<80xi32, #tpu.memory_space<hbm>>) target(%arg10 : memref<80xi32, #tpu.memory_space<vmem>>) target_semaphore(%arg14 : memref<!tpu.dma_semaphore, #tpu.memory_space<semaphore_mem>>)
      %dma_start3A_71 = tpu.memref_slice %arg2[%multiple_of3A_63, %mul3A_0] : memref<160000x256xf32, #tpu.memory_space<hbm>> -> memref<80x128xf32, #tpu.memory_space<hbm>>
      %dma_start3A_72 = tpu.memref_slice %arg2[%multiple_of3A_63, %mul3A_0] : memref<160000x256xf32, #tpu.memory_space<hbm>> -> memref<80x128xf32, #tpu.memory_space<hbm>>
      tpu.enqueue_dma source(%dma_start3A_72 : memref<80x128xf32, #tpu.memory_space<hbm>>) target(%arg8 : memref<80x128xf32, #tpu.memory_space<vmem>>) target_semaphore(%arg12 : memref<!tpu.dma_semaphore, #tpu.memory_space<semaphore_mem>>)
      %mul3A_73 = arith.constant 2 : i32
      %mul3A_74 = arith.muli %mul3A_73, %scan3A_40 : i32
      %add3A_75 = arith.constant 0 : i32
      %add3A_76 = arith.addi %mul3A_74, %add3A_75 : i32
      %mul3A_77 = arith.constant 80 : i32
      %mul3A_78 = arith.muli %add3A_76, %mul3A_77 : i32
      %add3A_79 = arith.addi %mul3A_19, %mul3A_78 : i32
      %multiple_of3A_80 = tpu.assume_multiple %add3A_79, 8 : i32
      %dma_wait3A_81 = tpu.memref_slice %arg3[%multiple_of3A_80] : memref<160000xi32, #tpu.memory_space<hbm>> -> memref<80xi32, #tpu.memory_space<hbm>>
      %dma_wait3A_82 = tpu.memref_slice %arg3[%multiple_of3A_80] : memref<160000xi32, #tpu.memory_space<hbm>> -> memref<80xi32, #tpu.memory_space<hbm>>
      tpu.wait_dma2 semaphore(%arg13 : memref<!tpu.dma_semaphore, #tpu.memory_space<semaphore_mem>>) src(%dma_wait3A_82 : memref<80xi32, #tpu.memory_space<hbm>>) dst(%arg9 : memref<80xi32, #tpu.memory_space<vmem>>)
      %dma_wait3A_83 = tpu.memref_slice %arg2[%multiple_of3A_80, %mul3A_0] : memref<160000x256xf32, #tpu.memory_space<hbm>> -> memref<80x128xf32, #tpu.memory_space<hbm>>
      %dma_wait3A_84 = tpu.memref_slice %arg2[%multiple_of3A_80, %mul3A_0] : memref<160000x256xf32, #tpu.memory_space<hbm>> -> memref<80x128xf32, #tpu.memory_space<hbm>>
      tpu.wait_dma2 semaphore(%arg11 : memref<!tpu.dma_semaphore, #tpu.memory_space<semaphore_mem>>) src(%dma_wait3A_84 : memref<80x128xf32, #tpu.memory_space<hbm>>) dst(%arg7 : memref<80x128xf32, #tpu.memory_space<vmem>>)
      %dma_start3A_85 = arith.constant 0 : i32
      %dma_start3A_86 = arith.constant 0 : i32
      %dma_start3A_87 = tpu.memref_slice %arg5[%dma_start3A_85, %dma_start3A_86] : memref<10000x128xf32, #tpu.memory_space<vmem_shared>> -> memref<10000x128xf32, #tpu.memory_space<vmem_shared>>
      tpu.enqueue_indirect_dma source(%arg7 : memref<80x128xf32, #tpu.memory_space<vmem>>) target(%dma_start3A_87 : memref<10000x128xf32, #tpu.memory_space<vmem_shared>>) offsets(%arg9 : memref<80xi32, #tpu.memory_space<vmem>>) semaphore(%arg15 : memref<!tpu.dma_semaphore, #tpu.memory_space<semaphore_mem>>) {add = true}
      %mul3A_88 = arith.constant 2 : i32
      %mul3A_89 = arith.muli %mul3A_88, %scan3A_40 : i32
      %add3A_90 = arith.constant 1 : i32
      %add3A_91 = arith.addi %mul3A_89, %add3A_90 : i32
      %mul3A_92 = arith.constant 80 : i32
      %mul3A_93 = arith.muli %add3A_91, %mul3A_92 : i32
      %add3A_94 = arith.addi %mul3A_19, %mul3A_93 : i32
      %multiple_of3A_95 = tpu.assume_multiple %add3A_94, 8 : i32
      %dma_wait3A_96 = tpu.memref_slice %arg3[%multiple_of3A_95] : memref<160000xi32, #tpu.memory_space<hbm>> -> memref<80xi32, #tpu.memory_space<hbm>>
      %dma_wait3A_97 = tpu.memref_slice %arg3[%multiple_of3A_95] : memref<160000xi32, #tpu.memory_space<hbm>> -> memref<80xi32, #tpu.memory_space<hbm>>
      tpu.wait_dma2 semaphore(%arg14 : memref<!tpu.dma_semaphore, #tpu.memory_space<semaphore_mem>>) src(%dma_wait3A_97 : memref<80xi32, #tpu.memory_space<hbm>>) dst(%arg10 : memref<80xi32, #tpu.memory_space<vmem>>)
      %dma_wait3A_98 = tpu.memref_slice %arg2[%multiple_of3A_95, %mul3A_0] : memref<160000x256xf32, #tpu.memory_space<hbm>> -> memref<80x128xf32, #tpu.memory_space<hbm>>
      %dma_wait3A_99 = tpu.memref_slice %arg2[%multiple_of3A_95, %mul3A_0] : memref<160000x256xf32, #tpu.memory_space<hbm>> -> memref<80x128xf32, #tpu.memory_space<hbm>>
      tpu.wait_dma2 semaphore(%arg12 : memref<!tpu.dma_semaphore, #tpu.memory_space<semaphore_mem>>) src(%dma_wait3A_99 : memref<80x128xf32, #tpu.memory_space<hbm>>) dst(%arg8 : memref<80x128xf32, #tpu.memory_space<vmem>>)
      %dma_start3A_100 = arith.constant 0 : i32
      %dma_start3A_101 = arith.constant 0 : i32
      %dma_start3A_102 = tpu.memref_slice %arg5[%dma_start3A_100, %dma_start3A_101] : memref<10000x128xf32, #tpu.memory_space<vmem_shared>> -> memref<10000x128xf32, #tpu.memory_space<vmem_shared>>
      tpu.enqueue_indirect_dma source(%arg8 : memref<80x128xf32, #tpu.memory_space<vmem>>) target(%dma_start3A_102 : memref<10000x128xf32, #tpu.memory_space<vmem_shared>>) offsets(%arg10 : memref<80xi32, #tpu.memory_space<vmem>>) semaphore(%arg16 : memref<!tpu.dma_semaphore, #tpu.memory_space<semaphore_mem>>) {add = true}
      %scan3A_103 = arith.constant 0 : i32
      scf.yield %scan3A_103 : i32
    }
    %scan3A_26 = arith.constant 62 : i32
    %add3A = arith.constant 9920 : i32
    %add3A_27 = arith.addi %mul3A_19, %add3A : i32
    %multiple_of3A_28 = tpu.assume_multiple %add3A_27, 8 : i32
    %dma_wait3A = arith.constant 0 : i32
    %dma_wait3A_29 = arith.constant 0 : i32
    %dma_wait3A_30 = tpu.memref_slice %arg5[%dma_wait3A, %dma_wait3A_29] : memref<10000x128xf32, #tpu.memory_space<vmem_shared>> -> memref<10000x128xf32, #tpu.memory_space<vmem_shared>>
    tpu.wait_indirect_dma semaphore(%arg15 : memref<!tpu.dma_semaphore, #tpu.memory_space<semaphore_mem>>) src(%arg7 : memref<80x128xf32, #tpu.memory_space<vmem>>) dst(%dma_wait3A_30 : memref<10000x128xf32, #tpu.memory_space<vmem_shared>>)
    "tpu.region"() ({
      %run_scoped3A = tpu.sem_alloc : memref<!tpu.dma_semaphore, #tpu.memory_space<semaphore_mem>>
      %dma_start3A_40 = tpu.memref_slice %arg3[%multiple_of3A_28] : memref<160000xi32, #tpu.memory_space<hbm>> -> memref<80xi32, #tpu.memory_space<hbm>>
      %dma_start3A_41 = tpu.memref_slice %arg3[%multiple_of3A_28] : memref<160000xi32, #tpu.memory_space<hbm>> -> memref<80xi32, #tpu.memory_space<hbm>>
      tpu.enqueue_dma source(%dma_start3A_41 : memref<80xi32, #tpu.memory_space<hbm>>) target(%arg9 : memref<80xi32, #tpu.memory_space<vmem>>) target_semaphore(%run_scoped3A : memref<!tpu.dma_semaphore, #tpu.memory_space<semaphore_mem>>)
      %dma_wait3A_42 = tpu.memref_slice %arg3[%multiple_of3A_28] : memref<160000xi32, #tpu.memory_space<hbm>> -> memref<80xi32, #tpu.memory_space<hbm>>
      %dma_wait3A_43 = tpu.memref_slice %arg3[%multiple_of3A_28] : memref<160000xi32, #tpu.memory_space<hbm>> -> memref<80xi32, #tpu.memory_space<hbm>>
      tpu.wait_dma2 semaphore(%run_scoped3A : memref<!tpu.dma_semaphore, #tpu.memory_space<semaphore_mem>>) src(%dma_wait3A_43 : memref<80xi32, #tpu.memory_space<hbm>>) dst(%arg9 : memref<80xi32, #tpu.memory_space<vmem>>)
      tpu.yield
    }) : () -> ()
    "tpu.region"() ({
      %run_scoped3A = tpu.sem_alloc : memref<!tpu.dma_semaphore, #tpu.memory_space<semaphore_mem>>
      %dma_start3A_40 = tpu.memref_slice %arg2[%multiple_of3A_28, %mul3A_0] : memref<160000x256xf32, #tpu.memory_space<hbm>> -> memref<80x128xf32, #tpu.memory_space<hbm>>
      %dma_start3A_41 = tpu.memref_slice %arg2[%multiple_of3A_28, %mul3A_0] : memref<160000x256xf32, #tpu.memory_space<hbm>> -> memref<80x128xf32, #tpu.memory_space<hbm>>
      tpu.enqueue_dma source(%dma_start3A_41 : memref<80x128xf32, #tpu.memory_space<hbm>>) target(%arg7 : memref<80x128xf32, #tpu.memory_space<vmem>>) target_semaphore(%run_scoped3A : memref<!tpu.dma_semaphore, #tpu.memory_space<semaphore_mem>>)
      %dma_wait3A_42 = tpu.memref_slice %arg2[%multiple_of3A_28, %mul3A_0] : memref<160000x256xf32, #tpu.memory_space<hbm>> -> memref<80x128xf32, #tpu.memory_space<hbm>>
      %dma_wait3A_43 = tpu.memref_slice %arg2[%multiple_of3A_28, %mul3A_0] : memref<160000x256xf32, #tpu.memory_space<hbm>> -> memref<80x128xf32, #tpu.memory_space<hbm>>
      tpu.wait_dma2 semaphore(%run_scoped3A : memref<!tpu.dma_semaphore, #tpu.memory_space<semaphore_mem>>) src(%dma_wait3A_43 : memref<80x128xf32, #tpu.memory_space<hbm>>) dst(%arg7 : memref<80x128xf32, #tpu.memory_space<vmem>>)
      tpu.yield
    }) : () -> ()
    %dma_start3A = arith.constant 0 : i32
    %dma_start3A_31 = arith.constant 0 : i32
    %dma_start3A_32 = tpu.memref_slice %arg5[%dma_start3A, %dma_start3A_31] : memref<10000x128xf32, #tpu.memory_space<vmem_shared>> -> memref<10000x128xf32, #tpu.memory_space<vmem_shared>>
    tpu.enqueue_indirect_dma source(%arg7 : memref<80x128xf32, #tpu.memory_space<vmem>>) target(%dma_start3A_32 : memref<10000x128xf32, #tpu.memory_space<vmem_shared>>) offsets(%arg9 : memref<80xi32, #tpu.memory_space<vmem>>) semaphore(%arg15 : memref<!tpu.dma_semaphore, #tpu.memory_space<semaphore_mem>>) {add = true}
    %dma_wait3A_33 = arith.constant 0 : i32
    %dma_wait3A_34 = arith.constant 0 : i32
    %dma_wait3A_35 = tpu.memref_slice %arg5[%dma_wait3A_33, %dma_wait3A_34] : memref<10000x128xf32, #tpu.memory_space<vmem_shared>> -> memref<10000x128xf32, #tpu.memory_space<vmem_shared>>
    tpu.wait_indirect_dma semaphore(%arg15 : memref<!tpu.dma_semaphore, #tpu.memory_space<semaphore_mem>>) src(%arg7 : memref<80x128xf32, #tpu.memory_space<vmem>>) dst(%dma_wait3A_35 : memref<10000x128xf32, #tpu.memory_space<vmem_shared>>)
    %dma_wait3A_36 = arith.constant 0 : i32
    %dma_wait3A_37 = arith.constant 0 : i32
    %dma_wait3A_38 = tpu.memref_slice %arg5[%dma_wait3A_36, %dma_wait3A_37] : memref<10000x128xf32, #tpu.memory_space<vmem_shared>> -> memref<10000x128xf32, #tpu.memory_space<vmem_shared>>
    tpu.wait_indirect_dma semaphore(%arg16 : memref<!tpu.dma_semaphore, #tpu.memory_space<semaphore_mem>>) src(%arg8 : memref<80x128xf32, #tpu.memory_space<vmem>>) dst(%dma_wait3A_38 : memref<10000x128xf32, #tpu.memory_space<vmem_shared>>)
    %barrier3A_39 = arith.constant 0 : index
    tpu.barrier barrier_id(%barrier3A_39)
    "tpu.region"() ({
      %run_scoped3A = tpu.sem_alloc : memref<!tpu.dma_semaphore, #tpu.memory_space<semaphore_mem>>
      %dma_start3A_40 = tpu.memref_slice %arg4[%multiple_of3A, %mul3A_0] : memref<10000x256xf32, #tpu.memory_space<hbm>> -> memref<640x128xf32, #tpu.memory_space<hbm>>
      %dma_start3A_41 = arith.constant 0 : i32
      %dma_start3A_42 = tpu.memref_slice %arg5[%multiple_of3A, %dma_start3A_41] : memref<10000x128xf32, #tpu.memory_space<vmem_shared>> -> memref<640x128xf32, #tpu.memory_space<vmem_shared>>
      tpu.enqueue_dma source(%dma_start3A_42 : memref<640x128xf32, #tpu.memory_space<vmem_shared>>) target(%dma_start3A_40 : memref<640x128xf32, #tpu.memory_space<hbm>>) target_semaphore(%run_scoped3A : memref<!tpu.dma_semaphore, #tpu.memory_space<semaphore_mem>>)
      %dma_wait3A_43 = tpu.memref_slice %arg4[%multiple_of3A, %mul3A_0] : memref<10000x256xf32, #tpu.memory_space<hbm>> -> memref<640x128xf32, #tpu.memory_space<hbm>>
      %dma_wait3A_44 = arith.constant 0 : i32
      %dma_wait3A_45 = tpu.memref_slice %arg5[%multiple_of3A, %dma_wait3A_44] : memref<10000x128xf32, #tpu.memory_space<vmem_shared>> -> memref<640x128xf32, #tpu.memory_space<vmem_shared>>
      tpu.wait_dma2 semaphore(%run_scoped3A : memref<!tpu.dma_semaphore, #tpu.memory_space<semaphore_mem>>) src(%dma_wait3A_45 : memref<640x128xf32, #tpu.memory_space<vmem_shared>>) dst(%dma_wait3A_43 : memref<640x128xf32, #tpu.memory_space<hbm>>)
      tpu.yield
    }) : () -> ()
    return
  }
}

module attributes {stable_mosaic.version = 14 : i64} {
  func.func @_ffn_body(%arg0: i32, %arg1: memref<1600x256xf32, #tpu.memory_space<vmem>>, %arg2: memref<8x256xf32, #tpu.memory_space<vmem>>, %arg3: memref<256x512xf32, #tpu.memory_space<vmem>>, %arg4: memref<1x512xf32, #tpu.memory_space<vmem>>, %arg5: memref<512x256xf32, #tpu.memory_space<vmem>>, %arg6: memref<1x256xf32, #tpu.memory_space<vmem>>, %arg7: memref<1600x256xf32, #tpu.memory_space<vmem>>, %arg8: memref<8x256xf32, #tpu.memory_space<vmem>>) attributes {dimension_semantics = [#tpu.dimension_semantics<arbitrary>], iteration_bounds = array<i64: 100>, scalar_prefetch = 0 : i64, scratch_operands = 0 : i64, tpu.core_type = #tpu.core_type<tc>, window_params = [{transform_indices = @transform_0, window_bounds = array<i64: 1600, 256>}, {pipeline_mode = #tpu.pipeline_mode<synchronous>, transform_indices = @transform_1, window_bounds = array<i64: 8, 256>}, {pipeline_mode = #tpu.pipeline_mode<synchronous>, transform_indices = @transform_2, window_bounds = array<i64: 256, 512>}, {pipeline_mode = #tpu.pipeline_mode<synchronous>, transform_indices = @transform_3, window_bounds = array<i64: 1, 512>}, {pipeline_mode = #tpu.pipeline_mode<synchronous>, transform_indices = @transform_4, window_bounds = array<i64: 512, 256>}, {pipeline_mode = #tpu.pipeline_mode<synchronous>, transform_indices = @transform_5, window_bounds = array<i64: 1, 256>}, {transform_indices = @transform_6, window_bounds = array<i64: 1600, 256>}, {pipeline_mode = #tpu.pipeline_mode<synchronous>, transform_indices = @transform_7, window_bounds = array<i64: 8, 256>}]} {
    %get3A = arith.constant 0 : index
    %get3A_0 = arith.constant 0 : index
    %get3A_1 = vector.load %arg2[%get3A, %get3A_0] : memref<8x256xf32, #tpu.memory_space<vmem>>, vector<1x256xf32>
    %mul3A = arith.constant 6.250000e-06 : f32
    %mul3A_2 = vector.broadcast %mul3A : f32 to vector<1x256xf32>
    %mul3A_3 = arith.mulf %get3A_1, %mul3A_2 : vector<1x256xf32>
    %get3A_4 = arith.constant 1 : index
    %get3A_5 = arith.constant 0 : index
    %get3A_6 = vector.load %arg2[%get3A_4, %get3A_5] : memref<8x256xf32, #tpu.memory_space<vmem>>, vector<1x256xf32>
    %mul3A_7 = arith.constant 6.250000e-06 : f32
    %mul3A_8 = vector.broadcast %mul3A_7 : f32 to vector<1x256xf32>
    %mul3A_9 = arith.mulf %get3A_6, %mul3A_8 : vector<1x256xf32>
    %mul3A_10 = arith.mulf %mul3A_3, %mul3A_3 : vector<1x256xf32>
    %sub3A = arith.subf %mul3A_9, %mul3A_10 : vector<1x256xf32>
    %add3A = arith.constant 9.99999974E-6 : f32
    %add3A_11 = vector.broadcast %add3A : f32 to vector<1x256xf32>
    %add3A_12 = arith.addf %sub3A, %add3A_11 : vector<1x256xf32>
    %rsqrt3A = math.rsqrt %add3A_12 : vector<1x256xf32>
    %get3A_13 = arith.constant 0 : index
    %get3A_14 = arith.constant 0 : index
    %get3A_15 = vector.load %arg1[%get3A_13, %get3A_14] : memref<1600x256xf32, #tpu.memory_space<vmem>>, vector<1600x256xf32>
    %sub3A_16 = vector.broadcast %mul3A_3 : vector<1x256xf32> to vector<1600x256xf32>
    %sub3A_17 = arith.subf %get3A_15, %sub3A_16 : vector<1600x256xf32>
    %mul3A_18 = vector.broadcast %rsqrt3A : vector<1x256xf32> to vector<1600x256xf32>
    %mul3A_19 = arith.mulf %sub3A_17, %mul3A_18 : vector<1600x256xf32>
    %get3A_20 = arith.constant 0 : index
    %get3A_21 = arith.constant 0 : index
    %get3A_22 = vector.load %arg3[%get3A_20, %get3A_21] : memref<256x512xf32, #tpu.memory_space<vmem>>, vector<256x512xf32>
    %dot_general3A = arith.constant dense<0.000000e+00> : vector<1600x512xf32>
    %dot_general3A_23 = tpu.matmul %mul3A_19, %get3A_22, %dot_general3A {dimension_numbers = #tpu.dot_dimension_numbers<[1], [0], [0], [1], [0, 0, 1, 1], [], []>, transpose_lhs_hint = false} : vector<1600x256xf32>, vector<256x512xf32>, vector<1600x512xf32> -> vector<1600x512xf32>
    %get3A_24 = arith.constant 0 : index
    %get3A_25 = arith.constant 0 : index
    %get3A_26 = vector.load %arg4[%get3A_24, %get3A_25] : memref<1x512xf32, #tpu.memory_space<vmem>>, vector<1x512xf32>
    %add3A_27 = vector.broadcast %get3A_26 : vector<1x512xf32> to vector<1600x512xf32>
    %add3A_28 = arith.addf %dot_general3A_23, %add3A_27 : vector<1600x512xf32>
    %max3A = arith.constant 0.000000e+00 : f32
    %max3A_29 = vector.broadcast %max3A : f32 to vector<1600x512xf32>
    %max3A_30 = arith.maximumf %add3A_28, %max3A_29 : vector<1600x512xf32>
    %get3A_31 = arith.constant 0 : index
    %get3A_32 = arith.constant 0 : index
    %get3A_33 = vector.load %arg5[%get3A_31, %get3A_32] : memref<512x256xf32, #tpu.memory_space<vmem>>, vector<512x256xf32>
    %dot_general3A_34 = arith.constant dense<0.000000e+00> : vector<1600x256xf32>
    %dot_general3A_35 = tpu.matmul %max3A_30, %get3A_33, %dot_general3A_34 {dimension_numbers = #tpu.dot_dimension_numbers<[1], [0], [0], [1], [0, 0, 1, 1], [], []>, transpose_lhs_hint = false} : vector<1600x512xf32>, vector<512x256xf32>, vector<1600x256xf32> -> vector<1600x256xf32>
    %add3A_36 = arith.addf %mul3A_19, %dot_general3A_35 : vector<1600x256xf32>
    %get3A_37 = arith.constant 0 : index
    %get3A_38 = arith.constant 0 : index
    %get3A_39 = vector.load %arg6[%get3A_37, %get3A_38] : memref<1x256xf32, #tpu.memory_space<vmem>>, vector<1x256xf32>
    %add3A_40 = vector.broadcast %get3A_39 : vector<1x256xf32> to vector<1600x256xf32>
    %add3A_41 = arith.addf %add3A_36, %add3A_40 : vector<1600x256xf32>
    %swap3A = arith.constant 0 : index
    %swap3A_42 = arith.constant 0 : index
    %swap3A_43 = vector.load %arg7[%swap3A, %swap3A_42] : memref<1600x256xf32, #tpu.memory_space<vmem>>, vector<1600x256xf32>
    tpu.vector_store %arg7[%swap3A, %swap3A_42], %add3A_41 {strides = array<i32>} : memref<1600x256xf32, #tpu.memory_space<vmem>>, vector<1600x256xf32>,
    %eq3A = arith.constant 0 : i32
    %eq3A_44 = arith.cmpi eq, %arg0, %eq3A : i32
    %convert_element_type3A = arith.extui %eq3A_44 : i1 to i32
    %cond3A = arith.constant 0 : i32
    %cond3A_45 = arith.cmpi ne, %convert_element_type3A, %cond3A : i32
    scf.if %cond3A_45 {
      %broadcast_in_dim3A_65 = arith.constant 0.000000e+00 : f32
      %broadcast_in_dim3A_66 = vector.broadcast %broadcast_in_dim3A_65 : f32 to vector<8x256xf32>
      %swap3A_67 = arith.constant 0 : index
      %swap3A_68 = arith.constant 0 : index
      %swap3A_69 = vector.load %arg8[%swap3A_67, %swap3A_68] : memref<8x256xf32, #tpu.memory_space<vmem>>, vector<8x256xf32>
      tpu.vector_store %arg8[%swap3A_67, %swap3A_68], %broadcast_in_dim3A_66 {strides = array<i32>} : memref<8x256xf32, #tpu.memory_space<vmem>>, vector<8x256xf32>,
    } else {
    }
    %get3A_46 = arith.constant 0 : index
    %get3A_47 = arith.constant 0 : index
    %get3A_48 = vector.load %arg8[%get3A_46, %get3A_47] : memref<8x256xf32, #tpu.memory_space<vmem>>, vector<1x256xf32>
    %reduce_sum3A = arith.constant dense<0.000000e+00> : vector<256xf32>
    %reduce_sum3A_49 = vector.multi_reduction <add>, %add3A_41, %reduce_sum3A [0] : vector<1600x256xf32> to vector<256xf32>
    %broadcast_in_dim3A = vector.shape_cast %reduce_sum3A_49 : vector<256xf32> to vector<1x256xf32>
    %add3A_50 = arith.addf %get3A_48, %broadcast_in_dim3A : vector<1x256xf32>
    %swap3A_51 = arith.constant 0 : index
    %swap3A_52 = arith.constant 0 : index
    %swap3A_53 = vector.load %arg8[%swap3A_51, %swap3A_52] : memref<8x256xf32, #tpu.memory_space<vmem>>, vector<1x256xf32>
    tpu.vector_store %arg8[%swap3A_51, %swap3A_52], %add3A_50 {strides = array<i32>} : memref<8x256xf32, #tpu.memory_space<vmem>>, vector<1x256xf32>,
    %get3A_54 = arith.constant 1 : index
    %get3A_55 = arith.constant 0 : index
    %get3A_56 = vector.load %arg8[%get3A_54, %get3A_55] : memref<8x256xf32, #tpu.memory_space<vmem>>, vector<1x256xf32>
    %mul3A_57 = arith.mulf %add3A_41, %add3A_41 : vector<1600x256xf32>
    %reduce_sum3A_58 = arith.constant dense<0.000000e+00> : vector<256xf32>
    %reduce_sum3A_59 = vector.multi_reduction <add>, %mul3A_57, %reduce_sum3A_58 [0] : vector<1600x256xf32> to vector<256xf32>
    %broadcast_in_dim3A_60 = vector.shape_cast %reduce_sum3A_59 : vector<256xf32> to vector<1x256xf32>
    %add3A_61 = arith.addf %get3A_56, %broadcast_in_dim3A_60 : vector<1x256xf32>
    %swap3A_62 = arith.constant 1 : index
    %swap3A_63 = arith.constant 0 : index
    %swap3A_64 = vector.load %arg8[%swap3A_62, %swap3A_63] : memref<8x256xf32, #tpu.memory_space<vmem>>, vector<1x256xf32>
    tpu.vector_store %arg8[%swap3A_62, %swap3A_63], %add3A_61 {strides = array<i32>} : memref<8x256xf32, #tpu.memory_space<vmem>>, vector<1x256xf32>,
    return
  }
  func.func @transform_0(%arg0: i32) -> (i32, i32) {
    %c0_i32 = arith.constant 0 : i32
    %c0_i32_0 = arith.constant 0 : i32
    return %arg0, %c0_i32 : i32, i32
  }
  func.func @transform_1(%arg0: i32) -> (i32, i32) {
    %c0_i32 = arith.constant 0 : i32
    %c0_i32_0 = arith.constant 0 : i32
    %c0_i32_1 = arith.constant 0 : i32
    return %c0_i32, %c0_i32_0 : i32, i32
  }
  func.func @transform_2(%arg0: i32) -> (i32, i32) {
    %c0_i32 = arith.constant 0 : i32
    %c0_i32_0 = arith.constant 0 : i32
    %c0_i32_1 = arith.constant 0 : i32
    return %c0_i32, %c0_i32_0 : i32, i32
  }
  func.func @transform_3(%arg0: i32) -> (i32, i32) {
    %c0_i32 = arith.constant 0 : i32
    %c0_i32_0 = arith.constant 0 : i32
    %c0_i32_1 = arith.constant 0 : i32
    return %c0_i32, %c0_i32_0 : i32, i32
  }
  func.func @transform_4(%arg0: i32) -> (i32, i32) {
    %c0_i32 = arith.constant 0 : i32
    %c0_i32_0 = arith.constant 0 : i32
    %c0_i32_1 = arith.constant 0 : i32
    return %c0_i32, %c0_i32_0 : i32, i32
  }
  func.func @transform_5(%arg0: i32) -> (i32, i32) {
    %c0_i32 = arith.constant 0 : i32
    %c0_i32_0 = arith.constant 0 : i32
    %c0_i32_1 = arith.constant 0 : i32
    return %c0_i32, %c0_i32_0 : i32, i32
  }
  func.func @transform_6(%arg0: i32) -> (i32, i32) {
    %c0_i32 = arith.constant 0 : i32
    %c0_i32_0 = arith.constant 0 : i32
    return %arg0, %c0_i32 : i32, i32
  }
  func.func @transform_7(%arg0: i32) -> (i32, i32) {
    %c0_i32 = arith.constant 0 : i32
    %c0_i32_0 = arith.constant 0 : i32
    %c0_i32_1 = arith.constant 0 : i32
    return %c0_i32, %c0_i32_0 : i32, i32
  }
}

module attributes {stable_mosaic.version = 14 : i64} {
  func.func @_qkv_body(%arg0: i32, %arg1: memref<1000x256xf32, #tpu.memory_space<vmem>>, %arg2: memref<256x256xf32, #tpu.memory_space<vmem>>, %arg3: memref<256x256xf32, #tpu.memory_space<vmem>>, %arg4: memref<256x256xf32, #tpu.memory_space<vmem>>, %arg5: memref<1000x256xf32, #tpu.memory_space<vmem>>, %arg6: memref<1000x512xf32, #tpu.memory_space<vmem>>) attributes {dimension_semantics = [#tpu.dimension_semantics<arbitrary>], iteration_bounds = array<i64: 10>, scalar_prefetch = 0 : i64, scratch_operands = 0 : i64, tpu.core_type = #tpu.core_type<tc>, window_params = [{transform_indices = @transform_0, window_bounds = array<i64: 1000, 256>}, {pipeline_mode = #tpu.pipeline_mode<synchronous>, transform_indices = @transform_1, window_bounds = array<i64: 256, 256>}, {pipeline_mode = #tpu.pipeline_mode<synchronous>, transform_indices = @transform_2, window_bounds = array<i64: 256, 256>}, {pipeline_mode = #tpu.pipeline_mode<synchronous>, transform_indices = @transform_3, window_bounds = array<i64: 256, 256>}, {transform_indices = @transform_4, window_bounds = array<i64: 1000, 256>}, {transform_indices = @transform_5, window_bounds = array<i64: 1000, 512>}]} {
    %get3A = arith.constant 0 : index
    %get3A_0 = arith.constant 0 : index
    %get3A_1 = vector.load %arg1[%get3A, %get3A_0] : memref<1000x256xf32, #tpu.memory_space<vmem>>, vector<1000x256xf32>
    %get3A_2 = arith.constant 0 : index
    %get3A_3 = arith.constant 0 : index
    %get3A_4 = vector.load %arg2[%get3A_2, %get3A_3] : memref<256x256xf32, #tpu.memory_space<vmem>>, vector<256x256xf32>
    %dot_general3A = arith.constant dense<0.000000e+00> : vector<1000x256xf32>
    %dot_general3A_5 = tpu.matmul %get3A_1, %get3A_4, %dot_general3A {dimension_numbers = #tpu.dot_dimension_numbers<[1], [0], [0], [1], [0, 0, 1, 1], [], []>, transpose_lhs_hint = false} : vector<1000x256xf32>, vector<256x256xf32>, vector<1000x256xf32> -> vector<1000x256xf32>
    %swap3A = arith.constant 0 : index
    %swap3A_6 = arith.constant 0 : index
    %swap3A_7 = vector.load %arg5[%swap3A, %swap3A_6] : memref<1000x256xf32, #tpu.memory_space<vmem>>, vector<1000x256xf32>
    tpu.vector_store %arg5[%swap3A, %swap3A_6], %dot_general3A_5 {strides = array<i32>} : memref<1000x256xf32, #tpu.memory_space<vmem>>, vector<1000x256xf32>,
    %get3A_8 = arith.constant 0 : index
    %get3A_9 = arith.constant 0 : index
    %get3A_10 = vector.load %arg3[%get3A_8, %get3A_9] : memref<256x256xf32, #tpu.memory_space<vmem>>, vector<256x256xf32>
    %dot_general3A_11 = arith.constant dense<0.000000e+00> : vector<1000x256xf32>
    %dot_general3A_12 = tpu.matmul %get3A_1, %get3A_10, %dot_general3A_11 {dimension_numbers = #tpu.dot_dimension_numbers<[1], [0], [0], [1], [0, 0, 1, 1], [], []>, transpose_lhs_hint = false} : vector<1000x256xf32>, vector<256x256xf32>, vector<1000x256xf32> -> vector<1000x256xf32>
    %swap3A_13 = arith.constant 0 : index
    %swap3A_14 = arith.constant 0 : index
    %swap3A_15 = vector.load %arg6[%swap3A_13, %swap3A_14] : memref<1000x512xf32, #tpu.memory_space<vmem>>, vector<1000x256xf32>
    tpu.vector_store %arg6[%swap3A_13, %swap3A_14], %dot_general3A_12 {strides = array<i32>} : memref<1000x512xf32, #tpu.memory_space<vmem>>, vector<1000x256xf32>,
    %get3A_16 = arith.constant 0 : index
    %get3A_17 = arith.constant 0 : index
    %get3A_18 = vector.load %arg4[%get3A_16, %get3A_17] : memref<256x256xf32, #tpu.memory_space<vmem>>, vector<256x256xf32>
    %dot_general3A_19 = arith.constant dense<0.000000e+00> : vector<1000x256xf32>
    %dot_general3A_20 = tpu.matmul %get3A_1, %get3A_18, %dot_general3A_19 {dimension_numbers = #tpu.dot_dimension_numbers<[1], [0], [0], [1], [0, 0, 1, 1], [], []>, transpose_lhs_hint = false} : vector<1000x256xf32>, vector<256x256xf32>, vector<1000x256xf32> -> vector<1000x256xf32>
    %swap3A_21 = arith.constant 0 : index
    %swap3A_22 = arith.constant 256 : index
    %swap3A_23 = vector.load %arg6[%swap3A_21, %swap3A_22] : memref<1000x512xf32, #tpu.memory_space<vmem>>, vector<1000x256xf32>
    tpu.vector_store %arg6[%swap3A_21, %swap3A_22], %dot_general3A_20 {strides = array<i32>} : memref<1000x512xf32, #tpu.memory_space<vmem>>, vector<1000x256xf32>,
    return
  }
  func.func @transform_0(%arg0: i32) -> (i32, i32) {
    %c0_i32 = arith.constant 0 : i32
    %c0_i32_0 = arith.constant 0 : i32
    return %arg0, %c0_i32 : i32, i32
  }
  func.func @transform_1(%arg0: i32) -> (i32, i32) {
    %c0_i32 = arith.constant 0 : i32
    %c0_i32_0 = arith.constant 0 : i32
    %c0_i32_1 = arith.constant 0 : i32
    return %c0_i32, %c0_i32_0 : i32, i32
  }
  func.func @transform_2(%arg0: i32) -> (i32, i32) {
    %c0_i32 = arith.constant 0 : i32
    %c0_i32_0 = arith.constant 0 : i32
    %c0_i32_1 = arith.constant 0 : i32
    return %c0_i32, %c0_i32_0 : i32, i32
  }
  func.func @transform_3(%arg0: i32) -> (i32, i32) {
    %c0_i32 = arith.constant 0 : i32
    %c0_i32_0 = arith.constant 0 : i32
    %c0_i32_1 = arith.constant 0 : i32
    return %c0_i32, %c0_i32_0 : i32, i32
  }
  func.func @transform_4(%arg0: i32) -> (i32, i32) {
    %c0_i32 = arith.constant 0 : i32
    %c0_i32_0 = arith.constant 0 : i32
    return %arg0, %c0_i32 : i32, i32
  }
  func.func @transform_5(%arg0: i32) -> (i32, i32) {
    %c0_i32 = arith.constant 0 : i32
    %c0_i32_0 = arith.constant 0 : i32
    return %arg0, %c0_i32 : i32, i32
  }
}

module attributes {stable_mosaic.version = 14 : i64} {
  func.func @_edge1_body(%arg0: i32, %arg1: memref<1600x256xf32, #tpu.memory_space<vmem>>, %arg2: memref<1600x512xf32, #tpu.memory_space<vmem>>, %arg3: memref<1600x256xf32, #tpu.memory_space<vmem>>, %arg4: memref<256x256xf32, #tpu.memory_space<vmem>>, %arg5: memref<256x256xf32, #tpu.memory_space<vmem>>, %arg6: memref<1x256xf32, #tpu.memory_space<vmem>>, %arg7: memref<256x16xf32, #tpu.memory_space<vmem>>, %arg8: memref<16x256xf32, #tpu.memory_space<vmem>>, %arg9: memref<16x128xf32, #tpu.memory_space<vmem>>, %arg10: memref<1600x256xf32, #tpu.memory_space<vmem>>, %arg11: memref<1600x256xf32, #tpu.memory_space<vmem>>, %arg12: memref<1600x128xf32, #tpu.memory_space<vmem>>, %arg13: memref<8x256xf32, #tpu.memory_space<vmem>>) attributes {dimension_semantics = [#tpu.dimension_semantics<arbitrary>], iteration_bounds = array<i64: 100>, scalar_prefetch = 0 : i64, scratch_operands = 0 : i64, tpu.core_type = #tpu.core_type<tc>, window_params = [{transform_indices = @transform_0, window_bounds = array<i64: 1600, 256>}, {transform_indices = @transform_1, window_bounds = array<i64: 1600, 512>}, {transform_indices = @transform_2, window_bounds = array<i64: 1600, 256>}, {pipeline_mode = #tpu.pipeline_mode<synchronous>, transform_indices = @transform_3, window_bounds = array<i64: 256, 256>}, {pipeline_mode = #tpu.pipeline_mode<synchronous>, transform_indices = @transform_4, window_bounds = array<i64: 256, 256>}, {pipeline_mode = #tpu.pipeline_mode<synchronous>, transform_indices = @transform_5, window_bounds = array<i64: 1, 256>}, {pipeline_mode = #tpu.pipeline_mode<synchronous>, transform_indices = @transform_6, window_bounds = array<i64: 256, 16>}, {pipeline_mode = #tpu.pipeline_mode<synchronous>, transform_indices = @transform_7, window_bounds = array<i64: 16, 256>}, {pipeline_mode = #tpu.pipeline_mode<synchronous>, transform_indices = @transform_8, window_bounds = array<i64: 16, 128>}, {transform_indices = @transform_9, window_bounds = array<i64: 1600, 256>}, {transform_indices = @transform_10, window_bounds = array<i64: 1600, 256>}, {transform_indices = @transform_11, window_bounds = array<i64: 1600, 128>}, {pipeline_mode = #tpu.pipeline_mode<synchronous>, transform_indices = @transform_12, window_bounds = array<i64: 8, 256>}]} {
    %get3A = arith.constant 0 : index
    %get3A_0 = arith.constant 0 : index
    %get3A_1 = vector.load %arg1[%get3A, %get3A_0] : memref<1600x256xf32, #tpu.memory_space<vmem>>, vector<1600x256xf32>
    %get3A_2 = arith.constant 0 : index
    %get3A_3 = arith.constant 0 : index
    %get3A_4 = vector.load %arg4[%get3A_2, %get3A_3] : memref<256x256xf32, #tpu.memory_space<vmem>>, vector<256x256xf32>
    %dot_general3A = arith.constant dense<0.000000e+00> : vector<1600x256xf32>
    %dot_general3A_5 = tpu.matmul %get3A_1, %get3A_4, %dot_general3A {dimension_numbers = #tpu.dot_dimension_numbers<[1], [0], [0], [1], [0, 0, 1, 1], [], []>, transpose_lhs_hint = false} : vector<1600x256xf32>, vector<256x256xf32>, vector<1600x256xf32> -> vector<1600x256xf32>
    %get3A_6 = arith.constant 0 : index
    %get3A_7 = arith.constant 0 : index
    %get3A_8 = vector.load %arg2[%get3A_6, %get3A_7] : memref<1600x512xf32, #tpu.memory_space<vmem>>, vector<1600x256xf32>
    %get3A_9 = arith.constant 0 : index
    %get3A_10 = arith.constant 0 : index
    %get3A_11 = vector.load %arg3[%get3A_9, %get3A_10] : memref<1600x256xf32, #tpu.memory_space<vmem>>, vector<1600x256xf32>
    %mul3A = arith.mulf %get3A_8, %get3A_11 : vector<1600x256xf32>
    %mul3A_12 = arith.constant 2.500000e-01 : f32
    %mul3A_13 = vector.broadcast %mul3A_12 : f32 to vector<1600x256xf32>
    %mul3A_14 = arith.mulf %dot_general3A_5, %mul3A_13 : vector<1600x256xf32>
    %mul3A_15 = arith.mulf %mul3A, %mul3A_14 : vector<1600x256xf32>
    %get3A_16 = arith.constant 0 : index
    %get3A_17 = arith.constant 0 : index
    %get3A_18 = vector.load %arg7[%get3A_16, %get3A_17] : memref<256x16xf32, #tpu.memory_space<vmem>>, vector<256x16xf32>
    %dot_general3A_19 = arith.constant dense<0.000000e+00> : vector<1600x16xf32>
    %dot_general3A_20 = tpu.matmul %mul3A_15, %get3A_18, %dot_general3A_19 {dimension_numbers = #tpu.dot_dimension_numbers<[1], [0], [0], [1], [0, 0, 1, 1], [], []>, transpose_lhs_hint = false} : vector<1600x256xf32>, vector<256x16xf32>, vector<1600x16xf32> -> vector<1600x16xf32>
    %jit3A = arith.constant -5.000000e+00 : f32
    %jit3A_21 = arith.constant 5.000000e+00 : f32
    %max3A = vector.broadcast %jit3A : f32 to vector<1600x16xf32>
    %max3A_22 = arith.maximumf %max3A, %dot_general3A_20 : vector<1600x16xf32>
    %min3A = vector.broadcast %jit3A_21 : f32 to vector<1600x16xf32>
    %min3A_23 = arith.minimumf %min3A, %max3A_22 : vector<1600x16xf32>
    %exp3A = math.exp %min3A_23 : vector<1600x16xf32>
    %get3A_24 = arith.constant 0 : index
    %get3A_25 = arith.constant 0 : index
    %get3A_26 = vector.load %arg9[%get3A_24, %get3A_25] : memref<16x128xf32, #tpu.memory_space<vmem>>, vector<16x128xf32>
    %dot_general3A_27 = arith.constant dense<0.000000e+00> : vector<1600x128xf32>
    %dot_general3A_28 = tpu.matmul %exp3A, %get3A_26, %dot_general3A_27 {dimension_numbers = #tpu.dot_dimension_numbers<[1], [0], [0], [1], [0, 0, 1, 1], [], []>, transpose_lhs_hint = false} : vector<1600x16xf32>, vector<16x128xf32>, vector<1600x128xf32> -> vector<1600x128xf32>
    %swap3A = arith.constant 0 : index
    %swap3A_29 = arith.constant 0 : index
    %swap3A_30 = vector.load %arg12[%swap3A, %swap3A_29] : memref<1600x128xf32, #tpu.memory_space<vmem>>, vector<1600x128xf32>
    tpu.vector_store %arg12[%swap3A, %swap3A_29], %dot_general3A_28 {strides = array<i32>} : memref<1600x128xf32, #tpu.memory_space<vmem>>, vector<1600x128xf32>,
    %get3A_31 = arith.constant 0 : index
    %get3A_32 = arith.constant 0 : index
    %get3A_33 = vector.load %arg5[%get3A_31, %get3A_32] : memref<256x256xf32, #tpu.memory_space<vmem>>, vector<256x256xf32>
    %dot_general3A_34 = arith.constant dense<0.000000e+00> : vector<1600x256xf32>
    %dot_general3A_35 = tpu.matmul %mul3A_15, %get3A_33, %dot_general3A_34 {dimension_numbers = #tpu.dot_dimension_numbers<[1], [0], [0], [1], [0, 0, 1, 1], [], []>, transpose_lhs_hint = false} : vector<1600x256xf32>, vector<256x256xf32>, vector<1600x256xf32> -> vector<1600x256xf32>
    %add3A = arith.addf %get3A_1, %dot_general3A_35 : vector<1600x256xf32>
    %get3A_36 = arith.constant 0 : index
    %get3A_37 = arith.constant 0 : index
    %get3A_38 = vector.load %arg6[%get3A_36, %get3A_37] : memref<1x256xf32, #tpu.memory_space<vmem>>, vector<1x256xf32>
    %add3A_39 = vector.broadcast %get3A_38 : vector<1x256xf32> to vector<1600x256xf32>
    %add3A_40 = arith.addf %add3A, %add3A_39 : vector<1600x256xf32>
    %swap3A_41 = arith.constant 0 : index
    %swap3A_42 = arith.constant 0 : index
    %swap3A_43 = vector.load %arg10[%swap3A_41, %swap3A_42] : memref<1600x256xf32, #tpu.memory_space<vmem>>, vector<1600x256xf32>
    tpu.vector_store %arg10[%swap3A_41, %swap3A_42], %add3A_40 {strides = array<i32>} : memref<1600x256xf32, #tpu.memory_space<vmem>>, vector<1600x256xf32>,
    %get3A_44 = arith.constant 0 : index
    %get3A_45 = arith.constant 256 : index
    %get3A_46 = vector.load %arg2[%get3A_44, %get3A_45] : memref<1600x512xf32, #tpu.memory_space<vmem>>, vector<1600x256xf32>
    %get3A_47 = arith.constant 0 : index
    %get3A_48 = arith.constant 0 : index
    %get3A_49 = vector.load %arg8[%get3A_47, %get3A_48] : memref<16x256xf32, #tpu.memory_space<vmem>>, vector<16x256xf32>
    %dot_general3A_50 = arith.constant dense<0.000000e+00> : vector<1600x256xf32>
    %dot_general3A_51 = tpu.matmul %exp3A, %get3A_49, %dot_general3A_50 {dimension_numbers = #tpu.dot_dimension_numbers<[1], [0], [0], [1], [0, 0, 1, 1], [], []>, transpose_lhs_hint = false} : vector<1600x16xf32>, vector<16x256xf32>, vector<1600x256xf32> -> vector<1600x256xf32>
    %mul3A_52 = arith.mulf %get3A_46, %dot_general3A_51 : vector<1600x256xf32>
    %swap3A_53 = arith.constant 0 : index
    %swap3A_54 = arith.constant 0 : index
    %swap3A_55 = vector.load %arg11[%swap3A_53, %swap3A_54] : memref<1600x256xf32, #tpu.memory_space<vmem>>, vector<1600x256xf32>
    tpu.vector_store %arg11[%swap3A_53, %swap3A_54], %mul3A_52 {strides = array<i32>} : memref<1600x256xf32, #tpu.memory_space<vmem>>, vector<1600x256xf32>,
    %eq3A = arith.constant 0 : i32
    %eq3A_56 = arith.cmpi eq, %arg0, %eq3A : i32
    %convert_element_type3A = arith.extui %eq3A_56 : i1 to i32
    %cond3A = arith.constant 0 : i32
    %cond3A_57 = arith.cmpi ne, %convert_element_type3A, %cond3A : i32
    scf.if %cond3A_57 {
      %broadcast_in_dim3A_77 = arith.constant 0.000000e+00 : f32
      %broadcast_in_dim3A_78 = vector.broadcast %broadcast_in_dim3A_77 : f32 to vector<8x256xf32>
      %swap3A_79 = arith.constant 0 : index
      %swap3A_80 = arith.constant 0 : index
      %swap3A_81 = vector.load %arg13[%swap3A_79, %swap3A_80] : memref<8x256xf32, #tpu.memory_space<vmem>>, vector<8x256xf32>
      tpu.vector_store %arg13[%swap3A_79, %swap3A_80], %broadcast_in_dim3A_78 {strides = array<i32>} : memref<8x256xf32, #tpu.memory_space<vmem>>, vector<8x256xf32>,
    } else {
    }
    %get3A_58 = arith.constant 0 : index
    %get3A_59 = arith.constant 0 : index
    %get3A_60 = vector.load %arg13[%get3A_58, %get3A_59] : memref<8x256xf32, #tpu.memory_space<vmem>>, vector<1x256xf32>
    %reduce_sum3A = arith.constant dense<0.000000e+00> : vector<256xf32>
    %reduce_sum3A_61 = vector.multi_reduction <add>, %add3A_40, %reduce_sum3A [0] : vector<1600x256xf32> to vector<256xf32>
    %broadcast_in_dim3A = vector.shape_cast %reduce_sum3A_61 : vector<256xf32> to vector<1x256xf32>
    %add3A_62 = arith.addf %get3A_60, %broadcast_in_dim3A : vector<1x256xf32>
    %swap3A_63 = arith.constant 0 : index
    %swap3A_64 = arith.constant 0 : index
    %swap3A_65 = vector.load %arg13[%swap3A_63, %swap3A_64] : memref<8x256xf32, #tpu.memory_space<vmem>>, vector<1x256xf32>
    tpu.vector_store %arg13[%swap3A_63, %swap3A_64], %add3A_62 {strides = array<i32>} : memref<8x256xf32, #tpu.memory_space<vmem>>, vector<1x256xf32>,
    %get3A_66 = arith.constant 1 : index
    %get3A_67 = arith.constant 0 : index
    %get3A_68 = vector.load %arg13[%get3A_66, %get3A_67] : memref<8x256xf32, #tpu.memory_space<vmem>>, vector<1x256xf32>
    %mul3A_69 = arith.mulf %add3A_40, %add3A_40 : vector<1600x256xf32>
    %reduce_sum3A_70 = arith.constant dense<0.000000e+00> : vector<256xf32>
    %reduce_sum3A_71 = vector.multi_reduction <add>, %mul3A_69, %reduce_sum3A_70 [0] : vector<1600x256xf32> to vector<256xf32>
    %broadcast_in_dim3A_72 = vector.shape_cast %reduce_sum3A_71 : vector<256xf32> to vector<1x256xf32>
    %add3A_73 = arith.addf %get3A_68, %broadcast_in_dim3A_72 : vector<1x256xf32>
    %swap3A_74 = arith.constant 1 : index
    %swap3A_75 = arith.constant 0 : index
    %swap3A_76 = vector.load %arg13[%swap3A_74, %swap3A_75] : memref<8x256xf32, #tpu.memory_space<vmem>>, vector<1x256xf32>
    tpu.vector_store %arg13[%swap3A_74, %swap3A_75], %add3A_73 {strides = array<i32>} : memref<8x256xf32, #tpu.memory_space<vmem>>, vector<1x256xf32>,
    return
  }
  func.func @transform_0(%arg0: i32) -> (i32, i32) {
    %c0_i32 = arith.constant 0 : i32
    %c0_i32_0 = arith.constant 0 : i32
    return %arg0, %c0_i32 : i32, i32
  }
  func.func @transform_1(%arg0: i32) -> (i32, i32) {
    %c0_i32 = arith.constant 0 : i32
    %c0_i32_0 = arith.constant 0 : i32
    return %arg0, %c0_i32 : i32, i32
  }
  func.func @transform_2(%arg0: i32) -> (i32, i32) {
    %c0_i32 = arith.constant 0 : i32
    %c0_i32_0 = arith.constant 0 : i32
    return %arg0, %c0_i32 : i32, i32
  }
  func.func @transform_3(%arg0: i32) -> (i32, i32) {
    %c0_i32 = arith.constant 0 : i32
    %c0_i32_0 = arith.constant 0 : i32
    %c0_i32_1 = arith.constant 0 : i32
    return %c0_i32, %c0_i32_0 : i32, i32
  }
  func.func @transform_4(%arg0: i32) -> (i32, i32) {
    %c0_i32 = arith.constant 0 : i32
    %c0_i32_0 = arith.constant 0 : i32
    %c0_i32_1 = arith.constant 0 : i32
    return %c0_i32, %c0_i32_0 : i32, i32
  }
  func.func @transform_5(%arg0: i32) -> (i32, i32) {
    %c0_i32 = arith.constant 0 : i32
    %c0_i32_0 = arith.constant 0 : i32
    %c0_i32_1 = arith.constant 0 : i32
    return %c0_i32, %c0_i32_0 : i32, i32
  }
  func.func @transform_6(%arg0: i32) -> (i32, i32) {
    %c0_i32 = arith.constant 0 : i32
    %c0_i32_0 = arith.constant 0 : i32
    %c0_i32_1 = arith.constant 0 : i32
    return %c0_i32, %c0_i32_0 : i32, i32
  }
  func.func @transform_7(%arg0: i32) -> (i32, i32) {
    %c0_i32 = arith.constant 0 : i32
    %c0_i32_0 = arith.constant 0 : i32
    %c0_i32_1 = arith.constant 0 : i32
    return %c0_i32, %c0_i32_0 : i32, i32
  }
  func.func @transform_8(%arg0: i32) -> (i32, i32) {
    %c0_i32 = arith.constant 0 : i32
    %c0_i32_0 = arith.constant 0 : i32
    %c0_i32_1 = arith.constant 0 : i32
    return %c0_i32, %c0_i32_0 : i32, i32
  }
  func.func @transform_9(%arg0: i32) -> (i32, i32) {
    %c0_i32 = arith.constant 0 : i32
    %c0_i32_0 = arith.constant 0 : i32
    return %arg0, %c0_i32 : i32, i32
  }
  func.func @transform_10(%arg0: i32) -> (i32, i32) {
    %c0_i32 = arith.constant 0 : i32
    %c0_i32_0 = arith.constant 0 : i32
    return %arg0, %c0_i32 : i32, i32
  }
  func.func @transform_11(%arg0: i32) -> (i32, i32) {
    %c0_i32 = arith.constant 0 : i32
    %c0_i32_0 = arith.constant 0 : i32
    return %arg0, %c0_i32 : i32, i32
  }
  func.func @transform_12(%arg0: i32) -> (i32, i32) {
    %c0_i32 = arith.constant 0 : i32
    %c0_i32_0 = arith.constant 0 : i32
    %c0_i32_1 = arith.constant 0 : i32
    return %c0_i32, %c0_i32_0 : i32, i32
  }
}

module attributes {stable_mosaic.version = 14 : i64} {
  func.func @_norm_body(%arg0: i32, %arg1: memref<1600x256xf32, #tpu.memory_space<vmem>>, %arg2: memref<8x256xf32, #tpu.memory_space<vmem>>, %arg3: memref<1600x256xf32, #tpu.memory_space<vmem>>) attributes {dimension_semantics = [#tpu.dimension_semantics<arbitrary>], iteration_bounds = array<i64: 100>, scalar_prefetch = 0 : i64, scratch_operands = 0 : i64, tpu.core_type = #tpu.core_type<tc>, window_params = [{transform_indices = @transform_0, window_bounds = array<i64: 1600, 256>}, {pipeline_mode = #tpu.pipeline_mode<synchronous>, transform_indices = @transform_1, window_bounds = array<i64: 8, 256>}, {transform_indices = @transform_2, window_bounds = array<i64: 1600, 256>}]} {
    %get3A = arith.constant 0 : index
    %get3A_0 = arith.constant 0 : index
    %get3A_1 = vector.load %arg2[%get3A, %get3A_0] : memref<8x256xf32, #tpu.memory_space<vmem>>, vector<1x256xf32>
    %mul3A = arith.constant 6.250000e-06 : f32
    %mul3A_2 = vector.broadcast %mul3A : f32 to vector<1x256xf32>
    %mul3A_3 = arith.mulf %get3A_1, %mul3A_2 : vector<1x256xf32>
    %get3A_4 = arith.constant 1 : index
    %get3A_5 = arith.constant 0 : index
    %get3A_6 = vector.load %arg2[%get3A_4, %get3A_5] : memref<8x256xf32, #tpu.memory_space<vmem>>, vector<1x256xf32>
    %mul3A_7 = arith.constant 6.250000e-06 : f32
    %mul3A_8 = vector.broadcast %mul3A_7 : f32 to vector<1x256xf32>
    %mul3A_9 = arith.mulf %get3A_6, %mul3A_8 : vector<1x256xf32>
    %mul3A_10 = arith.mulf %mul3A_3, %mul3A_3 : vector<1x256xf32>
    %sub3A = arith.subf %mul3A_9, %mul3A_10 : vector<1x256xf32>
    %add3A = arith.constant 9.99999974E-6 : f32
    %add3A_11 = vector.broadcast %add3A : f32 to vector<1x256xf32>
    %add3A_12 = arith.addf %sub3A, %add3A_11 : vector<1x256xf32>
    %rsqrt3A = math.rsqrt %add3A_12 : vector<1x256xf32>
    %get3A_13 = arith.constant 0 : index
    %get3A_14 = arith.constant 0 : index
    %get3A_15 = vector.load %arg1[%get3A_13, %get3A_14] : memref<1600x256xf32, #tpu.memory_space<vmem>>, vector<1600x256xf32>
    %sub3A_16 = vector.broadcast %mul3A_3 : vector<1x256xf32> to vector<1600x256xf32>
    %sub3A_17 = arith.subf %get3A_15, %sub3A_16 : vector<1600x256xf32>
    %mul3A_18 = vector.broadcast %rsqrt3A : vector<1x256xf32> to vector<1600x256xf32>
    %mul3A_19 = arith.mulf %sub3A_17, %mul3A_18 : vector<1600x256xf32>
    %swap3A = arith.constant 0 : index
    %swap3A_20 = arith.constant 0 : index
    %swap3A_21 = vector.load %arg3[%swap3A, %swap3A_20] : memref<1600x256xf32, #tpu.memory_space<vmem>>, vector<1600x256xf32>
    tpu.vector_store %arg3[%swap3A, %swap3A_20], %mul3A_19 {strides = array<i32>} : memref<1600x256xf32, #tpu.memory_space<vmem>>, vector<1600x256xf32>,
    return
  }
  func.func @transform_0(%arg0: i32) -> (i32, i32) {
    %c0_i32 = arith.constant 0 : i32
    %c0_i32_0 = arith.constant 0 : i32
    return %arg0, %c0_i32 : i32, i32
  }
  func.func @transform_1(%arg0: i32) -> (i32, i32) {
    %c0_i32 = arith.constant 0 : i32
    %c0_i32_0 = arith.constant 0 : i32
    %c0_i32_1 = arith.constant 0 : i32
    return %c0_i32, %c0_i32_0 : i32, i32
  }
  func.func @transform_2(%arg0: i32) -> (i32, i32) {
    %c0_i32 = arith.constant 0 : i32
    %c0_i32_0 = arith.constant 0 : i32
    return %arg0, %c0_i32 : i32, i32
  }
}

module attributes {stable_mosaic.version = 14 : i64} {
  func.func @_node1_body(%arg0: i32, %arg1: memref<1000x256xf32, #tpu.memory_space<vmem>>, %arg2: memref<1000x128xf32, #tpu.memory_space<vmem>>, %arg3: memref<1000x128xf32, #tpu.memory_space<vmem>>, %arg4: memref<1000x256xf32, #tpu.memory_space<vmem>>, %arg5: memref<256x256xf32, #tpu.memory_space<vmem>>, %arg6: memref<1x256xf32, #tpu.memory_space<vmem>>, %arg7: memref<128x256xf32, #tpu.memory_space<vmem>>, %arg8: memref<1000x256xf32, #tpu.memory_space<vmem>>, %arg9: memref<8x256xf32, #tpu.memory_space<vmem>>) attributes {dimension_semantics = [#tpu.dimension_semantics<arbitrary>], iteration_bounds = array<i64: 10>, scalar_prefetch = 0 : i64, scratch_operands = 0 : i64, tpu.core_type = #tpu.core_type<tc>, window_params = [{transform_indices = @transform_0, window_bounds = array<i64: 1000, 256>}, {transform_indices = @transform_1, window_bounds = array<i64: 1000, 128>}, {transform_indices = @transform_2, window_bounds = array<i64: 1000, 128>}, {transform_indices = @transform_3, window_bounds = array<i64: 1000, 256>}, {pipeline_mode = #tpu.pipeline_mode<synchronous>, transform_indices = @transform_4, window_bounds = array<i64: 256, 256>}, {pipeline_mode = #tpu.pipeline_mode<synchronous>, transform_indices = @transform_5, window_bounds = array<i64: 1, 256>}, {pipeline_mode = #tpu.pipeline_mode<synchronous>, transform_indices = @transform_6, window_bounds = array<i64: 128, 256>}, {transform_indices = @transform_7, window_bounds = array<i64: 1000, 256>}, {pipeline_mode = #tpu.pipeline_mode<synchronous>, transform_indices = @transform_8, window_bounds = array<i64: 8, 256>}]} {
    %get3A = arith.constant 0 : index
    %get3A_0 = arith.constant 0 : index
    %get3A_1 = vector.load %arg2[%get3A, %get3A_0] : memref<1000x128xf32, #tpu.memory_space<vmem>>, vector<1000x128xf32>
    %get3A_2 = arith.constant 0 : index
    %get3A_3 = arith.constant 0 : index
    %get3A_4 = vector.load %arg3[%get3A_2, %get3A_3] : memref<1000x128xf32, #tpu.memory_space<vmem>>, vector<1000x128xf32>
    %add3A = arith.addf %get3A_1, %get3A_4 : vector<1000x128xf32>
    %get3A_5 = arith.constant 0 : index
    %get3A_6 = arith.constant 0 : index
    %get3A_7 = vector.load %arg7[%get3A_5, %get3A_6] : memref<128x256xf32, #tpu.memory_space<vmem>>, vector<128x256xf32>
    %dot_general3A = arith.constant dense<0.000000e+00> : vector<1000x256xf32>
    %dot_general3A_8 = tpu.matmul %add3A, %get3A_7, %dot_general3A {dimension_numbers = #tpu.dot_dimension_numbers<[1], [0], [0], [1], [0, 0, 1, 1], [], []>, transpose_lhs_hint = false} : vector<1000x128xf32>, vector<128x256xf32>, vector<1000x256xf32> -> vector<1000x256xf32>
    %get3A_9 = arith.constant 0 : index
    %get3A_10 = arith.constant 0 : index
    %get3A_11 = vector.load %arg1[%get3A_9, %get3A_10] : memref<1000x256xf32, #tpu.memory_space<vmem>>, vector<1000x256xf32>
    %add3A_12 = arith.constant 9.99999997E-7 : f32
    %add3A_13 = vector.broadcast %add3A_12 : f32 to vector<1000x256xf32>
    %add3A_14 = arith.addf %dot_general3A_8, %add3A_13 : vector<1000x256xf32>
    %div3A = arith.divf %get3A_11, %add3A_14 : vector<1000x256xf32>
    %get3A_15 = arith.constant 0 : index
    %get3A_16 = arith.constant 0 : index
    %get3A_17 = vector.load %arg4[%get3A_15, %get3A_16] : memref<1000x256xf32, #tpu.memory_space<vmem>>, vector<1000x256xf32>
    %get3A_18 = arith.constant 0 : index
    %get3A_19 = arith.constant 0 : index
    %get3A_20 = vector.load %arg5[%get3A_18, %get3A_19] : memref<256x256xf32, #tpu.memory_space<vmem>>, vector<256x256xf32>
    %dot_general3A_21 = arith.constant dense<0.000000e+00> : vector<1000x256xf32>
    %dot_general3A_22 = tpu.matmul %div3A, %get3A_20, %dot_general3A_21 {dimension_numbers = #tpu.dot_dimension_numbers<[1], [0], [0], [1], [0, 0, 1, 1], [], []>, transpose_lhs_hint = false} : vector<1000x256xf32>, vector<256x256xf32>, vector<1000x256xf32> -> vector<1000x256xf32>
    %add3A_23 = arith.addf %get3A_17, %dot_general3A_22 : vector<1000x256xf32>
    %get3A_24 = arith.constant 0 : index
    %get3A_25 = arith.constant 0 : index
    %get3A_26 = vector.load %arg6[%get3A_24, %get3A_25] : memref<1x256xf32, #tpu.memory_space<vmem>>, vector<1x256xf32>
    %add3A_27 = vector.broadcast %get3A_26 : vector<1x256xf32> to vector<1000x256xf32>
    %add3A_28 = arith.addf %add3A_23, %add3A_27 : vector<1000x256xf32>
    %swap3A = arith.constant 0 : index
    %swap3A_29 = arith.constant 0 : index
    %swap3A_30 = vector.load %arg8[%swap3A, %swap3A_29] : memref<1000x256xf32, #tpu.memory_space<vmem>>, vector<1000x256xf32>
    tpu.vector_store %arg8[%swap3A, %swap3A_29], %add3A_28 {strides = array<i32>} : memref<1000x256xf32, #tpu.memory_space<vmem>>, vector<1000x256xf32>,
    %eq3A = arith.constant 0 : i32
    %eq3A_31 = arith.cmpi eq, %arg0, %eq3A : i32
    %convert_element_type3A = arith.extui %eq3A_31 : i1 to i32
    %cond3A = arith.constant 0 : i32
    %cond3A_32 = arith.cmpi ne, %convert_element_type3A, %cond3A : i32
    scf.if %cond3A_32 {
      %broadcast_in_dim3A_51 = arith.constant 0.000000e+00 : f32
      %broadcast_in_dim3A_52 = vector.broadcast %broadcast_in_dim3A_51 : f32 to vector<8x256xf32>
      %swap3A_53 = arith.constant 0 : index
      %swap3A_54 = arith.constant 0 : index
      %swap3A_55 = vector.load %arg9[%swap3A_53, %swap3A_54] : memref<8x256xf32, #tpu.memory_space<vmem>>, vector<8x256xf32>
      tpu.vector_store %arg9[%swap3A_53, %swap3A_54], %broadcast_in_dim3A_52 {strides = array<i32>} : memref<8x256xf32, #tpu.memory_space<vmem>>, vector<8x256xf32>,
    } else {
    }
    %get3A_33 = arith.constant 0 : index
    %get3A_34 = arith.constant 0 : index
    %get3A_35 = vector.load %arg9[%get3A_33, %get3A_34] : memref<8x256xf32, #tpu.memory_space<vmem>>, vector<1x256xf32>
    %reduce_sum3A = arith.constant dense<0.000000e+00> : vector<256xf32>
    %reduce_sum3A_36 = vector.multi_reduction <add>, %add3A_28, %reduce_sum3A [0] : vector<1000x256xf32> to vector<256xf32>
    %broadcast_in_dim3A = vector.shape_cast %reduce_sum3A_36 : vector<256xf32> to vector<1x256xf32>
    %add3A_37 = arith.addf %get3A_35, %broadcast_in_dim3A : vector<1x256xf32>
    %swap3A_38 = arith.constant 0 : index
    %swap3A_39 = arith.constant 0 : index
    %swap3A_40 = vector.load %arg9[%swap3A_38, %swap3A_39] : memref<8x256xf32, #tpu.memory_space<vmem>>, vector<1x256xf32>
    tpu.vector_store %arg9[%swap3A_38, %swap3A_39], %add3A_37 {strides = array<i32>} : memref<8x256xf32, #tpu.memory_space<vmem>>, vector<1x256xf32>,
    %get3A_41 = arith.constant 1 : index
    %get3A_42 = arith.constant 0 : index
    %get3A_43 = vector.load %arg9[%get3A_41, %get3A_42] : memref<8x256xf32, #tpu.memory_space<vmem>>, vector<1x256xf32>
    %mul3A = arith.mulf %add3A_28, %add3A_28 : vector<1000x256xf32>
    %reduce_sum3A_44 = arith.constant dense<0.000000e+00> : vector<256xf32>
    %reduce_sum3A_45 = vector.multi_reduction <add>, %mul3A, %reduce_sum3A_44 [0] : vector<1000x256xf32> to vector<256xf32>
    %broadcast_in_dim3A_46 = vector.shape_cast %reduce_sum3A_45 : vector<256xf32> to vector<1x256xf32>
    %add3A_47 = arith.addf %get3A_43, %broadcast_in_dim3A_46 : vector<1x256xf32>
    %swap3A_48 = arith.constant 1 : index
    %swap3A_49 = arith.constant 0 : index
    %swap3A_50 = vector.load %arg9[%swap3A_48, %swap3A_49] : memref<8x256xf32, #tpu.memory_space<vmem>>, vector<1x256xf32>
    tpu.vector_store %arg9[%swap3A_48, %swap3A_49], %add3A_47 {strides = array<i32>} : memref<8x256xf32, #tpu.memory_space<vmem>>, vector<1x256xf32>,
    return
  }
  func.func @transform_0(%arg0: i32) -> (i32, i32) {
    %c0_i32 = arith.constant 0 : i32
    %c0_i32_0 = arith.constant 0 : i32
    return %arg0, %c0_i32 : i32, i32
  }
  func.func @transform_1(%arg0: i32) -> (i32, i32) {
    %c0_i32 = arith.constant 0 : i32
    %c0_i32_0 = arith.constant 0 : i32
    return %arg0, %c0_i32 : i32, i32
  }
  func.func @transform_2(%arg0: i32) -> (i32, i32) {
    %c0_i32 = arith.constant 0 : i32
    %c0_i32_0 = arith.constant 0 : i32
    return %arg0, %c0_i32 : i32, i32
  }
  func.func @transform_3(%arg0: i32) -> (i32, i32) {
    %c0_i32 = arith.constant 0 : i32
    %c0_i32_0 = arith.constant 0 : i32
    return %arg0, %c0_i32 : i32, i32
  }
  func.func @transform_4(%arg0: i32) -> (i32, i32) {
    %c0_i32 = arith.constant 0 : i32
    %c0_i32_0 = arith.constant 0 : i32
    %c0_i32_1 = arith.constant 0 : i32
    return %c0_i32, %c0_i32_0 : i32, i32
  }
  func.func @transform_5(%arg0: i32) -> (i32, i32) {
    %c0_i32 = arith.constant 0 : i32
    %c0_i32_0 = arith.constant 0 : i32
    %c0_i32_1 = arith.constant 0 : i32
    return %c0_i32, %c0_i32_0 : i32, i32
  }
  func.func @transform_6(%arg0: i32) -> (i32, i32) {
    %c0_i32 = arith.constant 0 : i32
    %c0_i32_0 = arith.constant 0 : i32
    %c0_i32_1 = arith.constant 0 : i32
    return %c0_i32, %c0_i32_0 : i32, i32
  }
  func.func @transform_7(%arg0: i32) -> (i32, i32) {
    %c0_i32 = arith.constant 0 : i32
    %c0_i32_0 = arith.constant 0 : i32
    return %arg0, %c0_i32 : i32, i32
  }
  func.func @transform_8(%arg0: i32) -> (i32, i32) {
    %c0_i32 = arith.constant 0 : i32
    %c0_i32_0 = arith.constant 0 : i32
    %c0_i32_1 = arith.constant 0 : i32
    return %c0_i32, %c0_i32_0 : i32, i32
  }
}

module attributes {stable_mosaic.version = 14 : i64} {
  func.func @_ffn_body(%arg0: i32, %arg1: memref<1000x256xf32, #tpu.memory_space<vmem>>, %arg2: memref<8x256xf32, #tpu.memory_space<vmem>>, %arg3: memref<256x512xf32, #tpu.memory_space<vmem>>, %arg4: memref<1x512xf32, #tpu.memory_space<vmem>>, %arg5: memref<512x256xf32, #tpu.memory_space<vmem>>, %arg6: memref<1x256xf32, #tpu.memory_space<vmem>>, %arg7: memref<1000x256xf32, #tpu.memory_space<vmem>>, %arg8: memref<8x256xf32, #tpu.memory_space<vmem>>) attributes {dimension_semantics = [#tpu.dimension_semantics<arbitrary>], iteration_bounds = array<i64: 10>, scalar_prefetch = 0 : i64, scratch_operands = 0 : i64, tpu.core_type = #tpu.core_type<tc>, window_params = [{transform_indices = @transform_0, window_bounds = array<i64: 1000, 256>}, {pipeline_mode = #tpu.pipeline_mode<synchronous>, transform_indices = @transform_1, window_bounds = array<i64: 8, 256>}, {pipeline_mode = #tpu.pipeline_mode<synchronous>, transform_indices = @transform_2, window_bounds = array<i64: 256, 512>}, {pipeline_mode = #tpu.pipeline_mode<synchronous>, transform_indices = @transform_3, window_bounds = array<i64: 1, 512>}, {pipeline_mode = #tpu.pipeline_mode<synchronous>, transform_indices = @transform_4, window_bounds = array<i64: 512, 256>}, {pipeline_mode = #tpu.pipeline_mode<synchronous>, transform_indices = @transform_5, window_bounds = array<i64: 1, 256>}, {transform_indices = @transform_6, window_bounds = array<i64: 1000, 256>}, {pipeline_mode = #tpu.pipeline_mode<synchronous>, transform_indices = @transform_7, window_bounds = array<i64: 8, 256>}]} {
    %get3A = arith.constant 0 : index
    %get3A_0 = arith.constant 0 : index
    %get3A_1 = vector.load %arg2[%get3A, %get3A_0] : memref<8x256xf32, #tpu.memory_space<vmem>>, vector<1x256xf32>
    %mul3A = arith.constant 9.99999974E-5 : f32
    %mul3A_2 = vector.broadcast %mul3A : f32 to vector<1x256xf32>
    %mul3A_3 = arith.mulf %get3A_1, %mul3A_2 : vector<1x256xf32>
    %get3A_4 = arith.constant 1 : index
    %get3A_5 = arith.constant 0 : index
    %get3A_6 = vector.load %arg2[%get3A_4, %get3A_5] : memref<8x256xf32, #tpu.memory_space<vmem>>, vector<1x256xf32>
    %mul3A_7 = arith.constant 9.99999974E-5 : f32
    %mul3A_8 = vector.broadcast %mul3A_7 : f32 to vector<1x256xf32>
    %mul3A_9 = arith.mulf %get3A_6, %mul3A_8 : vector<1x256xf32>
    %mul3A_10 = arith.mulf %mul3A_3, %mul3A_3 : vector<1x256xf32>
    %sub3A = arith.subf %mul3A_9, %mul3A_10 : vector<1x256xf32>
    %add3A = arith.constant 9.99999974E-6 : f32
    %add3A_11 = vector.broadcast %add3A : f32 to vector<1x256xf32>
    %add3A_12 = arith.addf %sub3A, %add3A_11 : vector<1x256xf32>
    %rsqrt3A = math.rsqrt %add3A_12 : vector<1x256xf32>
    %get3A_13 = arith.constant 0 : index
    %get3A_14 = arith.constant 0 : index
    %get3A_15 = vector.load %arg1[%get3A_13, %get3A_14] : memref<1000x256xf32, #tpu.memory_space<vmem>>, vector<1000x256xf32>
    %sub3A_16 = vector.broadcast %mul3A_3 : vector<1x256xf32> to vector<1000x256xf32>
    %sub3A_17 = arith.subf %get3A_15, %sub3A_16 : vector<1000x256xf32>
    %mul3A_18 = vector.broadcast %rsqrt3A : vector<1x256xf32> to vector<1000x256xf32>
    %mul3A_19 = arith.mulf %sub3A_17, %mul3A_18 : vector<1000x256xf32>
    %get3A_20 = arith.constant 0 : index
    %get3A_21 = arith.constant 0 : index
    %get3A_22 = vector.load %arg3[%get3A_20, %get3A_21] : memref<256x512xf32, #tpu.memory_space<vmem>>, vector<256x512xf32>
    %dot_general3A = arith.constant dense<0.000000e+00> : vector<1000x512xf32>
    %dot_general3A_23 = tpu.matmul %mul3A_19, %get3A_22, %dot_general3A {dimension_numbers = #tpu.dot_dimension_numbers<[1], [0], [0], [1], [0, 0, 1, 1], [], []>, transpose_lhs_hint = false} : vector<1000x256xf32>, vector<256x512xf32>, vector<1000x512xf32> -> vector<1000x512xf32>
    %get3A_24 = arith.constant 0 : index
    %get3A_25 = arith.constant 0 : index
    %get3A_26 = vector.load %arg4[%get3A_24, %get3A_25] : memref<1x512xf32, #tpu.memory_space<vmem>>, vector<1x512xf32>
    %add3A_27 = vector.broadcast %get3A_26 : vector<1x512xf32> to vector<1000x512xf32>
    %add3A_28 = arith.addf %dot_general3A_23, %add3A_27 : vector<1000x512xf32>
    %max3A = arith.constant 0.000000e+00 : f32
    %max3A_29 = vector.broadcast %max3A : f32 to vector<1000x512xf32>
    %max3A_30 = arith.maximumf %add3A_28, %max3A_29 : vector<1000x512xf32>
    %get3A_31 = arith.constant 0 : index
    %get3A_32 = arith.constant 0 : index
    %get3A_33 = vector.load %arg5[%get3A_31, %get3A_32] : memref<512x256xf32, #tpu.memory_space<vmem>>, vector<512x256xf32>
    %dot_general3A_34 = arith.constant dense<0.000000e+00> : vector<1000x256xf32>
    %dot_general3A_35 = tpu.matmul %max3A_30, %get3A_33, %dot_general3A_34 {dimension_numbers = #tpu.dot_dimension_numbers<[1], [0], [0], [1], [0, 0, 1, 1], [], []>, transpose_lhs_hint = false} : vector<1000x512xf32>, vector<512x256xf32>, vector<1000x256xf32> -> vector<1000x256xf32>
    %add3A_36 = arith.addf %mul3A_19, %dot_general3A_35 : vector<1000x256xf32>
    %get3A_37 = arith.constant 0 : index
    %get3A_38 = arith.constant 0 : index
    %get3A_39 = vector.load %arg6[%get3A_37, %get3A_38] : memref<1x256xf32, #tpu.memory_space<vmem>>, vector<1x256xf32>
    %add3A_40 = vector.broadcast %get3A_39 : vector<1x256xf32> to vector<1000x256xf32>
    %add3A_41 = arith.addf %add3A_36, %add3A_40 : vector<1000x256xf32>
    %swap3A = arith.constant 0 : index
    %swap3A_42 = arith.constant 0 : index
    %swap3A_43 = vector.load %arg7[%swap3A, %swap3A_42] : memref<1000x256xf32, #tpu.memory_space<vmem>>, vector<1000x256xf32>
    tpu.vector_store %arg7[%swap3A, %swap3A_42], %add3A_41 {strides = array<i32>} : memref<1000x256xf32, #tpu.memory_space<vmem>>, vector<1000x256xf32>,
    %eq3A = arith.constant 0 : i32
    %eq3A_44 = arith.cmpi eq, %arg0, %eq3A : i32
    %convert_element_type3A = arith.extui %eq3A_44 : i1 to i32
    %cond3A = arith.constant 0 : i32
    %cond3A_45 = arith.cmpi ne, %convert_element_type3A, %cond3A : i32
    scf.if %cond3A_45 {
      %broadcast_in_dim3A_65 = arith.constant 0.000000e+00 : f32
      %broadcast_in_dim3A_66 = vector.broadcast %broadcast_in_dim3A_65 : f32 to vector<8x256xf32>
      %swap3A_67 = arith.constant 0 : index
      %swap3A_68 = arith.constant 0 : index
      %swap3A_69 = vector.load %arg8[%swap3A_67, %swap3A_68] : memref<8x256xf32, #tpu.memory_space<vmem>>, vector<8x256xf32>
      tpu.vector_store %arg8[%swap3A_67, %swap3A_68], %broadcast_in_dim3A_66 {strides = array<i32>} : memref<8x256xf32, #tpu.memory_space<vmem>>, vector<8x256xf32>,
    } else {
    }
    %get3A_46 = arith.constant 0 : index
    %get3A_47 = arith.constant 0 : index
    %get3A_48 = vector.load %arg8[%get3A_46, %get3A_47] : memref<8x256xf32, #tpu.memory_space<vmem>>, vector<1x256xf32>
    %reduce_sum3A = arith.constant dense<0.000000e+00> : vector<256xf32>
    %reduce_sum3A_49 = vector.multi_reduction <add>, %add3A_41, %reduce_sum3A [0] : vector<1000x256xf32> to vector<256xf32>
    %broadcast_in_dim3A = vector.shape_cast %reduce_sum3A_49 : vector<256xf32> to vector<1x256xf32>
    %add3A_50 = arith.addf %get3A_48, %broadcast_in_dim3A : vector<1x256xf32>
    %swap3A_51 = arith.constant 0 : index
    %swap3A_52 = arith.constant 0 : index
    %swap3A_53 = vector.load %arg8[%swap3A_51, %swap3A_52] : memref<8x256xf32, #tpu.memory_space<vmem>>, vector<1x256xf32>
    tpu.vector_store %arg8[%swap3A_51, %swap3A_52], %add3A_50 {strides = array<i32>} : memref<8x256xf32, #tpu.memory_space<vmem>>, vector<1x256xf32>,
    %get3A_54 = arith.constant 1 : index
    %get3A_55 = arith.constant 0 : index
    %get3A_56 = vector.load %arg8[%get3A_54, %get3A_55] : memref<8x256xf32, #tpu.memory_space<vmem>>, vector<1x256xf32>
    %mul3A_57 = arith.mulf %add3A_41, %add3A_41 : vector<1000x256xf32>
    %reduce_sum3A_58 = arith.constant dense<0.000000e+00> : vector<256xf32>
    %reduce_sum3A_59 = vector.multi_reduction <add>, %mul3A_57, %reduce_sum3A_58 [0] : vector<1000x256xf32> to vector<256xf32>
    %broadcast_in_dim3A_60 = vector.shape_cast %reduce_sum3A_59 : vector<256xf32> to vector<1x256xf32>
    %add3A_61 = arith.addf %get3A_56, %broadcast_in_dim3A_60 : vector<1x256xf32>
    %swap3A_62 = arith.constant 1 : index
    %swap3A_63 = arith.constant 0 : index
    %swap3A_64 = vector.load %arg8[%swap3A_62, %swap3A_63] : memref<8x256xf32, #tpu.memory_space<vmem>>, vector<1x256xf32>
    tpu.vector_store %arg8[%swap3A_62, %swap3A_63], %add3A_61 {strides = array<i32>} : memref<8x256xf32, #tpu.memory_space<vmem>>, vector<1x256xf32>,
    return
  }
  func.func @transform_0(%arg0: i32) -> (i32, i32) {
    %c0_i32 = arith.constant 0 : i32
    %c0_i32_0 = arith.constant 0 : i32
    return %arg0, %c0_i32 : i32, i32
  }
  func.func @transform_1(%arg0: i32) -> (i32, i32) {
    %c0_i32 = arith.constant 0 : i32
    %c0_i32_0 = arith.constant 0 : i32
    %c0_i32_1 = arith.constant 0 : i32
    return %c0_i32, %c0_i32_0 : i32, i32
  }
  func.func @transform_2(%arg0: i32) -> (i32, i32) {
    %c0_i32 = arith.constant 0 : i32
    %c0_i32_0 = arith.constant 0 : i32
    %c0_i32_1 = arith.constant 0 : i32
    return %c0_i32, %c0_i32_0 : i32, i32
  }
  func.func @transform_3(%arg0: i32) -> (i32, i32) {
    %c0_i32 = arith.constant 0 : i32
    %c0_i32_0 = arith.constant 0 : i32
    %c0_i32_1 = arith.constant 0 : i32
    return %c0_i32, %c0_i32_0 : i32, i32
  }
  func.func @transform_4(%arg0: i32) -> (i32, i32) {
    %c0_i32 = arith.constant 0 : i32
    %c0_i32_0 = arith.constant 0 : i32
    %c0_i32_1 = arith.constant 0 : i32
    return %c0_i32, %c0_i32_0 : i32, i32
  }
  func.func @transform_5(%arg0: i32) -> (i32, i32) {
    %c0_i32 = arith.constant 0 : i32
    %c0_i32_0 = arith.constant 0 : i32
    %c0_i32_1 = arith.constant 0 : i32
    return %c0_i32, %c0_i32_0 : i32, i32
  }
  func.func @transform_6(%arg0: i32) -> (i32, i32) {
    %c0_i32 = arith.constant 0 : i32
    %c0_i32_0 = arith.constant 0 : i32
    return %arg0, %c0_i32 : i32, i32
  }
  func.func @transform_7(%arg0: i32) -> (i32, i32) {
    %c0_i32 = arith.constant 0 : i32
    %c0_i32_0 = arith.constant 0 : i32
    %c0_i32_1 = arith.constant 0 : i32
    return %c0_i32, %c0_i32_0 : i32, i32
  }
}

module attributes {stable_mosaic.version = 14 : i64} {
  func.func @_norm_body(%arg0: i32, %arg1: memref<1000x256xf32, #tpu.memory_space<vmem>>, %arg2: memref<8x256xf32, #tpu.memory_space<vmem>>, %arg3: memref<1000x256xf32, #tpu.memory_space<vmem>>) attributes {dimension_semantics = [#tpu.dimension_semantics<arbitrary>], iteration_bounds = array<i64: 10>, scalar_prefetch = 0 : i64, scratch_operands = 0 : i64, tpu.core_type = #tpu.core_type<tc>, window_params = [{transform_indices = @transform_0, window_bounds = array<i64: 1000, 256>}, {pipeline_mode = #tpu.pipeline_mode<synchronous>, transform_indices = @transform_1, window_bounds = array<i64: 8, 256>}, {transform_indices = @transform_2, window_bounds = array<i64: 1000, 256>}]} {
    %get3A = arith.constant 0 : index
    %get3A_0 = arith.constant 0 : index
    %get3A_1 = vector.load %arg2[%get3A, %get3A_0] : memref<8x256xf32, #tpu.memory_space<vmem>>, vector<1x256xf32>
    %mul3A = arith.constant 9.99999974E-5 : f32
    %mul3A_2 = vector.broadcast %mul3A : f32 to vector<1x256xf32>
    %mul3A_3 = arith.mulf %get3A_1, %mul3A_2 : vector<1x256xf32>
    %get3A_4 = arith.constant 1 : index
    %get3A_5 = arith.constant 0 : index
    %get3A_6 = vector.load %arg2[%get3A_4, %get3A_5] : memref<8x256xf32, #tpu.memory_space<vmem>>, vector<1x256xf32>
    %mul3A_7 = arith.constant 9.99999974E-5 : f32
    %mul3A_8 = vector.broadcast %mul3A_7 : f32 to vector<1x256xf32>
    %mul3A_9 = arith.mulf %get3A_6, %mul3A_8 : vector<1x256xf32>
    %mul3A_10 = arith.mulf %mul3A_3, %mul3A_3 : vector<1x256xf32>
    %sub3A = arith.subf %mul3A_9, %mul3A_10 : vector<1x256xf32>
    %add3A = arith.constant 9.99999974E-6 : f32
    %add3A_11 = vector.broadcast %add3A : f32 to vector<1x256xf32>
    %add3A_12 = arith.addf %sub3A, %add3A_11 : vector<1x256xf32>
    %rsqrt3A = math.rsqrt %add3A_12 : vector<1x256xf32>
    %get3A_13 = arith.constant 0 : index
    %get3A_14 = arith.constant 0 : index
    %get3A_15 = vector.load %arg1[%get3A_13, %get3A_14] : memref<1000x256xf32, #tpu.memory_space<vmem>>, vector<1000x256xf32>
    %sub3A_16 = vector.broadcast %mul3A_3 : vector<1x256xf32> to vector<1000x256xf32>
    %sub3A_17 = arith.subf %get3A_15, %sub3A_16 : vector<1000x256xf32>
    %mul3A_18 = vector.broadcast %rsqrt3A : vector<1x256xf32> to vector<1000x256xf32>
    %mul3A_19 = arith.mulf %sub3A_17, %mul3A_18 : vector<1000x256xf32>
    %swap3A = arith.constant 0 : index
    %swap3A_20 = arith.constant 0 : index
    %swap3A_21 = vector.load %arg3[%swap3A, %swap3A_20] : memref<1000x256xf32, #tpu.memory_space<vmem>>, vector<1000x256xf32>
    tpu.vector_store %arg3[%swap3A, %swap3A_20], %mul3A_19 {strides = array<i32>} : memref<1000x256xf32, #tpu.memory_space<vmem>>, vector<1000x256xf32>,
    return
  }
  func.func @transform_0(%arg0: i32) -> (i32, i32) {
    %c0_i32 = arith.constant 0 : i32
    %c0_i32_0 = arith.constant 0 : i32
    return %arg0, %c0_i32 : i32, i32
  }
  func.func @transform_1(%arg0: i32) -> (i32, i32) {
    %c0_i32 = arith.constant 0 : i32
    %c0_i32_0 = arith.constant 0 : i32
    %c0_i32_1 = arith.constant 0 : i32
    return %c0_i32, %c0_i32_0 : i32, i32
  }
  func.func @transform_2(%arg0: i32) -> (i32, i32) {
    %c0_i32 = arith.constant 0 : i32
    %c0_i32_0 = arith.constant 0 : i32
    return %arg0, %c0_i32 : i32, i32
  }
}

</mosaic_0001>

<sc_bundles>
// kernel: kernel.12.cloned.1.call-start
scs
__scs_entry_jumppad:
0x0: {  	(pc) =	sbr.rel $0x88, $3  }
0x1: {  	(tag) =	ssettag $0x0;
	lr =	simm.s32 $0x1  }
0x2: {  	[smem:$0x3F8E] =	sst lr;
	_ =	strace $0xD0000000  }
0x3: {  	_ = 	snop  }
0x4: {  	_ = 	snop  }
0x5: {  	_ = 	snop  }
0x6: {  	_ = 	snop  }
0x7: {  	_ = 	snop  }
__scs_overlays_trampoline_lowered:
0x8: {  	[smem:$0x3F9D] =	sst s0  }
0x9: {  	[smem:$0x3F9E] =	sst s1  }
0xa: {  	[smem:$0x3F9F] =	sst s2  }
0xb: {  	[smem:$0x3FA0] =	sst s3  }
0xc: {  	[smem:$0x3FA1] =	sst s4  }
0xd: {  	[smem:$0x3FA2] =	sst s5  }
0xe: {  	[smem:$0x3FA3] =	sst s6  }
0xf: {  	[smem:$0x3FA4] =	sst s7  }
0x10: {  	[smem:$0x3FA5] =	sst s8  }
0x11: {  	[smem:$0x3FA6] =	sst s9;
	s0 =	simm.s32 @!p0 $0x0  }
0x12: {  	s1 =	sld [smem:$0x3F8C];
	s0 =	simm.s32 @p0 $0x1  }
0x13: {  	[smem:$0x3FA7] =	sst s0;
	s0 =	simm.s32 @!p1 $0x0  }
0x14: {  	s2 =	sld [smem:$0x3F8B];
	s0 =	simm.s32 @p1 $0x1  }
0x15: {  	[smem:$0x3FA8] =	sst s0;
	s0 =	simm.s32 @!p2 $0x0  }
0x16: {  	s3 =	sld [smem:$0x3FDB];
	s0 =	simm.s32 @p2 $0x1  }
0x17: {  	s4 =	simm.s32 $0x1BF5;
	[smem:$0x3FAA] =	sst s0  }
0x18: {  	s0 =	sld [smem:$0x3F8D];
	_ =	swait.ge [sflag:s4], $0x0  }
0x19: {  	s7 =	sld [smem:$0x3F8E]  }
0x1a: {  	s8 =	sadd.s32 $0xFFFFE003, lr  }
0x1b: {  	s9 =	sadd.s32 $0xFFFFFEF7, lr;
	s5 =	simm.s32 $0xFFFFFFFF;
	p2 =	slt.u32 s8, $0xFFFFF086  }
0x1c: {  	p1 =	slt.u32 s9, $0xF7A;
	s5 =	simm.s32 @!p2 $0x0  }
0x1d: {  	s5 =	simm.s32 @p1 $0x1;
	p0 =	seq.s32 s7, s2  }
0x1e: {  	s7 =	smul.u32 @!p0 $0xF7A, s2;
	p2 =	seq.s32 @!p0 s5, $0x0  }
0x1f: {  	s9 =	smul.u32 $0xF7A, s1;
	s8 =	simm.s32 @!p0 $0x1BF5;
	p2 =	por !p2, p0  }
0x20: {  	[sflag:s8] =	ssyncset.s32 @!p0 $0xFFFFF086;
	s6 =	sadd.s32 @!p0 s3, s7;
	s7 =	simm.s32 @!p0 $0x108  }
0x21: {  	s3 =	sadd.s32 s3, s9;
	s6 =	sadd.s32 @!p0 $0x88, s6;
	s7 =	simm.s32 @p2 $0x1082  }
0x22: {  	[simem:s7], [sflag:s8] =	dma.local @!p0 [hbm:s6], $0xF7A  }
0x23: {  	s9 =	sor.u32 $0xD0000000, s2;
	s6 =	simm.s32 $0x108;
	_ =	swait.ge @!p0 [sflag:s8], $0x0  }
0x24: {  	s3 =	sadd.s32 $0x88, s3;
	s6 =	simm.s32 @!p1 $0x1082;
	[sflag:s4] =	ssyncset.s32 $0xFFFFF086  }
0x25: {  	[simem:s6], [sflag:s4] =	dma.local [hbm:s3], $0xF7A  }
0x26: {  	[smem:$0x3F8E] =	sst s1;
	(tag) =	ssettag s2;
	_ =	strace s9  }
0x27: {  	s1 =	sld [smem:$0x3F9E]  }
0x28: {  	s2 =	sld [smem:$0x3F9F]  }
0x29: {  	s4 =	sld [smem:$0x3FA1]  }
0x2a: {  	p0 =	seq.s32 s5, $0x0;
	s5 =	sld [smem:$0x3FA2]  }
0x2b: {  	s6 =	sld [smem:$0x3FA3]  }
0x2c: {  	s7 =	sld [smem:$0x3FA4]  }
0x2d: {  	s3 =	simm.s32 $0x108;
	s8 =	sld [smem:$0x3FA5]  }
0x2e: {  	s3 =	simm.s32 @!p0 $0x1082;
	s9 =	sld [smem:$0x3FA6]  }
0x2f: {  	lr =	sadd.s32 s0, s3;
	s0 =	sld [smem:$0x3F9D]  }
0x30: {  	s3 =	sld [smem:$0x3FA0]  }
0x31: {  	[smem:$0x3FA9] =	sst s10  }
0x32: {  	s10 =	sld [smem:$0x3FA7];
	_ =	sdelay $0x3  }
0x33: {  	p0 =	seq.s32 s10, $0x1;
	s10 =	sld [smem:$0x3FA9];
	_ =	sdelay $0x3  }
0x34: {  	[smem:$0x3FA9] =	sst s10  }
0x35: {  	s10 =	sld [smem:$0x3FA8];
	_ =	sdelay $0x3  }
0x36: {  	p1 =	seq.s32 s10, $0x1;
	s10 =	sld [smem:$0x3FA9];
	_ =	sdelay $0x3  }
0x37: {  	[smem:$0x3FA9] =	sst s10  }
0x38: {  	s10 =	sld [smem:$0x3FAA]  }
0x39: {  	_ = 	snop;
	(pc) =	sbr.ind lr, $3  }
0x3a: {  	_ = 	snop  }
0x3b: {  	_ = 	snop  }
0x3c: {  	p2 =	seq.s32 s10, $0x1;
	s10 =	sld [smem:$0x3FA9]  }
0x3d: {  	_ =	shalt  }
0x3e: {  	_ =	shalt  }
0x3f: {  	_ =	shalt  }
0x40: {  	_ =	shalt  }
0x41: {  	_ =	shalt  }
0x42: {  	_ =	shalt  }
0x43: {  	_ =	shalt  }
0x44: {  	_ =	shalt  }
0x45: {  	_ =	shalt  }
0x46: {  	_ =	shalt  }
0x47: {  	_ =	shalt  }
0x48: {  	_ =	shalt  }
0x49: {  	_ =	shalt  }
0x4a: {  	_ =	shalt  }
0x4b: {  	_ =	shalt  }
0x4c: {  	_ =	shalt  }
0x4d: {  	_ =	shalt  }
0x4e: {  	_ =	shalt  }
0x4f: {  	_ =	shalt  }
0x50: {  	_ =	shalt  }
0x51: {  	_ =	shalt  }
0x52: {  	_ =	shalt  }
0x53: {  	_ =	shalt  }
0x54: {  	_ =	shalt  }
0x55: {  	_ =	shalt  }
0x56: {  	_ =	shalt  }
0x57: {  	_ =	shalt  }
0x58: {  	_ =	shalt  }
0x59: {  	_ =	shalt  }
0x5a: {  	_ =	shalt  }
0x5b: {  	_ =	shalt  }
0x5c: {  	_ =	shalt  }
0x5d: {  	_ =	shalt  }
0x5e: {  	_ =	shalt  }
0x5f: {  	_ =	shalt  }
0x60: {  	_ =	shalt  }
0x61: {  	_ =	shalt  }
0x62: {  	_ =	shalt  }
0x63: {  	_ =	shalt  }
0x64: {  	_ =	shalt  }
0x65: {  	_ =	shalt  }
0x66: {  	_ =	shalt  }
0x67: {  	_ =	shalt  }
0x68: {  	_ =	shalt  }
0x69: {  	_ =	shalt  }
0x6a: {  	_ =	shalt  }
0x6b: {  	_ =	shalt  }
0x6c: {  	_ =	shalt  }
0x6d: {  	_ =	shalt  }
0x6e: {  	_ =	shalt  }
0x6f: {  	_ =	shalt  }
0x70: {  	_ =	shalt  }
0x71: {  	_ =	shalt  }
0x72: {  	_ =	shalt  }
0x73: {  	_ =	shalt  }
0x74: {  	_ =	shalt  }
0x75: {  	_ =	shalt  }
0x76: {  	_ =	shalt  }
0x77: {  	_ =	shalt  }
0x78: {  	_ =	shalt  }
0x79: {  	_ =	shalt  }
0x7a: {  	_ =	shalt  }
0x7b: {  	_ =	shalt  }
0x7c: {  	_ =	shalt  }
0x7d: {  	_ =	shalt  }
0x7e: {  	_ =	shalt  }
0x7f: {  	_ =	shalt  }
0x80: {  	_ =	shalt  }
0x81: {  	_ =	shalt  }
0x82: {  	_ =	shalt  }
0x83: {  	_ =	shalt  }
0x84: {  	_ =	shalt  }
0x85: {  	_ =	shalt  }
0x86: {  	_ =	shalt  }
0x87: {  	_ =	shalt  }
.Lfunc_end0:
.L_simem_size_0:
called_computation_lowered:
.L_overlay_start_0:
0x88: {  	s2 =	sld [smem:$0x3FD9]  }
0x89: {  	s3 =	sld [smem:$0x3FFE];
	_ =	sdelay $0x1  }
0x8a: {  	s1 =	srdreg.scid  }
0x8b: {  	s0 =	sand.u32 $0x1, s1  }
0x8c: {  	s14 =	sshll.u32 s0, $0xA;
	s2 =	sadd.s32 s3, s2  }
0x8d: {  	s2 =	sadd.s32 s2, s14  }
0x8e: {  	[smem:$0x3FB5] =	sst s2  }
0x8f: {  	_ = 	snop  }
0x90: {  	s2 =	sld [smem:$0x3FD0];
	_ =	sdelay $0x2  }
0x91: {  	s15 =	simm.s32 $0xB;
	s4 =	simm.s32 $0x10  }
0x92: {  	[smem:s4], [sflag:s15] =	dma.local [hbm:s2], $0x1  }
0x93: {  	_ =	swait.eq [sflag:s15], $0x1  }
0x94: {  	[sflag:s15] =	ssyncset.done $0x0  }
0x95: {  	s16 =	sld [smem:$0x10];
	[sflag:s15] =	ssyncadd.s32 $0xFFFFFFFF  }
0x96: {  	s17 =	sld [smem:$0x11];
	(tm) =	ssettm $0x1  }
0x97: {  	s18 =	sld [smem:$0x3FFB];
	_ =	sdelay $0x3  }
0x98: {  	_ =	strace s18  }
0x99: {  	s4 =	sld [smem:$0x3FFC];
	_ =	sdelay $0x3  }
0x9a: {  	_ =	strace s4  }
0x9b: {  	s4 =	sld [smem:$0x3FFD];
	_ =	sdelay $0x3  }
0x9c: {  	_ =	strace s4  }
0x9d: {  	_ =	strace $0x8FFFFFFF  }
0x9e: {  	s19 =	sld [smem:$0x3FDB];
	_ =	sdelay $0x1  }
0x9f: {  	s5 =	simm.s32 $_scs_section_size  }
0xa0: {  	s6 =	simm.s32 $_size__tile_overlayer_lowered;
	s7 =	simm.s32 $_tile_overlayer_lowered  }
0xa1: {  	s22 =	simm.s32 $0x1BFF;
	s21 =	sshll.u32 s7, $0x1;
	s4 =	sadd.s32 s5, s19  }
0xa2: {  	s8 =	simm.s32 $0x0;
	s20 =	sshll.u32 s6, $0x1;
	s6 =	sadd.s32 s21, s4  }
0xa3: {  	[timem:s8], [sflag:s22] =	dma.local [hbm:s6], s20  }
0xa4: {  	_ =	swait.ge [sflag:s22], s20  }
0xa5: {  	s5 =	ssub.s32 $0x0, s20;
	[sflag:s22] =	ssyncset.done $0x0  }
0xa6: {  	[sflag:s22] =	ssyncadd.s32 s5;
	_ =	sdelay $0x1  }
0xa7: {  	s23 =	simm.s32 $0x1B8B  }
0xa8: {  	_ =	swait.ge [sflag:s23], $0x1  }
0xa9: {  	[sflag:s23] =	ssyncset.done $0x0  }
0xaa: {  	s25 =	simm.s32 $0x1B8E;
	s24 =	sld [smem:$0x3FFE];
	[sflag:s23] =	ssyncadd.s32 $0xFFFFFFFF  }
0xab: {  	s26 =	simm.s32 $execute0_lowered;
	[smem:$0x3FD2] =	sst s25  }
0xac: {  	s6 =	sshll.u32 s26, $0x1;
	_ =	strace $0x80000046;
	[dreg:$0x1] =	wrdreg $0xFFFFFFFF  }
0xad: {  	s28 =	simm.s32 $_size_execute0_lowered;
	s4 =	sadd.s32 s4, s6;
	[dreg:$0x0] =	wrdreg $0x0  }
0xae: {  	s6 =	sshll.u32 s28, $0x1;
	[dreg:$0x2] =	wrdreg s4  }
0xaf: {  	[dreg:$0x3] =	wrdreg s6  }
0xb0: {  	[dreg:$0x4] =	wrdreg $0xC0  }
0xb1: {  	_ =	task [dreg:s8], $0x5FFFF  }
0xb2: {  	[dreg:$0x1] =	wrdreg $0xFFFFFFFF  }
0xb3: {  	[dreg:$0x0] =	wrdreg $0x60  }
0xb4: {  	[dreg:$0x2] =	wrdreg s17  }
0xb5: {  	[dreg:$0x3] =	wrdreg s16  }
0xb6: {  	[dreg:$0x4] =	wrdreg s24  }
0xb7: {  	[dreg:$0x5] =	wrdreg $0x9  }
0xb8: {  	_ =	task.clear_ibuf [dreg:s8], $0x6FFFF;
	_ =	strace $0x90000046  }
0xb9: {  	s29 =	simm.s32 $0x9;
	_ =	strace $0x80000048  }
0xba: {  	_ =	swait.ge [sflag:s29], $0x1  }
0xbb: {  	[sflag:s29] =	ssyncadd.s32 $0xFFFFFFFF  }
0xbc: {  	_ =	strace $0x90000048  }
0xbd: {  	_ =	sfence  }
0xbe: {  	s30 =	sld [smem:$0x0];
	_ =	sdelay $0x2  }
0xbf: {  	s31 =	sshll.u32 s1, $0xD;
	s1 =	sshrl.u32 s1, $0x2  }
0xc0: {  	s3 =	sand.u32 $0x4000, s31;
	s1 =	sadd.s32 s1, s30  }
0xc1: {  	s0 =	sor.u32 s3, s0;
	s1 =	sshll.u32 s1, $0x11  }
0xc2: {  	s0 =	sor.u32 s1, s0  }
0xc3: {  	s0 =	sadd.s32 $0x8F2B, s0  }
0xc4: {  	[sflag:s0] =	ssyncadd.remote.s32 $0x1  }
0xc5: {  	_ =	sfence.sel $0xFFFF  }
0xc6: {  	[dreg:$0x0] =	wrdreg $0xFFFFFFFF;
	(pc) =	sbr.abs _section_cstart, $3  }
0xc7: {  	[dreg:$0x1] =	wrdreg $0xFFFFFFFF  }
0xc8: {  	_ =	task.clear_ibuf [dreg:s8], $0x2FFFF;
	_ =	strace $0x9FFFFFFF  }
0xc9: {  	(tm) =	ssettm $0x7FFFFFFF  }
tec
execute0_lowered:
.L_overlay_start_1:
0x0: {  	(tag) =	ssettag $0x1  }
0x1: {  	s0 =	srdreg.scid;
	s14 =	stileid.u32  }
0x2: {  	s1 =	sand.u32 $0x1, s0;
	s19 =	smul.u32 $0x2710, s14  }
0x3: {  	s2 =	rddreg [dreg:$0x0];
	s4 =	smul.u32 $0x1388, s1  }
0x4: {  	s3 =	rddreg [dreg:$0x1]  }
0x5: {  	s5 =	rddreg [dreg:$0x2];
	s6 =	sadd.s32 s4, s19;
	s4 =	simm.s32 $0x0  }
0x6: {  	s21 =	simm.s32 $0x1200;
	[smem:$0x7FF] =	sst s4  }
0x7: {  	s22 =	simm.s32 $0x1A00;
	_ =	strace $0x80000047;
	[dreg:$0x8] =	wrdreg s21  }
0x8: {  	s23 =	simm.s32 $0x2200;
	[dreg:$0x9] =	wrdreg s22  }
0x9: {  	s24 =	simm.s32 $0x2A00;
	[dreg:$0xa] =	wrdreg s23  }
0xa: {  	s25 =	simm.s32 $0x3200;
	[dreg:$0xb] =	wrdreg s24  }
0xb: {  	s26 =	simm.s32 $0x3A00;
	[dreg:$0xc] =	wrdreg s25  }
0xc: {  	s10 =	simm.s32 $0x5200;
	[dreg:$0xd] =	wrdreg s26  }
0xd: {  	s12 =	simm.s32 $0x5A00;
	[dreg:$0x10] =	wrdreg s10  }
0xe: {  	s15 =	simm.s32 $0x6200;
	s17 =	simm.s32 $0x6A00;
	[dreg:$0x11] =	wrdreg s12  }
0xf: {  	s18 =	simm.s32 $0x7200;
	s0 =	sadd.s32 $0x9A00, s5;
	[dreg:$0x12] =	wrdreg s15  }
0x10: {  	s7 =	sadd.s32 $0x40, s6;
	s6 =	sshrl.u32 s6, $0x3;
	[dreg:$0x13] =	wrdreg s17  }
0x11: {  	s8 =	sadd.s32 $0x4A00, s5;
	s20 =	sadd.s32 s6, s0;
	[dreg:$0x14] =	wrdreg s18  }
0x12: {  	s6 =	sadd.s32 s6, s8;
	[dreg:$0x6] =	wrdreg s20  }
0x13: {  	s21 =	simm.s32 $0x10A00;
	[dreg:$0x7] =	wrdreg s6  }
0x14: {  	s22 =	simm.s32 $0x11200;
	[dreg:$0x16] =	wrdreg s21  }
0x15: {  	s23 =	simm.s32 $0x11A00;
	[dreg:$0x17] =	wrdreg s22  }
0x16: {  	s13 =	ssub.s32 $0x2, s1;
	s24 =	simm.s32 $0x12200;
	[dreg:$0x18] =	wrdreg s23  }
0x17: {  	s16 =	sshrl.u32 s13, $0x1;
	s26 =	simm.s32 $0x12A00;
	[dreg:$0x19] =	wrdreg s24  }
0x18: {  	s10 =	ssub.s32 s13, s16;
	s13 =	simm.s32 $0x13200;
	[dreg:$0x1a] =	wrdreg s26  }
0x19: {  	s28 =	simm.s32 $0x6;
	s15 =	simm.s32 $0x13A00;
	[dreg:$0x1b] =	wrdreg s13  }
0x1a: {  	s7 =	sshrl.u32 s7, $0x3;
	s17 =	simm.s32 $0x80;
	[dreg:$0x1c] =	wrdreg s15  }
0x1b: {  	s29 =	simm.s32 $0x7;
	s9 =	sadd.s32 s7, s0;
	[dreg:$0x1d] =	wrdreg s17  }
0x1c: {  	s30 =	simm.s32 $0x8;
	s7 =	sadd.s32 s7, s8;
	[dreg:$0x4] =	wrdreg s9  }
0x1d: {  	s31 =	simm.s32 $0x0;
	s20 =	simm.s32 $0x7A00;
	[dreg:$0x5] =	wrdreg s7  }
0x1e: {  	s11 =	sadd.s32 $0x9D2A00, s5;
	s21 =	simm.s32 $0x8A00;
	[dreg:$0x15] =	wrdreg s20  }
0x1f: {  	s19 =	sshll.u32 s14, $0x1;
	s23 =	simm.s32 $0x9200;
	[dreg:$0x1f] =	wrdreg s21  }
0x20: {  	s6 =	sadd.s32 $0xEA00, s5;
	s24 =	simm.s32 $0x9A00;
	[smem:$0x7EB] =	sst s23  }
0x21: {  	s5 =	sadd.s32 $0x100, s2;
	s26 =	simm.s32 $0xA200;
	[smem:$0x7EC] =	sst s24  }
0x22: {  	s10 =	smax.u32 s10, $0x1;
	s15 =	simm.s32 $0xCA00;
	[smem:$0x7ED] =	sst s26  }
0x23: {  	s13 =	smul.u32 $0x27100, s1;
	s17 =	simm.s32 $0xDA00;
	[smem:$0x7F2] =	sst s15  }
0x24: {  	s7 =	simm.s32 $0x4200;
	s9 =	simm.s32 $0x4A00;
	[smem:$0x7F4] =	sst s17  }
0x25: {  	s21 =	simm.s32 $0xFA00;
	s15 =	simm.s32 $0x200;
	[dreg:$0xe] =	wrdreg s7  }
0x26: {  	s23 =	simm.s32 $0x15200;
	s17 =	simm.s32 $0x10200;
	[dreg:$0xf] =	wrdreg s9  }
0x27: {  	s24 =	simm.s32 $0x15A00;
	s26 =	simm.s32 $0x16A00;
	[smem:$0x7F8] =	sst s21  }
0x28: {  	s7 =	sor.u32 s1, s19;
	s19 =	simm.s32 $0x180;
	[smem:$0x7FA] =	sst s23  }
0x29: {  	s9 =	simm.s32 $0xBA00;
	s1 =	smul.u32 $0x4E200, s1;
	[smem:$0x7FB] =	sst s24  }
0x2a: {  	[smem:$0x7FD] =	sst s26;
	s21 =	simm.s32 $0x17A00;
	s7 =	smul.u32 $0x1388, s7  }
0x2b: {  	s23 =	simm.s32 $0x2;
	s24 =	simm.s32 $0x3;
	[dreg:$0x1e] =	wrdreg s19  }
0x2c: {  	[smem:$0x7F0] =	sst s9;
	s19 =	simm.s32 $0xEA00;
	s12 =	sadd.s32 $0x1380, s7  }
0x2d: {  	[smem:$0x7F6] =	sst s19;
	s7 =	simm.s32 $0xAA00;
	s25 =	sshrl.u32 s12, $0x3  }
0x2e: {  	s26 =	simm.s32 $0x5;
	[smem:$0x7EE] =	sst s7;
	s8 =	sadd.s32 s8, s25  }
0x2f: {  	s16 =	sshll.u32 s12, $0x6;
	s0 =	sadd.s32 s0, s25;
	[smem:$0x7E7] =	sst s8  }
0x30: {  	s20 =	sshll.u32 s12, $0x5;
	s18 =	sadd.s32 s6, s16;
	[smem:$0x7E8] =	sst s0  }
0x31: {  	s19 =	simm.s32 $0x14200;
	s22 =	sadd.s32 s11, s20;
	[smem:$0x7E9] =	sst s18  }
0x32: {  	s25 =	smul.u32 $0x4E200, s14;
	s16 =	simm.s32 $0xD200;
	[smem:$0x7EA] =	sst s22  }
0x33: {  	s14 =	smul.u32 $0x9C400, s14;
	s20 =	simm.s32 $0xF200;
	[smem:$0x7F3] =	sst s16  }
0x34: {  	s8 =	simm.s32 $0xB200;
	s18 =	simm.s32 $0xE200;
	[smem:$0x7F7] =	sst s20  }
0x35: {  	s22 =	simm.s32 $0x14A00;
	s16 =	simm.s32 $0xA00;
	[smem:$0x7EF] =	sst s8  }
0x36: {  	s20 =	simm.s32 $0x17200;
	s11 =	sadd.s32 s25, s11;
	[smem:$0x7F5] =	sst s18  }
0x37: {  	s6 =	sadd.s32 s14, s6;
	s14 =	simm.s32 $0x100;
	[smem:$0x7F9] =	sst s22  }
0x38: {  	s18 =	simm.s32 $0x8200;
	s25 =	simm.s32 $0x16200;
	s22 =	simm.s32 $0x1  }
0x39: {  	v2 =	vlaneseq.u32;
	s11 =	sadd.s32 s13, s11;
	s13 =	simm.s32 $0xC200;
	s1 =	sadd.s32 s1, s6  }
0x3a: {  	vm0 =	vmmov $0xffff;
	v1 =	vshrl.u32 v2, $0x3;
	[smem:$0x7FC] =	sst s25;
	s25 =	simm.s32 $0x4;
	s0 =	sadd.s32 $0x800, s11  }
0x3b: {  	v0 =	vand.u32 $0x7, v2;
	v2 =	vor.u32 $0x8, v2;
	v1 =	vmul.u32 $0x8, v1;
	[smem:$0x7F1] =	sst s13;
	s1 =	sadd.s32 $0x1000, s1;
	s13 =	simm.s32 $0x9  }
.LBB2_1:
0x3c: {  	s12 =	smov.u32 s1;
	s11 =	smov.u32 s0;
	s6 =	simm.s32 $0x0  }
.LBB2_2:
0x3d: {  	p0 =	seq.s32 s6, $0x0  }
0x3e: {  	s7 =	simm.s32 @!p0 $0x5  }
0x3f: {  	_ =	swait.ge @!p0 [sflag:s7], $0x8000  }
0x40: {  	[sflag:s7] =	ssyncset.done @!p0 $0x0  }
0x41: {  	[sflag:s7] =	ssyncadd.s32 @!p0 $0xFFFF8000;
	s7 =	simm.s32 @!p0 $0x6  }
0x42: {  	_ =	swait.ge @!p0 [sflag:s7], $0x4000  }
0x43: {  	s8 =	rddreg [dreg:$0x7];
	[sflag:s7] =	ssyncset.done @!p0 $0x0  }
0x44: {  	[sflag:s7] =	ssyncadd.s32 @!p0 $0xFFFFC000;
	s8 =	sadd.s32 s6, s8  }
0x45: {  	[tilespmem:s4], [sflag:$0x9] =	stream.linear.gather [hbm4b:s8+s4], $0x40, $0x38;
	[tilespmem:$0x18200] =	vst v63  }
0x46: {  	_ =	swait.ge [sflag:s13], $0x40  }
0x47: {  	s9 =	rddreg [dreg:$0x6];
	[sflag:s13] =	ssyncset.done $0x0  }
0x48: {  	[sflag:s13] =	ssyncadd.s32 $0xFFFFFFC0;
	s7 =	sadd.s32 s6, s9  }
0x49: {  	[tilespmem:s14], [sflag:$0x9] =	stream.linear.gather [hbm4b:s7+s4], $0x40, $0x38;
	[tilespmem:$0x18200] =	vst v63  }
0x4a: {  	_ =	swait.ge [sflag:s13], $0x40  }
0x4b: {  	[sflag:s13] =	ssyncset.done $0x0  }
0x4c: {  	[sflag:s13] =	ssyncadd.s32 $0xFFFFFFC0  }
0x4d: {  	v3 =	vld [tilespmem:$0x0];
	_ =	sdelay $0x4  }
0x4e: {  	v4 =	vshll.u32 v3, $0x2  }
0x4f: {  	v3 =	vand.u32 $0x7, v3;
	v4 =	vand.u32 $0xFFFFFFE0, v4  }
0x50: {  	v3 =	vor.u32 v3, v4  }
0x51: {  	v4 =	vperm.xlane v3, v0;
	_ =	sdelay $0x1  }
0x52: {  	v4 =	vadd.s32 v1, v4;
	_ =	sdelay $0x1  }
0x53: {  	v3 =	vperm.xlane v3, v2;
	_ =	sdelay $0x1  }
0x54: {  	v3 =	vadd.s32 v1, v3  }
0x55: {  	[tilespmem:s15], [sflag:$0x1] =	stream.indirect_vreg.gather [hbm4b:s2+s4], $0x80, v4, vm0, $0xb8;
	[tilespmem:$0x18200] =	vst v63  }
0x56: {  	_ = 	snop  }
0x57: {  	[tilespmem:s16], [sflag:$0x1] =	stream.indirect_vreg.gather [hbm4b:s5+s4], $0x80, v4, vm0, $0xb8;
	[tilespmem:$0x18200] =	vst v63  }
0x58: {  	s8 =	rddreg [dreg:$0x8]  }
0x59: {  	[tilespmem:s8], [sflag:$0x1] =	stream.indirect_vreg.gather [hbm4b:s2+s4], $0x80, v3, vm0, $0xb8;
	[tilespmem:$0x18200] =	vst v63  }
0x5a: {  	s9 =	rddreg [dreg:$0x9]  }
0x5b: {  	[tilespmem:s9], [sflag:$0x1] =	stream.indirect_vreg.gather [hbm4b:s5+s4], $0x80, v3, vm0, $0xb8;
	[tilespmem:$0x18200] =	vst v63  }
0x5c: {  	v3 =	vld [tilespmem:$0x10];
	_ =	sdelay $0x4  }
0x5d: {  	v49 =	vshll.u32 v3, $0x2  }
0x5e: {  	v3 =	vand.u32 $0x7, v3;
	v4 =	vand.u32 $0xFFFFFFE0, v49  }
0x5f: {  	v3 =	vor.u32 v3, v4  }
0x60: {  	v4 =	vperm.xlane v3, v0;
	_ =	sdelay $0x1  }
0x61: {  	v4 =	vadd.s32 v1, v4;
	_ =	sdelay $0x1  }
0x62: {  	v3 =	vperm.xlane v3, v2;
	_ =	sdelay $0x1  }
0x63: {  	s8 =	rddreg [dreg:$0xa];
	v3 =	vadd.s32 v1, v3  }
0x64: {  	[tilespmem:s8], [sflag:$0x1] =	stream.indirect_vreg.gather [hbm4b:s2+s4], $0x80, v4, vm0, $0xb8;
	[tilespmem:$0x18200] =	vst v63  }
0x65: {  	s9 =	rddreg [dreg:$0xb]  }
0x66: {  	[tilespmem:s9], [sflag:$0x1] =	stream.indirect_vreg.gather [hbm4b:s5+s4], $0x80, v4, vm0, $0xb8;
	[tilespmem:$0x18200] =	vst v63  }
0x67: {  	s7 =	rddreg [dreg:$0xc]  }
0x68: {  	[tilespmem:s7], [sflag:$0x1] =	stream.indirect_vreg.gather [hbm4b:s2+s4], $0x80, v3, vm0, $0xb8;
	[tilespmem:$0x18200] =	vst v63  }
0x69: {  	s9 =	rddreg [dreg:$0xd]  }
0x6a: {  	[tilespmem:s9], [sflag:$0x1] =	stream.indirect_vreg.gather [hbm4b:s5+s4], $0x80, v3, vm0, $0xb8;
	[tilespmem:$0x18200] =	vst v63  }
0x6b: {  	v3 =	vld [tilespmem:$0x20];
	_ =	sdelay $0x4  }
0x6c: {  	v50 =	vshll.u32 v3, $0x2  }
0x6d: {  	v3 =	vand.u32 $0x7, v3;
	v4 =	vand.u32 $0xFFFFFFE0, v50  }
0x6e: {  	v3 =	vor.u32 v3, v4  }
0x6f: {  	v4 =	vperm.xlane v3, v0;
	_ =	sdelay $0x1  }
0x70: {  	v4 =	vadd.s32 v1, v4;
	_ =	sdelay $0x1  }
0x71: {  	v3 =	vperm.xlane v3, v2;
	_ =	sdelay $0x1  }
0x72: {  	s8 =	rddreg [dreg:$0xe];
	v3 =	vadd.s32 v1, v3  }
0x73: {  	[tilespmem:s8], [sflag:$0x1] =	stream.indirect_vreg.gather [hbm4b:s2+s4], $0x80, v4, vm0, $0xb8;
	[tilespmem:$0x18200] =	vst v63  }
0x74: {  	s9 =	rddreg [dreg:$0xf]  }
0x75: {  	[tilespmem:s9], [sflag:$0x1] =	stream.indirect_vreg.gather [hbm4b:s5+s4], $0x80, v4, vm0, $0xb8;
	[tilespmem:$0x18200] =	vst v63  }
0x76: {  	s7 =	rddreg [dreg:$0x10]  }
0x77: {  	[tilespmem:s7], [sflag:$0x1] =	stream.indirect_vreg.gather [hbm4b:s2+s4], $0x80, v3, vm0, $0xb8;
	[tilespmem:$0x18200] =	vst v63  }
0x78: {  	s9 =	rddreg [dreg:$0x11]  }
0x79: {  	[tilespmem:s9], [sflag:$0x1] =	stream.indirect_vreg.gather [hbm4b:s5+s4], $0x80, v3, vm0, $0xb8;
	[tilespmem:$0x18200] =	vst v63  }
0x7a: {  	v3 =	vld [tilespmem:$0x30];
	_ =	sdelay $0x4  }
0x7b: {  	v51 =	vshll.u32 v3, $0x2  }
0x7c: {  	v3 =	vand.u32 $0x7, v3;
	v4 =	vand.u32 $0xFFFFFFE0, v51  }
0x7d: {  	v3 =	vor.u32 v3, v4  }
0x7e: {  	v4 =	vperm.xlane v3, v0;
	_ =	sdelay $0x1  }
0x7f: {  	v4 =	vadd.s32 v1, v4;
	_ =	sdelay $0x1  }
0x80: {  	v3 =	vperm.xlane v3, v2;
	_ =	sdelay $0x1  }
0x81: {  	s8 =	rddreg [dreg:$0x12];
	v3 =	vadd.s32 v1, v3  }
0x82: {  	[tilespmem:s8], [sflag:$0x1] =	stream.indirect_vreg.gather [hbm4b:s2+s4], $0x80, v4, vm0, $0xb8;
	[tilespmem:$0x18200] =	vst v63  }
0x83: {  	s9 =	rddreg [dreg:$0x13]  }
0x84: {  	[tilespmem:s9], [sflag:$0x1] =	stream.indirect_vreg.gather [hbm4b:s5+s4], $0x80, v4, vm0, $0xb8;
	[tilespmem:$0x18200] =	vst v63  }
0x85: {  	s7 =	rddreg [dreg:$0x14]  }
0x86: {  	[tilespmem:s7], [sflag:$0x1] =	stream.indirect_vreg.gather [hbm4b:s2+s4], $0x80, v3, vm0, $0xb8;
	[tilespmem:$0x18200] =	vst v63  }
0x87: {  	s9 =	rddreg [dreg:$0x15]  }
0x88: {  	[tilespmem:s9], [sflag:$0x1] =	stream.indirect_vreg.gather [hbm4b:s5+s4], $0x80, v3, vm0, $0xb8;
	[tilespmem:$0x18200] =	vst v63  }
0x89: {  	v3 =	vld [tilespmem:$0x100];
	_ =	sdelay $0x4  }
0x8a: {  	v52 =	vshll.u32 v3, $0x1  }
0x8b: {  	v3 =	vand.u32 $0x7, v3;
	v4 =	vand.u32 $0xFFFFFFF0, v52  }
0x8c: {  	v3 =	vor.u32 v3, v4  }
0x8d: {  	v4 =	vperm.xlane v3, v0;
	_ =	sdelay $0x1  }
0x8e: {  	v3 =	vperm.xlane v3, v2;
	v4 =	vadd.s32 v1, v4;
	_ =	sdelay $0x1  }
0x8f: {  	v3 =	vadd.s32 v1, v3;
	_ =	sdelay $0x2  }
0x90: {  	[tilespmem:s17], [sflag:$0x2] =	stream.indirect_vreg.gather [hbm4b:s3+s4], $0x80, v4, vm0, $0xb8;
	[tilespmem:$0x18200] =	vst v63  }
0x91: {  	s9 =	rddreg [dreg:$0x16]  }
0x92: {  	[tilespmem:s9], [sflag:$0x2] =	stream.indirect_vreg.gather [hbm4b:s3+s4], $0x80, v3, vm0, $0xb8;
	[tilespmem:$0x18200] =	vst v63  }
0x93: {  	v3 =	vld [tilespmem:$0x110];
	_ =	sdelay $0x4  }
0x94: {  	v53 =	vshll.u32 v3, $0x1  }
0x95: {  	v3 =	vand.u32 $0x7, v3;
	v4 =	vand.u32 $0xFFFFFFF0, v53  }
0x96: {  	v3 =	vor.u32 v3, v4  }
0x97: {  	v4 =	vperm.xlane v3, v0;
	_ =	sdelay $0x1  }
0x98: {  	v3 =	vperm.xlane v3, v2;
	v4 =	vadd.s32 v1, v4;
	_ =	sdelay $0x1  }
0x99: {  	v3 =	vadd.s32 v1, v3;
	_ =	sdelay $0x1  }
0x9a: {  	s8 =	rddreg [dreg:$0x17]  }
0x9b: {  	[tilespmem:s8], [sflag:$0x2] =	stream.indirect_vreg.gather [hbm4b:s3+s4], $0x80, v4, vm0, $0xb8;
	[tilespmem:$0x18200] =	vst v63  }
0x9c: {  	s9 =	rddreg [dreg:$0x18]  }
0x9d: {  	[tilespmem:s9], [sflag:$0x2] =	stream.indirect_vreg.gather [hbm4b:s3+s4], $0x80, v3, vm0, $0xb8;
	[tilespmem:$0x18200] =	vst v63  }
0x9e: {  	v3 =	vld [tilespmem:$0x120];
	_ =	sdelay $0x4  }
0x9f: {  	v54 =	vshll.u32 v3, $0x1  }
0xa0: {  	v3 =	vand.u32 $0x7, v3;
	v4 =	vand.u32 $0xFFFFFFF0, v54  }
0xa1: {  	v3 =	vor.u32 v3, v4  }
0xa2: {  	v4 =	vperm.xlane v3, v0;
	_ =	sdelay $0x1  }
0xa3: {  	v3 =	vperm.xlane v3, v2;
	v4 =	vadd.s32 v1, v4;
	_ =	sdelay $0x1  }
0xa4: {  	v3 =	vadd.s32 v1, v3;
	_ =	sdelay $0x1  }
0xa5: {  	s8 =	rddreg [dreg:$0x19]  }
0xa6: {  	[tilespmem:s8], [sflag:$0x2] =	stream.indirect_vreg.gather [hbm4b:s3+s4], $0x80, v4, vm0, $0xb8;
	[tilespmem:$0x18200] =	vst v63  }
0xa7: {  	s9 =	rddreg [dreg:$0x1a]  }
0xa8: {  	[tilespmem:s9], [sflag:$0x2] =	stream.indirect_vreg.gather [hbm4b:s3+s4], $0x80, v3, vm0, $0xb8;
	[tilespmem:$0x18200] =	vst v63  }
0xa9: {  	v3 =	vld [tilespmem:$0x130];
	_ =	sdelay $0x4  }
0xaa: {  	v55 =	vshll.u32 v3, $0x1  }
0xab: {  	v3 =	vand.u32 $0x7, v3;
	v4 =	vand.u32 $0xFFFFFFF0, v55  }
0xac: {  	v3 =	vor.u32 v3, v4  }
0xad: {  	v4 =	vperm.xlane v3, v0;
	_ =	sdelay $0x1  }
0xae: {  	v3 =	vperm.xlane v3, v2;
	v4 =	vadd.s32 v1, v4;
	_ =	sdelay $0x1  }
0xaf: {  	v3 =	vadd.s32 v1, v3;
	_ =	sdelay $0x1  }
0xb0: {  	s8 =	rddreg [dreg:$0x1b]  }
0xb1: {  	[tilespmem:s8], [sflag:$0x2] =	stream.indirect_vreg.gather [hbm4b:s3+s4], $0x80, v4, vm0, $0xb8;
	[tilespmem:$0x18200] =	vst v63  }
0xb2: {  	s7 =	simm.s32 @!p0 $0x7;
	s9 =	rddreg [dreg:$0x1c]  }
0xb3: {  	[tilespmem:s9], [sflag:$0x2] =	stream.indirect_vreg.gather [hbm4b:s3+s4], $0x80, v3, vm0, $0xb8;
	[tilespmem:$0x18200] =	vst v63  }
0xb4: {  	_ =	swait.ge @!p0 [sflag:s7], $0x8000  }
0xb5: {  	[sflag:s7] =	ssyncset.done @!p0 $0x0  }
0xb6: {  	[sflag:s7] =	ssyncadd.s32 @!p0 $0xFFFF8000;
	s7 =	simm.s32 @!p0 $0x8  }
0xb7: {  	_ =	swait.ge @!p0 [sflag:s7], $0x4000  }
0xb8: {  	s8 =	rddreg [dreg:$0x5];
	[sflag:s7] =	ssyncset.done @!p0 $0x0  }
0xb9: {  	s9 =	rddreg [dreg:$0x1d];
	[sflag:s7] =	ssyncadd.s32 @!p0 $0xFFFFC000;
	s8 =	sadd.s32 s6, s8  }
0xba: {  	[tilespmem:s9], [sflag:$0x9] =	stream.linear.gather [hbm4b:s8+s4], $0x40, $0x38;
	[tilespmem:$0x18200] =	vst v63  }
0xbb: {  	_ =	swait.ge [sflag:s13], $0x40  }
0xbc: {  	s8 =	rddreg [dreg:$0x4];
	[sflag:s13] =	ssyncset.done $0x0  }
0xbd: {  	s9 =	rddreg [dreg:$0x1e];
	[sflag:s13] =	ssyncadd.s32 $0xFFFFFFC0;
	s7 =	sadd.s32 s6, s8  }
0xbe: {  	[tilespmem:s9], [sflag:$0x9] =	stream.linear.gather [hbm4b:s7+s4], $0x40, $0x38;
	[tilespmem:$0x18200] =	vst v63  }
0xbf: {  	_ =	swait.ge [sflag:s13], $0x40  }
0xc0: {  	[sflag:s13] =	ssyncset.done $0x0  }
0xc1: {  	[sflag:s13] =	ssyncadd.s32 $0xFFFFFFC0  }
0xc2: {  	v3 =	vld [tilespmem:$0x80];
	_ =	sdelay $0x4  }
0xc3: {  	v56 =	vshll.u32 v3, $0x2  }
0xc4: {  	v3 =	vand.u32 $0x7, v3;
	v4 =	vand.u32 $0xFFFFFFE0, v56  }
0xc5: {  	v3 =	vor.u32 v3, v4  }
0xc6: {  	v4 =	vperm.xlane v3, v0;
	_ =	sdelay $0x1  }
0xc7: {  	v4 =	vadd.s32 v1, v4;
	_ =	sdelay $0x1  }
0xc8: {  	v3 =	vperm.xlane v3, v2;
	_ =	sdelay $0x1  }
0xc9: {  	s9 =	rddreg [dreg:$0x1f];
	v3 =	vadd.s32 v1, v3  }
0xca: {  	[tilespmem:s18], [sflag:$0x3] =	stream.indirect_vreg.gather [hbm4b:s2+s4], $0x80, v4, vm0, $0xb8;
	[tilespmem:$0x18200] =	vst v63  }
0xcb: {  	s8 =	sld [smem:$0x7EB]  }
0xcc: {  	[tilespmem:s9], [sflag:$0x3] =	stream.indirect_vreg.gather [hbm4b:s5+s4], $0x80, v4, vm0, $0xb8;
	[tilespmem:$0x18200] =	vst v63  }
0xcd: {  	s9 =	sld [smem:$0x7EC]  }
0xce: {  	[tilespmem:s8], [sflag:$0x3] =	stream.indirect_vreg.gather [hbm4b:s2+s4], $0x80, v3, vm0, $0xb8;
	[tilespmem:$0x18200] =	vst v63  }
0xcf: {  	_ = 	snop  }
0xd0: {  	[tilespmem:s9], [sflag:$0x3] =	stream.indirect_vreg.gather [hbm4b:s5+s4], $0x80, v3, vm0, $0xb8;
	[tilespmem:$0x18200] =	vst v63  }
0xd1: {  	v3 =	vld [tilespmem:$0x90];
	_ =	sdelay $0x4  }
0xd2: {  	v57 =	vshll.u32 v3, $0x2  }
0xd3: {  	v3 =	vand.u32 $0x7, v3;
	v4 =	vand.u32 $0xFFFFFFE0, v57  }
0xd4: {  	v3 =	vor.u32 v3, v4  }
0xd5: {  	v4 =	vperm.xlane v3, v0;
	_ =	sdelay $0x1  }
0xd6: {  	v4 =	vadd.s32 v1, v4;
	_ =	sdelay $0x1  }
0xd7: {  	s8 =	sld [smem:$0x7ED];
	v3 =	vperm.xlane v3, v2;
	_ =	sdelay $0x1  }
0xd8: {  	s9 =	sld [smem:$0x7EE];
	v3 =	vadd.s32 v1, v3  }
0xd9: {  	[tilespmem:s8], [sflag:$0x3] =	stream.indirect_vreg.gather [hbm4b:s2+s4], $0x80, v4, vm0, $0xb8;
	[tilespmem:$0x18200] =	vst v63  }
0xda: {  	s7 =	sld [smem:$0x7EF]  }
0xdb: {  	[tilespmem:s9], [sflag:$0x3] =	stream.indirect_vreg.gather [hbm4b:s5+s4], $0x80, v4, vm0, $0xb8;
	[tilespmem:$0x18200] =	vst v63  }
0xdc: {  	s9 =	sld [smem:$0x7F0]  }
0xdd: {  	[tilespmem:s7], [sflag:$0x3] =	stream.indirect_vreg.gather [hbm4b:s2+s4], $0x80, v3, vm0, $0xb8;
	[tilespmem:$0x18200] =	vst v63  }
0xde: {  	_ = 	snop  }
0xdf: {  	[tilespmem:s9], [sflag:$0x3] =	stream.indirect_vreg.gather [hbm4b:s5+s4], $0x80, v3, vm0, $0xb8;
	[tilespmem:$0x18200] =	vst v63  }
0xe0: {  	v3 =	vld [tilespmem:$0xA0];
	_ =	sdelay $0x4  }
0xe1: {  	v58 =	vshll.u32 v3, $0x2  }
0xe2: {  	v3 =	vand.u32 $0x7, v3;
	v4 =	vand.u32 $0xFFFFFFE0, v58  }
0xe3: {  	v3 =	vor.u32 v3, v4  }
0xe4: {  	v4 =	vperm.xlane v3, v0;
	_ =	sdelay $0x1  }
0xe5: {  	v4 =	vadd.s32 v1, v4;
	_ =	sdelay $0x1  }
0xe6: {  	s8 =	sld [smem:$0x7F1];
	v3 =	vperm.xlane v3, v2;
	_ =	sdelay $0x1  }
0xe7: {  	s9 =	sld [smem:$0x7F2];
	v3 =	vadd.s32 v1, v3  }
0xe8: {  	[tilespmem:s8], [sflag:$0x3] =	stream.indirect_vreg.gather [hbm4b:s2+s4], $0x80, v4, vm0, $0xb8;
	[tilespmem:$0x18200] =	vst v63  }
0xe9: {  	s7 =	sld [smem:$0x7F3]  }
0xea: {  	[tilespmem:s9], [sflag:$0x3] =	stream.indirect_vreg.gather [hbm4b:s5+s4], $0x80, v4, vm0, $0xb8;
	[tilespmem:$0x18200] =	vst v63  }
0xeb: {  	s9 =	sld [smem:$0x7F4]  }
0xec: {  	[tilespmem:s7], [sflag:$0x3] =	stream.indirect_vreg.gather [hbm4b:s2+s4], $0x80, v3, vm0, $0xb8;
	[tilespmem:$0x18200] =	vst v63  }
0xed: {  	_ = 	snop  }
0xee: {  	[tilespmem:s9], [sflag:$0x3] =	stream.indirect_vreg.gather [hbm4b:s5+s4], $0x80, v3, vm0, $0xb8;
	[tilespmem:$0x18200] =	vst v63  }
0xef: {  	v3 =	vld [tilespmem:$0xB0];
	_ =	sdelay $0x4  }
0xf0: {  	v59 =	vshll.u32 v3, $0x2  }
0xf1: {  	v3 =	vand.u32 $0x7, v3;
	v4 =	vand.u32 $0xFFFFFFE0, v59  }
0xf2: {  	v3 =	vor.u32 v3, v4  }
0xf3: {  	v4 =	vperm.xlane v3, v0;
	_ =	sdelay $0x1  }
0xf4: {  	v4 =	vadd.s32 v1, v4;
	_ =	sdelay $0x1  }
0xf5: {  	s8 =	sld [smem:$0x7F5];
	v3 =	vperm.xlane v3, v2;
	_ =	sdelay $0x1  }
0xf6: {  	s9 =	sld [smem:$0x7F6];
	v3 =	vadd.s32 v1, v3  }
0xf7: {  	[tilespmem:s8], [sflag:$0x3] =	stream.indirect_vreg.gather [hbm4b:s2+s4], $0x80, v4, vm0, $0xb8;
	[tilespmem:$0x18200] =	vst v63  }
0xf8: {  	s7 =	sld [smem:$0x7F7]  }
0xf9: {  	[tilespmem:s9], [sflag:$0x3] =	stream.indirect_vreg.gather [hbm4b:s5+s4], $0x80, v4, vm0, $0xb8;
	[tilespmem:$0x18200] =	vst v63  }
0xfa: {  	s9 =	sld [smem:$0x7F8]  }
0xfb: {  	[tilespmem:s7], [sflag:$0x3] =	stream.indirect_vreg.gather [hbm4b:s2+s4], $0x80, v3, vm0, $0xb8;
	[tilespmem:$0x18200] =	vst v63  }
0xfc: {  	_ = 	snop  }
0xfd: {  	[tilespmem:s9], [sflag:$0x3] =	stream.indirect_vreg.gather [hbm4b:s5+s4], $0x80, v3, vm0, $0xb8;
	[tilespmem:$0x18200] =	vst v63  }
0xfe: {  	v3 =	vld [tilespmem:$0x180];
	_ =	sdelay $0x4  }
0xff: {  	v60 =	vshll.u32 v3, $0x1  }
0x100: {  	v3 =	vand.u32 $0x7, v3;
	v4 =	vand.u32 $0xFFFFFFF0, v60  }
0x101: {  	v3 =	vor.u32 v3, v4  }
0x102: {  	v4 =	vperm.xlane v3, v0;
	_ =	sdelay $0x1  }
0x103: {  	v3 =	vperm.xlane v3, v2;
	v4 =	vadd.s32 v1, v4;
	_ =	sdelay $0x1  }
0x104: {  	v3 =	vadd.s32 v1, v3;
	_ =	sdelay $0x1  }
0x105: {  	s9 =	sld [smem:$0x7F9]  }
0x106: {  	[tilespmem:s19], [sflag:$0x4] =	stream.indirect_vreg.gather [hbm4b:s3+s4], $0x80, v4, vm0, $0xb8;
	[tilespmem:$0x18200] =	vst v63  }
0x107: {  	_ = 	snop  }
0x108: {  	[tilespmem:s9], [sflag:$0x4] =	stream.indirect_vreg.gather [hbm4b:s3+s4], $0x80, v3, vm0, $0xb8;
	[tilespmem:$0x18200] =	vst v63  }
0x109: {  	v3 =	vld [tilespmem:$0x190];
	_ =	sdelay $0x4  }
0x10a: {  	v61 =	vshll.u32 v3, $0x1  }
0x10b: {  	v3 =	vand.u32 $0x7, v3;
	v4 =	vand.u32 $0xFFFFFFF0, v61  }
0x10c: {  	v3 =	vor.u32 v3, v4  }
0x10d: {  	v4 =	vperm.xlane v3, v0;
	_ =	sdelay $0x1  }
0x10e: {  	v3 =	vperm.xlane v3, v2;
	v4 =	vadd.s32 v1, v4;
	_ =	sdelay $0x1  }
0x10f: {  	s8 =	sld [smem:$0x7FA];
	v3 =	vadd.s32 v1, v3;
	_ =	sdelay $0x1  }
0x110: {  	s9 =	sld [smem:$0x7FB]  }
0x111: {  	[tilespmem:s8], [sflag:$0x4] =	stream.indirect_vreg.gather [hbm4b:s3+s4], $0x80, v4, vm0, $0xb8;
	[tilespmem:$0x18200] =	vst v63  }
0x112: {  	_ = 	snop  }
0x113: {  	[tilespmem:s9], [sflag:$0x4] =	stream.indirect_vreg.gather [hbm4b:s3+s4], $0x80, v3, vm0, $0xb8;
	[tilespmem:$0x18200] =	vst v63  }
0x114: {  	v3 =	vld [tilespmem:$0x1A0];
	_ =	sdelay $0x4  }
0x115: {  	v62 =	vshll.u32 v3, $0x1  }
0x116: {  	v3 =	vand.u32 $0x7, v3;
	v4 =	vand.u32 $0xFFFFFFF0, v62  }
0x117: {  	v3 =	vor.u32 v3, v4  }
0x118: {  	v4 =	vperm.xlane v3, v0;
	_ =	sdelay $0x1  }
0x119: {  	v3 =	vperm.xlane v3, v2;
	v4 =	vadd.s32 v1, v4;
	_ =	sdelay $0x1  }
0x11a: {  	s8 =	sld [smem:$0x7FC];
	v3 =	vadd.s32 v1, v3;
	_ =	sdelay $0x1  }
0x11b: {  	s9 =	sld [smem:$0x7FD]  }
0x11c: {  	[tilespmem:s8], [sflag:$0x4] =	stream.indirect_vreg.gather [hbm4b:s3+s4], $0x80, v4, vm0, $0xb8;
	[tilespmem:$0x18200] =	vst v63  }
0x11d: {  	_ = 	snop  }
0x11e: {  	[tilespmem:s9], [sflag:$0x4] =	stream.indirect_vreg.gather [hbm4b:s3+s4], $0x80, v3, vm0, $0xb8;
	[tilespmem:$0x18200] =	vst v63  }
0x11f: {  	v3 =	vld [tilespmem:$0x1B0];
	_ =	sdelay $0x4  }
0x120: {  	v63 =	vshll.u32 v3, $0x1  }
0x121: {  	v3 =	vand.u32 $0x7, v3;
	v4 =	vand.u32 $0xFFFFFFF0, v63  }
0x122: {  	v3 =	vor.u32 v3, v4  }
0x123: {  	v4 =	vperm.xlane v3, v0;
	_ =	sdelay $0x1  }
0x124: {  	v3 =	vperm.xlane v3, v2;
	v4 =	vadd.s32 v1, v4;
	_ =	sdelay $0x1  }
0x125: {  	v3 =	vadd.s32 v1, v3;
	_ =	sdelay $0x2  }
0x126: {  	[tilespmem:s20], [sflag:$0x4] =	stream.indirect_vreg.gather [hbm4b:s3+s4], $0x80, v4, vm0, $0xb8;
	[tilespmem:$0x18200] =	vst v63  }
0x127: {  	_ = 	snop  }
0x128: {  	[tilespmem:s21], [sflag:$0x4] =	stream.indirect_vreg.gather [hbm4b:s3+s4], $0x80, v3, vm0, $0xb8;
	[tilespmem:$0x18200] =	vst v63  }
0x129: {  	_ =	swait.ge [sflag:s22], $0x8000  }
0x12a: {  	[sflag:s22] =	ssyncset.done $0x0  }
0x12b: {  	s8 =	sadd.s32 $0xFFFFF000, s12;
	[sflag:s22] =	ssyncadd.s32 $0xFFFF8000  }
0x12c: {  	[hbm4b:s8+s4] =	stream.linear.scatter [tilespmem:s15], [sflag:$0x5], $0x8000, $0x38;
	[tilespmem:$0x18200] =	vst v63  }
0x12d: {  	_ =	swait.ge [sflag:s23], $0x4000  }
0x12e: {  	[sflag:s23] =	ssyncset.done $0x0  }
0x12f: {  	s9 =	sadd.s32 $0xFFFFF800, s11;
	[sflag:s23] =	ssyncadd.s32 $0xFFFFC000  }
0x130: {  	[hbm4b:s9+s4] =	stream.linear.scatter [tilespmem:s17], [sflag:$0x6], $0x4000, $0x38;
	[tilespmem:$0x18200] =	vst v63  }
0x131: {  	_ =	swait.ge [sflag:s24], $0x8000  }
0x132: {  	s6 =	sadd.s32 $0x10, s6;
	[sflag:s24] =	ssyncset.done $0x0  }
0x133: {  	p0 =	sne.s32 s6, $0x270;
	[sflag:s24] =	ssyncadd.s32 $0xFFFF8000  }
0x134: {  	[hbm4b:s12+s4] =	stream.linear.scatter [tilespmem:s18], [sflag:$0x7], $0x8000, $0x38;
	[tilespmem:$0x18200] =	vst v63  }
.Ltmp0:
0x135: {  	_ =	swait.ge [sflag:s25], $0x4000;
	(pc) =	sbr.rel @p0 .LBB2_2-.Ltmp0, $4  }
0x136: {  	[sflag:s25] =	ssyncset.done $0x0  }
0x137: {  	[sflag:s25] =	ssyncadd.s32 $0xFFFFC000  }
0x138: {  	[hbm4b:s11+s4] =	stream.linear.scatter [tilespmem:s19], [sflag:$0x8], $0x4000, $0x38;
	[tilespmem:$0x18200] =	vst v63  }
0x139: {  	s12 =	sadd.s32 $0x2000, s12;
	s11 =	sadd.s32 $0x1000, s11  }
0x13a: {  	_ =	swait.ge [sflag:s26], $0x8000  }
0x13b: {  	[sflag:s26] =	ssyncset.done $0x0  }
0x13c: {  	[sflag:s26] =	ssyncadd.s32 $0xFFFF8000  }
0x13d: {  	_ =	swait.ge [sflag:s28], $0x4000  }
0x13e: {  	[sflag:s28] =	ssyncset.done $0x0  }
0x13f: {  	[sflag:s28] =	ssyncadd.s32 $0xFFFFC000  }
0x140: {  	_ =	swait.ge [sflag:s29], $0x8000  }
0x141: {  	[sflag:s29] =	ssyncset.done $0x0  }
0x142: {  	[sflag:s29] =	ssyncadd.s32 $0xFFFF8000  }
0x143: {  	_ =	swait.ge [sflag:s30], $0x4000  }
0x144: {  	s6 =	sld [smem:$0x7E7]  }
0x145: {  	[sflag:s30] =	ssyncset.done $0x0  }
0x146: {  	[sflag:s30] =	ssyncadd.s32 $0xFFFFC000  }
0x147: {  	[tilespmem:s4], [sflag:$0x9] =	stream.linear.gather [hbm4b:s6+s4], $0x8, $0x38;
	[tilespmem:$0x18200] =	vst v63  }
0x148: {  	_ =	swait.ge [sflag:s13], $0x8  }
0x149: {  	s9 =	sld [smem:$0x7E8]  }
0x14a: {  	[sflag:s13] =	ssyncset.done $0x0  }
0x14b: {  	[sflag:s13] =	ssyncadd.s32 $0xFFFFFFF8  }
0x14c: {  	[tilespmem:s14], [sflag:$0x9] =	stream.linear.gather [hbm4b:s9+s4], $0x8, $0x38;
	[tilespmem:$0x18200] =	vst v63  }
0x14d: {  	_ =	swait.ge [sflag:s13], $0x8  }
0x14e: {  	[sflag:s13] =	ssyncset.done $0x0  }
0x14f: {  	[sflag:s13] =	ssyncadd.s32 $0xFFFFFFF8  }
0x150: {  	v3 =	vld.msk [tilespmem:$0x0], $0xff;
	_ =	sdelay $0x4  }
0x151: {  	v4 =	vshll.u32 v3, $0x2  }
0x152: {  	v3 =	vand.u32 $0x7, v3;
	v4 =	vand.u32 $0xFFFFFFE0, v4  }
0x153: {  	v3 =	vor.u32 v3, v4  }
0x154: {  	v3 =	vperm.xlane v3, v0;
	_ =	sdelay $0x1  }
0x155: {  	v3 =	vadd.s32 v1, v3;
	_ =	sdelay $0x4  }
0x156: {  	[tilespmem:s15], [sflag:$0x1] =	stream.indirect_vreg.gather [hbm4b:s2+s4], $0x80, v3, vm0, $0xb8;
	[tilespmem:$0x18200] =	vst v63  }
0x157: {  	_ = 	snop  }
0x158: {  	[tilespmem:s16], [sflag:$0x1] =	stream.indirect_vreg.gather [hbm4b:s5+s4], $0x80, v3, vm0, $0xb8;
	[tilespmem:$0x18200] =	vst v63  }
0x159: {  	_ =	swait.ge [sflag:s22], $0x1000  }
0x15a: {  	s11 =	sld [smem:$0x7E9]  }
0x15b: {  	[sflag:s22] =	ssyncset.done $0x0  }
0x15c: {  	[sflag:s22] =	ssyncadd.s32 $0xFFFFF000  }
0x15d: {  	[hbm4b:s11+s4] =	stream.linear.scatter [tilespmem:s15], [sflag:$0x9], $0x1000, $0x38;
	[tilespmem:$0x18200] =	vst v63  }
0x15e: {  	_ =	swait.ge [sflag:s13], $0x1000  }
0x15f: {  	[sflag:s13] =	ssyncset.done $0x0  }
0x160: {  	[sflag:s13] =	ssyncadd.s32 $0xFFFFF000  }
0x161: {  	v3 =	vld.msk [tilespmem:$0x100], $0xff;
	_ =	sdelay $0x4  }
0x162: {  	v63 =	vshll.u32 v3, $0x1  }
0x163: {  	v3 =	vand.u32 $0x7, v3;
	v4 =	vand.u32 $0xFFFFFFF0, v63  }
0x164: {  	v3 =	vor.u32 v3, v4  }
0x165: {  	v3 =	vperm.xlane v3, v0;
	_ =	sdelay $0x1  }
0x166: {  	v3 =	vadd.s32 v1, v3;
	_ =	sdelay $0x4  }
0x167: {  	[tilespmem:s17], [sflag:$0x2] =	stream.indirect_vreg.gather [hbm4b:s3+s4], $0x80, v3, vm0, $0xb8;
	[tilespmem:$0x18200] =	vst v63  }
0x168: {  	_ =	swait.ge [sflag:s23], $0x800  }
0x169: {  	s31 =	sadd.s32 $0x1, s31;
	s12 =	sld [smem:$0x7EA]  }
0x16a: {  	p0 =	sne.s32 s31, s10;
	[sflag:s23] =	ssyncset.done $0x0  }
.Ltmp1:
0x16b: {  	[sflag:s23] =	ssyncadd.s32 $0xFFFFF800;
	(pc) =	sbr.rel @p0 .LBB2_1-.Ltmp1, $4  }
0x16c: {  	[hbm4b:s12+s4] =	stream.linear.scatter [tilespmem:s17], [sflag:$0x9], $0x800, $0x38;
	[tilespmem:$0x18200] =	vst v63  }
0x16d: {  	_ =	swait.ge [sflag:s13], $0x800  }
0x16e: {  	[sflag:s13] =	ssyncset.done $0x0  }
0x16f: {  	[sflag:s13] =	ssyncadd.s32 $0xFFFFF800  }
0x170: {  	_ =	sfence.sel $0x180000  }
0x171: {  	[bflag:$0x0] =	sbarrier.arrive $0xFFFF  }
0x172: {  	_ =	strace $0x90000047  }
0x173: {  	s0 =	stileid.u32;
	[bflag:$0x2] =	sbarrier.arrive $0xFFFF  }
0x174: {  	p0 =	sne.s32 s0, $0x0;
	s0 =	rddreg [dreg:$0x3]  }
0x175: {  	s0 =	sadd.s32 @!p0 $0x100000, s0  }
0x176: {  	[sflag:s0] =	ssyncadd.tile.s32 @!p0 $0x1;
	_ =	shalt  }
.Lfunc_end2:
_tile_overlayer_lowered:
.L_overlay_start_2:
0x177: {  	(tag) =	ssettag $0x2  }
0x178: {  	s0 =	rddreg [dreg:$0x0];
	s2 =	stileid.u32  }
0x179: {  	s1 =	rddreg [dreg:$0x1];
	p0 =	sne.s32 s2, $0x0  }
0x17a: {  	s3 =	rddreg [dreg:$0x2];
	[bflag:$0x3] =	sbarrier.arrive $0xFFFF;
	s2 =	simm.s32 @!p0 $0x1C09  }
0x17b: {  	[timem:s3], [sflag:s2] =	dma.local @!p0 [hbm:s0], s1  }
0x17c: {  	s0 =	simm.s32 @!p0 $0x9  }
0x17d: {  	_ =	swait.ge @!p0 [sflag:s0], s1  }
0x17e: {  	s1 =	ssub.s32 @!p0 $0x0, s1;
	[sflag:s0] =	ssyncset.done @!p0 $0x0  }
0x17f: {  	[sflag:s0] =	ssyncadd.s32 @!p0 s1  }
0x180: {  	[bflag:$0x3] =	sbarrier.arrive $0xFFFF  }
0x181: {  	_ =	shalt  }

// kernel: kernel.15.cloned.1.call-start
scs
__scs_entry_jumppad:
0x0: {  	(pc) =	sbr.rel $0x88, $3  }
0x1: {  	(tag) =	ssettag $0x0;
	lr =	simm.s32 $0x1  }
0x2: {  	[smem:$0x3F8E] =	sst lr;
	_ =	strace $0xD0000000  }
0x3: {  	_ = 	snop  }
0x4: {  	_ = 	snop  }
0x5: {  	_ = 	snop  }
0x6: {  	_ = 	snop  }
0x7: {  	_ = 	snop  }
__scs_overlays_trampoline_lowered:
0x8: {  	[smem:$0x3F9D] =	sst s0  }
0x9: {  	[smem:$0x3F9E] =	sst s1  }
0xa: {  	[smem:$0x3F9F] =	sst s2  }
0xb: {  	[smem:$0x3FA0] =	sst s3  }
0xc: {  	[smem:$0x3FA1] =	sst s4  }
0xd: {  	[smem:$0x3FA2] =	sst s5  }
0xe: {  	[smem:$0x3FA3] =	sst s6  }
0xf: {  	[smem:$0x3FA4] =	sst s7  }
0x10: {  	[smem:$0x3FA5] =	sst s8  }
0x11: {  	[smem:$0x3FA6] =	sst s9;
	s0 =	simm.s32 @!p0 $0x0  }
0x12: {  	s1 =	sld [smem:$0x3F8C];
	s0 =	simm.s32 @p0 $0x1  }
0x13: {  	[smem:$0x3FA7] =	sst s0;
	s0 =	simm.s32 @!p1 $0x0  }
0x14: {  	s2 =	sld [smem:$0x3F8B];
	s0 =	simm.s32 @p1 $0x1  }
0x15: {  	[smem:$0x3FA8] =	sst s0;
	s0 =	simm.s32 @!p2 $0x0  }
0x16: {  	s3 =	sld [smem:$0x3FDB];
	s0 =	simm.s32 @p2 $0x1  }
0x17: {  	s4 =	simm.s32 $0x1BF5;
	[smem:$0x3FAA] =	sst s0  }
0x18: {  	s0 =	sld [smem:$0x3F8D];
	_ =	swait.ge [sflag:s4], $0x0  }
0x19: {  	s7 =	sld [smem:$0x3F8E]  }
0x1a: {  	s8 =	sadd.s32 $0xFFFFE003, lr  }
0x1b: {  	s9 =	sadd.s32 $0xFFFFFEF7, lr;
	s5 =	simm.s32 $0xFFFFFFFF;
	p2 =	slt.u32 s8, $0xFFFFF086  }
0x1c: {  	p1 =	slt.u32 s9, $0xF7A;
	s5 =	simm.s32 @!p2 $0x0  }
0x1d: {  	s5 =	simm.s32 @p1 $0x1;
	p0 =	seq.s32 s7, s2  }
0x1e: {  	s7 =	smul.u32 @!p0 $0xF7A, s2;
	p2 =	seq.s32 @!p0 s5, $0x0  }
0x1f: {  	s9 =	smul.u32 $0xF7A, s1;
	s8 =	simm.s32 @!p0 $0x1BF5;
	p2 =	por !p2, p0  }
0x20: {  	[sflag:s8] =	ssyncset.s32 @!p0 $0xFFFFF086;
	s6 =	sadd.s32 @!p0 s3, s7;
	s7 =	simm.s32 @!p0 $0x108  }
0x21: {  	s3 =	sadd.s32 s3, s9;
	s6 =	sadd.s32 @!p0 $0x88, s6;
	s7 =	simm.s32 @p2 $0x1082  }
0x22: {  	[simem:s7], [sflag:s8] =	dma.local @!p0 [hbm:s6], $0xF7A  }
0x23: {  	s9 =	sor.u32 $0xD0000000, s2;
	s6 =	simm.s32 $0x108;
	_ =	swait.ge @!p0 [sflag:s8], $0x0  }
0x24: {  	s3 =	sadd.s32 $0x88, s3;
	s6 =	simm.s32 @!p1 $0x1082;
	[sflag:s4] =	ssyncset.s32 $0xFFFFF086  }
0x25: {  	[simem:s6], [sflag:s4] =	dma.local [hbm:s3], $0xF7A  }
0x26: {  	[smem:$0x3F8E] =	sst s1;
	(tag) =	ssettag s2;
	_ =	strace s9  }
0x27: {  	s1 =	sld [smem:$0x3F9E]  }
0x28: {  	s2 =	sld [smem:$0x3F9F]  }
0x29: {  	s4 =	sld [smem:$0x3FA1]  }
0x2a: {  	p0 =	seq.s32 s5, $0x0;
	s5 =	sld [smem:$0x3FA2]  }
0x2b: {  	s6 =	sld [smem:$0x3FA3]  }
0x2c: {  	s7 =	sld [smem:$0x3FA4]  }
0x2d: {  	s3 =	simm.s32 $0x108;
	s8 =	sld [smem:$0x3FA5]  }
0x2e: {  	s3 =	simm.s32 @!p0 $0x1082;
	s9 =	sld [smem:$0x3FA6]  }
0x2f: {  	lr =	sadd.s32 s0, s3;
	s0 =	sld [smem:$0x3F9D]  }
0x30: {  	s3 =	sld [smem:$0x3FA0]  }
0x31: {  	[smem:$0x3FA9] =	sst s10  }
0x32: {  	s10 =	sld [smem:$0x3FA7];
	_ =	sdelay $0x3  }
0x33: {  	p0 =	seq.s32 s10, $0x1;
	s10 =	sld [smem:$0x3FA9];
	_ =	sdelay $0x3  }
0x34: {  	[smem:$0x3FA9] =	sst s10  }
0x35: {  	s10 =	sld [smem:$0x3FA8];
	_ =	sdelay $0x3  }
0x36: {  	p1 =	seq.s32 s10, $0x1;
	s10 =	sld [smem:$0x3FA9];
	_ =	sdelay $0x3  }
0x37: {  	[smem:$0x3FA9] =	sst s10  }
0x38: {  	s10 =	sld [smem:$0x3FAA]  }
0x39: {  	_ = 	snop;
	(pc) =	sbr.ind lr, $3  }
0x3a: {  	_ = 	snop  }
0x3b: {  	_ = 	snop  }
0x3c: {  	p2 =	seq.s32 s10, $0x1;
	s10 =	sld [smem:$0x3FA9]  }
0x3d: {  	_ =	shalt  }
0x3e: {  	_ =	shalt  }
0x3f: {  	_ =	shalt  }
0x40: {  	_ =	shalt  }
0x41: {  	_ =	shalt  }
0x42: {  	_ =	shalt  }
0x43: {  	_ =	shalt  }
0x44: {  	_ =	shalt  }
0x45: {  	_ =	shalt  }
0x46: {  	_ =	shalt  }
0x47: {  	_ =	shalt  }
0x48: {  	_ =	shalt  }
0x49: {  	_ =	shalt  }
0x4a: {  	_ =	shalt  }
0x4b: {  	_ =	shalt  }
0x4c: {  	_ =	shalt  }
0x4d: {  	_ =	shalt  }
0x4e: {  	_ =	shalt  }
0x4f: {  	_ =	shalt  }
0x50: {  	_ =	shalt  }
0x51: {  	_ =	shalt  }
0x52: {  	_ =	shalt  }
0x53: {  	_ =	shalt  }
0x54: {  	_ =	shalt  }
0x55: {  	_ =	shalt  }
0x56: {  	_ =	shalt  }
0x57: {  	_ =	shalt  }
0x58: {  	_ =	shalt  }
0x59: {  	_ =	shalt  }
0x5a: {  	_ =	shalt  }
0x5b: {  	_ =	shalt  }
0x5c: {  	_ =	shalt  }
0x5d: {  	_ =	shalt  }
0x5e: {  	_ =	shalt  }
0x5f: {  	_ =	shalt  }
0x60: {  	_ =	shalt  }
0x61: {  	_ =	shalt  }
0x62: {  	_ =	shalt  }
0x63: {  	_ =	shalt  }
0x64: {  	_ =	shalt  }
0x65: {  	_ =	shalt  }
0x66: {  	_ =	shalt  }
0x67: {  	_ =	shalt  }
0x68: {  	_ =	shalt  }
0x69: {  	_ =	shalt  }
0x6a: {  	_ =	shalt  }
0x6b: {  	_ =	shalt  }
0x6c: {  	_ =	shalt  }
0x6d: {  	_ =	shalt  }
0x6e: {  	_ =	shalt  }
0x6f: {  	_ =	shalt  }
0x70: {  	_ =	shalt  }
0x71: {  	_ =	shalt  }
0x72: {  	_ =	shalt  }
0x73: {  	_ =	shalt  }
0x74: {  	_ =	shalt  }
0x75: {  	_ =	shalt  }
0x76: {  	_ =	shalt  }
0x77: {  	_ =	shalt  }
0x78: {  	_ =	shalt  }
0x79: {  	_ =	shalt  }
0x7a: {  	_ =	shalt  }
0x7b: {  	_ =	shalt  }
0x7c: {  	_ =	shalt  }
0x7d: {  	_ =	shalt  }
0x7e: {  	_ =	shalt  }
0x7f: {  	_ =	shalt  }
0x80: {  	_ =	shalt  }
0x81: {  	_ =	shalt  }
0x82: {  	_ =	shalt  }
0x83: {  	_ =	shalt  }
0x84: {  	_ =	shalt  }
0x85: {  	_ =	shalt  }
0x86: {  	_ =	shalt  }
0x87: {  	_ =	shalt  }
.Lfunc_end0:
.L_simem_size_0:
called_computation.1_lowered:
.L_overlay_start_0:
0x88: {  	s2 =	sld [smem:$0x3FD9]  }
0x89: {  	s3 =	sld [smem:$0x3FFE];
	_ =	sdelay $0x1  }
0x8a: {  	s1 =	srdreg.scid  }
0x8b: {  	s0 =	sand.u32 $0x1, s1  }
0x8c: {  	s15 =	sshll.u32 s0, $0xA;
	s2 =	sadd.s32 s3, s2  }
0x8d: {  	s2 =	sadd.s32 s2, s15  }
0x8e: {  	[smem:$0x3FB5] =	sst s2  }
0x8f: {  	_ = 	snop  }
0x90: {  	s2 =	sld [smem:$0x3FD0];
	_ =	sdelay $0x2  }
0x91: {  	s16 =	simm.s32 $0xB;
	s4 =	simm.s32 $0x10  }
0x92: {  	[smem:s4], [sflag:s16] =	dma.local [hbm:s2], $0x1  }
0x93: {  	_ =	swait.eq [sflag:s16], $0x1  }
0x94: {  	[sflag:s16] =	ssyncset.done $0x0  }
0x95: {  	[sflag:s16] =	ssyncadd.s32 $0xFFFFFFFF  }
0x96: {  	s17 =	sld [smem:$0x10];
	(tm) =	ssettm $0x1  }
0x97: {  	s18 =	sld [smem:$0x3FFB];
	_ =	sdelay $0x3  }
0x98: {  	_ =	strace s18  }
0x99: {  	s2 =	sld [smem:$0x3FFC];
	_ =	sdelay $0x3  }
0x9a: {  	_ =	strace s2  }
0x9b: {  	s2 =	sld [smem:$0x3FFD];
	_ =	sdelay $0x3  }
0x9c: {  	_ =	strace s2  }
0x9d: {  	_ =	strace $0x8FFFFFFF  }
0x9e: {  	s19 =	sld [smem:$0x3FDB];
	_ =	sdelay $0x1  }
0x9f: {  	s20 =	simm.s32 $_scs_section_size  }
0xa0: {  	s5 =	simm.s32 $_size__tile_overlayer_lowered;
	s6 =	simm.s32 $_tile_overlayer_lowered  }
0xa1: {  	s7 =	simm.s32 $0x1BFF;
	s21 =	sshll.u32 s6, $0x1;
	s4 =	sadd.s32 s20, s19  }
0xa2: {  	s22 =	simm.s32 $0x0;
	s5 =	sshll.u32 s5, $0x1;
	s6 =	sadd.s32 s21, s4  }
0xa3: {  	[timem:s22], [sflag:s7] =	dma.local [hbm:s6], s5  }
0xa4: {  	_ =	swait.ge [sflag:s7], s5  }
0xa5: {  	s5 =	ssub.s32 $0x0, s5;
	[sflag:s7] =	ssyncset.done $0x0  }
0xa6: {  	[sflag:s7] =	ssyncadd.s32 s5;
	_ =	sdelay $0x1  }
0xa7: {  	s23 =	simm.s32 $0x1B8B  }
0xa8: {  	_ =	swait.ge [sflag:s23], $0x1  }
0xa9: {  	[sflag:s23] =	ssyncset.done $0x0  }
0xaa: {  	[sflag:s23] =	ssyncadd.s32 $0xFFFFFFFF  }
0xab: {  	s5 =	sld [smem:$0x0]  }
0xac: {  	s6 =	sand.u32 $0xFFFFFFFE, s1  }
0xad: {  	p0 =	sne.s32 s1, s6  }
0xae: {  	s6 =	sshll.u32 @p0 s6, $0xE  }
0xaf: {  	s6 =	sadd.s32 @p0 $0x11B8D, s6;
	s7 =	sshll.u32 @p0 s5, $0x11  }
0xb0: {  	s6 =	sor.u32 @p0 s7, s6  }
0xb1: {  	[sflag:s6] =	ssyncadd.remote.s32 @p0 $0x1;
	_ =	sdelay $0x1  }
0xb2: {  	s6 =	simm.s32 @p0 $0x1B8D  }
0xb3: {  	_ =	swait.eq @p0 [sflag:s6], $0x1  }
0xb4: {  	[sflag:s6] =	ssyncadd.s32 @p0 $0xFFFFFFFF  }
0xb5: {  	s7 =	sshll.u32 @!p0 s1, $0xE  }
0xb6: {  	s7 =	sor.u32 @!p0 $0x4000, s7;
	s6 =	simm.s32 @!p0 $0x1B8D  }
0xb7: {  	s5 =	sshll.u32 @!p0 s5, $0x11;
	s7 =	sadd.s32 @!p0 $0x11B8D, s7;
	_ =	swait.eq @!p0 [sflag:s6], $0x1  }
0xb8: {  	s5 =	sor.u32 @!p0 s5, s7;
	[sflag:s6] =	ssyncadd.s32 @!p0 $0xFFFFFFFF  }
0xb9: {  	s25 =	simm.s32 $0x1B8E;
	s24 =	sld [smem:$0x3FFE];
	[sflag:s5] =	ssyncadd.remote.s32 @!p0 $0x1  }
0xba: {  	s26 =	simm.s32 $execute0_lowered;
	[smem:$0x3FD2] =	sst s25  }
0xbb: {  	s6 =	sshll.u32 s26, $0x1;
	_ =	strace $0x8000004C;
	[dreg:$0x1] =	wrdreg $0xFFFFFFFF  }
0xbc: {  	s28 =	simm.s32 $_size_execute0_lowered;
	s4 =	sadd.s32 s4, s6;
	[dreg:$0x0] =	wrdreg $0x0  }
0xbd: {  	s6 =	sshll.u32 s28, $0x1;
	[dreg:$0x2] =	wrdreg s4  }
0xbe: {  	[dreg:$0x3] =	wrdreg s6  }
0xbf: {  	[dreg:$0x4] =	wrdreg $0xC0  }
0xc0: {  	_ =	task [dreg:s22], $0x5FFFF  }
0xc1: {  	[dreg:$0x1] =	wrdreg $0xFFFFFFFF  }
0xc2: {  	[dreg:$0x0] =	wrdreg $0x60  }
0xc3: {  	[dreg:$0x2] =	wrdreg s24  }
0xc4: {  	[dreg:$0x3] =	wrdreg s17  }
0xc5: {  	[dreg:$0x4] =	wrdreg $0x0  }
0xc6: {  	[dreg:$0x5] =	wrdreg $0x9  }
0xc7: {  	_ =	task.clear_ibuf [dreg:s22], $0x6FFFF;
	_ =	strace $0x9000004C  }
0xc8: {  	s29 =	simm.s32 $0x9;
	_ =	strace $0x8000004E  }
0xc9: {  	_ =	swait.ge [sflag:s29], $0x1  }
0xca: {  	[sflag:s29] =	ssyncadd.s32 $0xFFFFFFFF  }
0xcb: {  	_ =	strace $0x9000004E  }
0xcc: {  	_ =	sfence  }
0xcd: {  	s30 =	sld [smem:$0x0];
	_ =	sdelay $0x2  }
0xce: {  	s31 =	sshll.u32 s1, $0xD;
	s1 =	sshrl.u32 s1, $0x2  }
0xcf: {  	s4 =	sand.u32 $0x4000, s31;
	s1 =	sadd.s32 s1, s30  }
0xd0: {  	s0 =	sor.u32 s4, s0;
	s1 =	sshll.u32 s1, $0x11  }
0xd1: {  	s0 =	sor.u32 s1, s0  }
0xd2: {  	s0 =	sadd.s32 $0x8F2B, s0  }
0xd3: {  	[sflag:s0] =	ssyncadd.remote.s32 $0x1  }
0xd4: {  	_ =	sfence.sel $0xFFFF  }
0xd5: {  	[dreg:$0x0] =	wrdreg $0xFFFFFFFF;
	(pc) =	sbr.abs _section_cstart, $3  }
0xd6: {  	[dreg:$0x1] =	wrdreg $0xFFFFFFFF  }
0xd7: {  	_ =	task.clear_ibuf [dreg:s22], $0x2FFFF;
	_ =	strace $0x9FFFFFFF  }
0xd8: {  	(tm) =	ssettm $0x7FFFFFFF  }
0xd9: {  	_ =	shalt  }
tec
execute0_lowered:
.L_overlay_start_1:
0x0: {  	(tag) =	ssettag $0x1  }
0x1: {  	s0 =	rddreg [dreg:$0x0]  }
0x2: {  	s1 =	rddreg [dreg:$0x1]  }
0x3: {  	s2 =	rddreg [dreg:$0x2]  }
0x4: {  	s3 =	simm.s32 $0x0;
	s12 =	stileid.u32;
	s5 =	srdreg.scid  }
0x5: {  	[smem:$0x7FF] =	sst s3;
	s6 =	smul.u32 $0x271, s12;
	s4 =	sadd.s32 $0x1125E00, s0  }
0x6: {  	s5 =	sand.u32 $0x1, s5;
	s7 =	sand.u32 $0x7, s12;
	s9 =	smul.u32 $0x2710, s12  }
0x7: {  	s0 =	sadd.s32 $0x9A00, s0;
	_ =	strace $0x8000004D;
	s8 =	ssub.s32 $0x2, s5  }
0x8: {  	s5 =	sshll.u32 s5, $0xA;
	s6 =	ssub.s32 s6, s7;
	s26 =	sshrl.u32 s8, $0x1  }
0x9: {  	s28 =	sadd.s32 $0x26C0, s9;
	p0 =	slt.s32 s6, $0x2490;
	s8 =	ssub.s32 s8, s26  }
0xa: {  	s11 =	sshrl.u32 s28, $0x3;
	s7 =	sshll.u32 s28, $0x8;
	s6 =	simm.s32 @!p0 $0x2490  }
0xb: {  	s11 =	sadd.s32 s0, s11;
	s7 =	sor.u32 s5, s7;
	s30 =	smax.u32 s8, $0x1  }
0xc: {  	[dreg:$0x4] =	wrdreg s11;
	s29 =	sshll.u32 s6, $0x8;
	s6 =	sshll.u32 s6, $0x9  }
0xd: {  	s7 =	sshrl.u32 s7, $0x3;
	[dreg:$0x7] =	wrdreg s30;
	s11 =	sor.u32 s5, s29  }
0xe: {  	s6 =	sshra.s32 s6, $0x2;
	s7 =	sadd.s32 s4, s7;
	s11 =	sshrl.u32 s11, $0x3  }
0xf: {  	[dreg:$0x5] =	wrdreg s7;
	s7 =	sadd.s32 s6, s2;
	s1 =	sadd.s32 s1, s11  }
0x10: {  	s6 =	sadd.s32 $0x1400, s7;
	[dreg:$0x6] =	wrdreg s1  }
0x11: {  	s8 =	sadd.s32 $0x2800, s7;
	[dreg:$0x8] =	wrdreg s6  }
0x12: {  	s11 =	sadd.s32 $0x3C00, s7;
	[dreg:$0x9] =	wrdreg s8  }
0x13: {  	s20 =	smul.u32 $0x271000, s12;
	s13 =	sadd.s32 $0x5000, s7;
	[dreg:$0xa] =	wrdreg s11  }
0x14: {  	s22 =	smul.u32 $0x4E2, s12;
	s14 =	sadd.s32 $0x6400, s7;
	[dreg:$0xb] =	wrdreg s13  }
0x15: {  	s12 =	simm.s32 $0x17480;
	s15 =	sadd.s32 $0x7800, s7;
	[dreg:$0xc] =	wrdreg s14  }
0x16: {  	s10 =	sadd.s32 $0x50, s9;
	s16 =	sadd.s32 $0x8C00, s7;
	[dreg:$0xd] =	wrdreg s15  }
0x17: {  	s19 =	sshrl.u32 s9, $0x3;
	s17 =	sadd.s32 $0xA000, s7;
	[dreg:$0xe] =	wrdreg s16  }
0x18: {  	s9 =	simm.s32 $0x800;
	s18 =	sadd.s32 $0xB400, s7;
	[dreg:$0xf] =	wrdreg s17  }
0x19: {  	s21 =	sshrl.u32 s10, $0x3;
	s26 =	sadd.s32 $0xC800, s7;
	[dreg:$0x10] =	wrdreg s18  }
0x1a: {  	s23 =	sshll.u32 s10, $0x8;
	s28 =	sadd.s32 $0xDC00, s7;
	[dreg:$0x15] =	wrdreg s26  }
0x1b: {  	s10 =	simm.s32 $0x14C80;
	s29 =	sadd.s32 $0xF000, s7;
	[dreg:$0x16] =	wrdreg s28  }
0x1c: {  	s30 =	sadd.s32 $0x10400, s7;
	s31 =	sadd.s32 $0x11800, s7;
	[dreg:$0x17] =	wrdreg s29  }
0x1d: {  	s1 =	sadd.s32 s0, s19;
	s6 =	sor.u32 s5, s20;
	[dreg:$0x18] =	wrdreg s30  }
0x1e: {  	s11 =	simm.s32 $0x19D00;
	s13 =	simm.s32 $0x3;
	s14 =	simm.s32 $0x1  }
0x1f: {  	s15 =	simm.s32 $0x50;
	s16 =	simm.s32 $0x4;
	s17 =	simm.s32 $0x2  }
0x20: {  	s18 =	simm.s32 $0x5;
	s19 =	simm.s32 $0x6;
	s20 =	simm.s32 $0x0  }
0x21: {  	[dreg:$0x11] =	wrdreg s1;
	s1 =	sadd.s32 s0, s21;
	s24 =	sadd.s32 $0xF000, s6  }
0x22: {  	s0 =	sadd.s32 s22, s0;
	s25 =	sshrl.u32 s6, $0x3;
	[dreg:$0x12] =	wrdreg s1  }
0x23: {  	s1 =	sor.u32 s5, s23;
	s5 =	sshrl.u32 s24, $0x3;
	s8 =	sadd.s32 s4, s25  }
0x24: {  	s24 =	sadd.s32 $0x1E, s0;
	s25 =	sadd.s32 $0xA000, s6;
	s0 =	sadd.s32 $0x12C00, s7  }
0x25: {  	s6 =	simm.s32 $0x19C80;
	s1 =	sshrl.u32 s1, $0x3;
	[dreg:$0x13] =	wrdreg s8  }
0x26: {  	s23 =	sadd.s32 s5, s4;
	s5 =	simm.s32 $0x7;
	s1 =	sadd.s32 s4, s1  }
0x27: {  	v0 =	vimm.f32 $0.0e+00;
	s8 =	simm.s32 $0x400;
	[dreg:$0x14] =	wrdreg s1;
	s1 =	simm.s32 $0x13880  }
.LBB2_1:
0x28: {  	s21 =	simm.s32 $0x70;
	s22 =	simm.s32 $0x3C0  }
.LBB2_2:
0x29: {  	p0 =	sne.s32 s22, $0x4FC0;
	[tilespmem:s21+$0x13880] =	vst v0  }
0x2a: {  	[tilespmem:s21+$0x13810] =	vst v0  }
0x2b: {  	[tilespmem:s21+$0x13820] =	vst v0  }
.Ltmp0:
0x2c: {  	[tilespmem:s21+$0x13830] =	vst v0;
	(pc) =	sbr.rel @p0 .LBB2_2-.Ltmp0, $4  }
0x2d: {  	[tilespmem:s21+$0x13840] =	vst v0  }
0x2e: {  	[tilespmem:s21+$0x13850] =	vst v0  }
0x2f: {  	[tilespmem:s21+$0x13860] =	vst v0  }
0x30: {  	[tilespmem:s21+$0x13870] =	vst v0;
	s21 =	sshra.s32 s22, $0x2;
	s22 =	sadd.s32 $0x200, s22  }
0x31: {  	[tilespmem:s21+$0x13880] =	vst v0  }
0x32: {  	[tilespmem:s21+$0x13810] =	vst v0  }
0x33: {  	[tilespmem:s21+$0x13820] =	vst v0  }
0x34: {  	[tilespmem:s21+$0x13830] =	vst v0  }
0x35: {  	[tilespmem:s21+$0x13840] =	vst v0  }
0x36: {  	[tilespmem:s21+$0x13850] =	vst v0  }
0x37: {  	[tilespmem:s21+$0x13860] =	vst v0  }
0x38: {  	[tilespmem:s21+$0x13870] =	vst v0  }
0x39: {  	[spmem:s7] =	stream.linear.scatter [tilespmem:s1], [sflag:$0x7], $0x1400, $0x38;
	[tilespmem:$0x19D80] =	vst v63  }
0x3a: {  	_ =	swait.ge [sflag:s5], $0x1400  }
0x3b: {  	[sflag:s5] =	ssyncset.done $0x0  }
0x3c: {  	s30 =	rddreg [dreg:$0x8];
	[sflag:s5] =	ssyncadd.s32 $0xFFFFEC00  }
0x3d: {  	[spmem:s30] =	stream.linear.scatter [tilespmem:s1], [sflag:$0x7], $0x1400, $0x38;
	[tilespmem:$0x19D80] =	vst v63  }
0x3e: {  	_ =	swait.ge [sflag:s5], $0x1400  }
0x3f: {  	[sflag:s5] =	ssyncset.done $0x0  }
0x40: {  	s22 =	rddreg [dreg:$0x9];
	[sflag:s5] =	ssyncadd.s32 $0xFFFFEC00  }
0x41: {  	[spmem:s22] =	stream.linear.scatter [tilespmem:s1], [sflag:$0x7], $0x1400, $0x38;
	[tilespmem:$0x19D80] =	vst v63  }
0x42: {  	_ =	swait.ge [sflag:s5], $0x1400  }
0x43: {  	[sflag:s5] =	ssyncset.done $0x0  }
0x44: {  	s26 =	rddreg [dreg:$0xa];
	[sflag:s5] =	ssyncadd.s32 $0xFFFFEC00  }
0x45: {  	[spmem:s26] =	stream.linear.scatter [tilespmem:s1], [sflag:$0x7], $0x1400, $0x38;
	[tilespmem:$0x19D80] =	vst v63  }
0x46: {  	_ =	swait.ge [sflag:s5], $0x1400  }
0x47: {  	[sflag:s5] =	ssyncset.done $0x0  }
0x48: {  	s28 =	rddreg [dreg:$0xb];
	[sflag:s5] =	ssyncadd.s32 $0xFFFFEC00  }
0x49: {  	[spmem:s28] =	stream.linear.scatter [tilespmem:s1], [sflag:$0x7], $0x1400, $0x38;
	[tilespmem:$0x19D80] =	vst v63  }
0x4a: {  	_ =	swait.ge [sflag:s5], $0x1400  }
0x4b: {  	[sflag:s5] =	ssyncset.done $0x0  }
0x4c: {  	s29 =	rddreg [dreg:$0xc];
	[sflag:s5] =	ssyncadd.s32 $0xFFFFEC00  }
0x4d: {  	[spmem:s29] =	stream.linear.scatter [tilespmem:s1], [sflag:$0x7], $0x1400, $0x38;
	[tilespmem:$0x19D80] =	vst v63  }
0x4e: {  	_ =	swait.ge [sflag:s5], $0x1400  }
0x4f: {  	[sflag:s5] =	ssyncset.done $0x0  }
0x50: {  	s30 =	rddreg [dreg:$0xd];
	[sflag:s5] =	ssyncadd.s32 $0xFFFFEC00  }
0x51: {  	[spmem:s30] =	stream.linear.scatter [tilespmem:s1], [sflag:$0x7], $0x1400, $0x38;
	[tilespmem:$0x19D80] =	vst v63  }
0x52: {  	_ =	swait.ge [sflag:s5], $0x1400  }
0x53: {  	[sflag:s5] =	ssyncset.done $0x0  }
0x54: {  	s22 =	rddreg [dreg:$0xe];
	[sflag:s5] =	ssyncadd.s32 $0xFFFFEC00  }
0x55: {  	[spmem:s22] =	stream.linear.scatter [tilespmem:s1], [sflag:$0x7], $0x1400, $0x38;
	[tilespmem:$0x19D80] =	vst v63  }
0x56: {  	_ =	swait.ge [sflag:s5], $0x1400  }
0x57: {  	[sflag:s5] =	ssyncset.done $0x0  }
0x58: {  	s26 =	rddreg [dreg:$0xf];
	[sflag:s5] =	ssyncadd.s32 $0xFFFFEC00  }
0x59: {  	[spmem:s26] =	stream.linear.scatter [tilespmem:s1], [sflag:$0x7], $0x1400, $0x38;
	[tilespmem:$0x19D80] =	vst v63  }
0x5a: {  	_ =	swait.ge [sflag:s5], $0x1400  }
0x5b: {  	[sflag:s5] =	ssyncset.done $0x0  }
0x5c: {  	s28 =	rddreg [dreg:$0x10];
	[sflag:s5] =	ssyncadd.s32 $0xFFFFEC00  }
0x5d: {  	[spmem:s28] =	stream.linear.scatter [tilespmem:s1], [sflag:$0x7], $0x1400, $0x38;
	[tilespmem:$0x19D80] =	vst v63  }
0x5e: {  	_ =	swait.ge [sflag:s5], $0x1400  }
0x5f: {  	[sflag:s5] =	ssyncset.done $0x0  }
0x60: {  	s29 =	rddreg [dreg:$0x15];
	[sflag:s5] =	ssyncadd.s32 $0xFFFFEC00  }
0x61: {  	[spmem:s29] =	stream.linear.scatter [tilespmem:s1], [sflag:$0x7], $0x1400, $0x38;
	[tilespmem:$0x19D80] =	vst v63  }
0x62: {  	_ =	swait.ge [sflag:s5], $0x1400  }
0x63: {  	[sflag:s5] =	ssyncset.done $0x0  }
0x64: {  	s30 =	rddreg [dreg:$0x16];
	[sflag:s5] =	ssyncadd.s32 $0xFFFFEC00  }
0x65: {  	[spmem:s30] =	stream.linear.scatter [tilespmem:s1], [sflag:$0x7], $0x1400, $0x38;
	[tilespmem:$0x19D80] =	vst v63  }
0x66: {  	_ =	swait.ge [sflag:s5], $0x1400  }
0x67: {  	[sflag:s5] =	ssyncset.done $0x0  }
0x68: {  	s22 =	rddreg [dreg:$0x17];
	[sflag:s5] =	ssyncadd.s32 $0xFFFFEC00  }
0x69: {  	[spmem:s22] =	stream.linear.scatter [tilespmem:s1], [sflag:$0x7], $0x1400, $0x38;
	[tilespmem:$0x19D80] =	vst v63  }
0x6a: {  	_ =	swait.ge [sflag:s5], $0x1400  }
0x6b: {  	[sflag:s5] =	ssyncset.done $0x0  }
0x6c: {  	s26 =	rddreg [dreg:$0x18];
	[sflag:s5] =	ssyncadd.s32 $0xFFFFEC00  }
0x6d: {  	[spmem:s26] =	stream.linear.scatter [tilespmem:s1], [sflag:$0x7], $0x1400, $0x38;
	[tilespmem:$0x19D80] =	vst v63  }
0x6e: {  	_ =	swait.ge [sflag:s5], $0x1400  }
0x6f: {  	[sflag:s5] =	ssyncset.done $0x0  }
0x70: {  	[sflag:s5] =	ssyncadd.s32 $0xFFFFEC00  }
0x71: {  	[spmem:s31] =	stream.linear.scatter [tilespmem:s1], [sflag:$0x7], $0x1400, $0x38;
	[tilespmem:$0x19D80] =	vst v63  }
0x72: {  	_ =	swait.ge [sflag:s5], $0x1400  }
0x73: {  	[sflag:s5] =	ssyncset.done $0x0  }
0x74: {  	[sflag:s5] =	ssyncadd.s32 $0xFFFFEC00  }
0x75: {  	[spmem:s0] =	stream.linear.scatter [tilespmem:s1], [sflag:$0x7], $0x1400, $0x38;
	[tilespmem:$0x19D80] =	vst v63  }
0x76: {  	_ =	swait.ge [sflag:s5], $0x1400  }
0x77: {  	[sflag:s5] =	ssyncset.done $0x0  }
0x78: {  	[sflag:s5] =	ssyncadd.s32 $0xFFFFEC00  }
0x79: {  	[bflag:$0x0] =	sbarrier.arrive $0xFFFF  }
0x7a: {  	s28 =	simm.s32 $0x0;
	s22 =	rddreg [dreg:$0x11]  }
0x7b: {  	[tilespmem:s6], [sflag:$0x3] =	stream.linear.gather [hbm4b:s22+s28], $0x50, $0x38;
	[tilespmem:$0x19D80] =	vst v63  }
0x7c: {  	s29 =	rddreg [dreg:$0x13]  }
0x7d: {  	[tilespmem:s10], [sflag:$0x1] =	stream.strided.gather [hbm4b:s29+s8], $0x2800, s9, s8, $0x38;
	[tilespmem:$0x19D80] =	vst v63  }
0x7e: {  	s30 =	rddreg [dreg:$0x12]  }
0x7f: {  	[tilespmem:s11], [sflag:$0x4] =	stream.linear.gather [hbm4b:s30+s28], $0x50, $0x38;
	[tilespmem:$0x19D80] =	vst v63  }
0x80: {  	s22 =	rddreg [dreg:$0x14]  }
0x81: {  	[tilespmem:s12], [sflag:$0x2] =	stream.strided.gather [hbm4b:s22+s8], $0x2800, s9, s8, $0x38;
	[tilespmem:$0x19D80] =	vst v63  }
0x82: {  	_ =	swait.ge [sflag:s13], $0x50  }
0x83: {  	[sflag:s13] =	ssyncset.done $0x0  }
0x84: {  	[sflag:s13] =	ssyncadd.s32 $0xFFFFFFB0  }
0x85: {  	_ =	swait.ge [sflag:s14], $0x2800  }
0x86: {  	[sflag:s14] =	ssyncset.done $0x0  }
0x87: {  	[sflag:s14] =	ssyncadd.s32 $0xFFFFD800  }
0x88: {  	[spmem:s2] =	stream.indirect.scatter.add.f32 [tilespmem:s10], [sflag:$0x5], $0x80, s6, s15, $0xb8;
	[tilespmem:$0x19D80] =	vst v63  }
0x89: {  	_ =	swait.ge [sflag:s16], $0x50  }
0x8a: {  	[sflag:s16] =	ssyncset.done $0x0  }
0x8b: {  	[sflag:s16] =	ssyncadd.s32 $0xFFFFFFB0  }
0x8c: {  	_ =	swait.ge [sflag:s17], $0x2800  }
0x8d: {  	[sflag:s17] =	ssyncset.done $0x0  }
0x8e: {  	[sflag:s17] =	ssyncadd.s32 $0xFFFFD800  }
0x8f: {  	[spmem:s2] =	stream.indirect.scatter.add.f32 [tilespmem:s12], [sflag:$0x6], $0x80, s11, s15, $0xb8;
	[tilespmem:$0x19D80] =	vst v63  }
0x90: {  	_ =	swait.ge [sflag:s18], $0x2800  }
0x91: {  	[sflag:s18] =	ssyncset.done $0x0  }
0x92: {  	s26 =	sadd.s32 $0xFFFFFFF6, s24;
	s28 =	sshrl.u32 s25, $0x3;
	[sflag:s18] =	ssyncadd.s32 $0xFFFFD800  }
0x93: {  	[tilespmem:s6], [sflag:$0x3] =	stream.linear.gather [hbm4b:s26+s3], $0x50, $0x38;
	[tilespmem:$0x19D80] =	vst v63  }
0x94: {  	s29 =	sadd.s32 s4, s28  }
0x95: {  	[tilespmem:s10], [sflag:$0x1] =	stream.strided.gather [hbm4b:s29+s8], $0x2800, s9, s8, $0x38;
	[tilespmem:$0x19D80] =	vst v63  }
0x96: {  	_ =	swait.ge [sflag:s19], $0x2800  }
0x97: {  	[sflag:s19] =	ssyncset.done $0x0  }
0x98: {  	[sflag:s19] =	ssyncadd.s32 $0xFFFFD800  }
0x99: {  	[tilespmem:s11], [sflag:$0x4] =	stream.linear.gather [hbm4b:s24+s3], $0x50, $0x38;
	[tilespmem:$0x19D80] =	vst v63  }
0x9a: {  	s30 =	sadd.s32 $0x0, s23  }
0x9b: {  	[tilespmem:s12], [sflag:$0x2] =	stream.strided.gather [hbm4b:s30+s8], $0x2800, s9, s8, $0x38;
	[tilespmem:$0x19D80] =	vst v63  }
0x9c: {  	_ =	swait.ge [sflag:s13], $0x50  }
0x9d: {  	[sflag:s13] =	ssyncset.done $0x0  }
0x9e: {  	[sflag:s13] =	ssyncadd.s32 $0xFFFFFFB0  }
0x9f: {  	_ =	swait.ge [sflag:s14], $0x2800  }
0xa0: {  	[sflag:s14] =	ssyncset.done $0x0  }
0xa1: {  	[sflag:s14] =	ssyncadd.s32 $0xFFFFD800  }
0xa2: {  	[spmem:s2] =	stream.indirect.scatter.add.f32 [tilespmem:s10], [sflag:$0x5], $0x80, s6, s15, $0xb8;
	[tilespmem:$0x19D80] =	vst v63  }
0xa3: {  	_ =	swait.ge [sflag:s16], $0x50  }
0xa4: {  	[sflag:s16] =	ssyncset.done $0x0  }
0xa5: {  	[sflag:s16] =	ssyncadd.s32 $0xFFFFFFB0  }
0xa6: {  	_ =	swait.ge [sflag:s17], $0x2800  }
0xa7: {  	s21 =	simm.s32 $0x1400;
	[sflag:s17] =	ssyncset.done $0x0  }
0xa8: {  	s22 =	sadd.s32 $0x14, s24;
	s26 =	sadd.s32 $0xA000, s25;
	[sflag:s17] =	ssyncadd.s32 $0xFFFFD800  }
.LBB2_4:
0xa9: {  	[spmem:s2] =	stream.indirect.scatter.add.f32 [tilespmem:s12], [sflag:$0x6], $0x80, s11, s15, $0xb8;
	[tilespmem:$0x19D80] =	vst v63  }
0xaa: {  	s28 =	smov.u32 s21  }
0xab: {  	p0 =	sne.s32 s21, $0x4B000;
	s21 =	sadd.s32 $0x1400, s21;
	_ =	swait.ge [sflag:s18], $0x2800  }
0xac: {  	[sflag:s18] =	ssyncset.done $0x0  }
0xad: {  	s29 =	sadd.s32 $0xFFFFFFF6, s22;
	s30 =	sshrl.u32 s26, $0x3;
	[sflag:s18] =	ssyncadd.s32 $0xFFFFD800  }
0xae: {  	[tilespmem:s6], [sflag:$0x3] =	stream.linear.gather [hbm4b:s29+s3], $0x50, $0x38;
	[tilespmem:$0x19D80] =	vst v63  }
0xaf: {  	s29 =	sadd.s32 s4, s30  }
0xb0: {  	[tilespmem:s10], [sflag:$0x1] =	stream.strided.gather [hbm4b:s29+s8], $0x2800, s9, s8, $0x38;
	[tilespmem:$0x19D80] =	vst v63  }
0xb1: {  	_ =	swait.ge [sflag:s19], $0x2800  }
0xb2: {  	[sflag:s19] =	ssyncset.done $0x0  }
0xb3: {  	[sflag:s19] =	ssyncadd.s32 $0xFFFFD800  }
0xb4: {  	[tilespmem:s11], [sflag:$0x4] =	stream.linear.gather [hbm4b:s22+s3], $0x50, $0x38;
	[tilespmem:$0x19D80] =	vst v63  }
0xb5: {  	s28 =	sadd.s32 s28, s23  }
0xb6: {  	[tilespmem:s12], [sflag:$0x2] =	stream.strided.gather [hbm4b:s28+s8], $0x2800, s9, s8, $0x38;
	[tilespmem:$0x19D80] =	vst v63  }
0xb7: {  	_ =	swait.ge [sflag:s13], $0x50  }
0xb8: {  	[sflag:s13] =	ssyncset.done $0x0  }
0xb9: {  	[sflag:s13] =	ssyncadd.s32 $0xFFFFFFB0  }
0xba: {  	_ =	swait.ge [sflag:s14], $0x2800  }
0xbb: {  	[sflag:s14] =	ssyncset.done $0x0  }
0xbc: {  	[sflag:s14] =	ssyncadd.s32 $0xFFFFD800  }
0xbd: {  	[spmem:s2] =	stream.indirect.scatter.add.f32 [tilespmem:s10], [sflag:$0x5], $0x80, s6, s15, $0xb8;
	[tilespmem:$0x19D80] =	vst v63  }
0xbe: {  	_ =	swait.ge [sflag:s16], $0x50  }
.Ltmp1:
0xbf: {  	[sflag:s16] =	ssyncset.done $0x0;
	(pc) =	sbr.rel @p0 .LBB2_4-.Ltmp1, $4  }
0xc0: {  	[sflag:s16] =	ssyncadd.s32 $0xFFFFFFB0  }
0xc1: {  	_ =	swait.ge [sflag:s17], $0x2800  }
0xc2: {  	[sflag:s17] =	ssyncset.done $0x0  }
0xc3: {  	s26 =	sadd.s32 $0xA000, s26;
	s22 =	sadd.s32 $0x14, s22;
	[sflag:s17] =	ssyncadd.s32 $0xFFFFD800  }
0xc4: {  	[spmem:s2] =	stream.indirect.scatter.add.f32 [tilespmem:s12], [sflag:$0x6], $0x80, s11, s15, $0xb8;
	[tilespmem:$0x19D80] =	vst v63  }
0xc5: {  	_ =	swait.ge [sflag:s18], $0x2800  }
0xc6: {  	[sflag:s18] =	ssyncset.done $0x0  }
0xc7: {  	s21 =	rddreg [dreg:$0x4];
	[sflag:s18] =	ssyncadd.s32 $0xFFFFD800  }
0xc8: {  	[tilespmem:s6], [sflag:$0x7] =	stream.linear.gather [hbm4b:s21+s3], $0x50, $0x38;
	[tilespmem:$0x19D80] =	vst v63  }
0xc9: {  	_ =	swait.ge [sflag:s5], $0x50  }
0xca: {  	[sflag:s5] =	ssyncset.done $0x0  }
0xcb: {  	s28 =	rddreg [dreg:$0x5];
	[sflag:s5] =	ssyncadd.s32 $0xFFFFFFB0  }
0xcc: {  	[tilespmem:s10], [sflag:$0x7] =	stream.strided.gather [hbm4b:s28+s8], $0x2800, s9, s8, $0x38;
	[tilespmem:$0x19D80] =	vst v63  }
0xcd: {  	_ =	swait.ge [sflag:s5], $0x2800  }
0xce: {  	[sflag:s5] =	ssyncset.done $0x0  }
0xcf: {  	[sflag:s5] =	ssyncadd.s32 $0xFFFFD800  }
0xd0: {  	[spmem:s2] =	stream.indirect.scatter.add.f32 [tilespmem:s10], [sflag:$0x5], $0x80, s6, s15, $0xb8;
	[tilespmem:$0x19D80] =	vst v63  }
0xd1: {  	_ =	swait.ge [sflag:s18], $0x2800  }
0xd2: {  	[sflag:s18] =	ssyncset.done $0x0  }
0xd3: {  	[sflag:s18] =	ssyncadd.s32 $0xFFFFD800  }
0xd4: {  	_ =	swait.ge [sflag:s19], $0x2800  }
0xd5: {  	s29 =	stileid.u32;
	[sflag:s19] =	ssyncset.done $0x0  }
0xd6: {  	s22 =	sshrl.u32 s7, $0x3;
	s30 =	simm.s32 $0x80;
	[sflag:s19] =	ssyncadd.s32 $0xFFFFD800  }
0xd7: {  	s21 =	sshll.u32 s29, $0x6;
	s29 =	simm.s32 $0x100;
	[bflag:$0x0] =	sbarrier.arrive $0xFFFF  }
0xd8: {  	s21 =	sor.u32 $0x1C07, s21;
	s28 =	simm.s32 $0x8;
	s26 =	rddreg [dreg:$0x6]  }
0xd9: {  	[hbm:s26@s29], [sflag:s21] =	dma.strided [spmem:s22@s30], $0x2800, s28, $0x10   }
0xda: {  	_ =	swait.ge [sflag:s5], $0x2800  }
0xdb: {  	s20 =	sadd.s32 $0x1, s20;
	s30 =	rddreg [dreg:$0x7]  }
0xdc: {  	p0 =	sne.s32 s20, s30  }
.Ltmp2:
0xdd: {  	_ = 	snop;
	(pc) =	sbr.rel @p0 .LBB2_1-.Ltmp2, $3  }
0xde: {  	_ =	sdelay $0x1  }
0xdf: {  	[sflag:s5] =	ssyncset.done $0x0  }
0xe0: {  	[sflag:s5] =	ssyncadd.s32 $0xFFFFD800  }
0xe1: {  	_ =	sfence.sel $0x180000  }
0xe2: {  	[bflag:$0x0] =	sbarrier.arrive $0xFFFF  }
0xe3: {  	_ =	strace $0x9000004D  }
0xe4: {  	s0 =	stileid.u32;
	[bflag:$0x2] =	sbarrier.arrive $0xFFFF  }
0xe5: {  	p0 =	sne.s32 s0, $0x0;
	s0 =	rddreg [dreg:$0x3]  }
0xe6: {  	s0 =	sadd.s32 @!p0 $0x100000, s0  }
0xe7: {  	[sflag:s0] =	ssyncadd.tile.s32 @!p0 $0x1;
	_ =	shalt  }
.Lfunc_end2:
_tile_overlayer_lowered:
.L_overlay_start_2:
0xe8: {  	(tag) =	ssettag $0x2  }
0xe9: {  	s0 =	rddreg [dreg:$0x0];
	s2 =	stileid.u32  }
0xea: {  	s1 =	rddreg [dreg:$0x1];
	p0 =	sne.s32 s2, $0x0  }
0xeb: {  	s3 =	rddreg [dreg:$0x2];
	[bflag:$0x3] =	sbarrier.arrive $0xFFFF;
	s2 =	simm.s32 @!p0 $0x1C07  }
0xec: {  	[timem:s3], [sflag:s2] =	dma.local @!p0 [hbm:s0], s1  }
0xed: {  	s0 =	simm.s32 @!p0 $0x7  }
0xee: {  	_ =	swait.ge @!p0 [sflag:s0], s1  }
0xef: {  	s1 =	ssub.s32 @!p0 $0x0, s1;
	[sflag:s0] =	ssyncset.done @!p0 $0x0  }
0xf0: {  	[sflag:s0] =	ssyncadd.s32 @!p0 s1  }
0xf1: {  	[bflag:$0x3] =	sbarrier.arrive $0xFFFF  }
0xf2: {  	_ =	shalt  }

// kernel: kernel.18.cloned.1.call-start
scs
__scs_entry_jumppad:
0x0: {  	(pc) =	sbr.rel $0x88, $3  }
0x1: {  	(tag) =	ssettag $0x0;
	lr =	simm.s32 $0x1  }
0x2: {  	[smem:$0x3F8E] =	sst lr;
	_ =	strace $0xD0000000  }
0x3: {  	_ = 	snop  }
0x4: {  	_ = 	snop  }
0x5: {  	_ = 	snop  }
0x6: {  	_ = 	snop  }
0x7: {  	_ = 	snop  }
__scs_overlays_trampoline_lowered:
0x8: {  	[smem:$0x3F9D] =	sst s0  }
0x9: {  	[smem:$0x3F9E] =	sst s1  }
0xa: {  	[smem:$0x3F9F] =	sst s2  }
0xb: {  	[smem:$0x3FA0] =	sst s3  }
0xc: {  	[smem:$0x3FA1] =	sst s4  }
0xd: {  	[smem:$0x3FA2] =	sst s5  }
0xe: {  	[smem:$0x3FA3] =	sst s6  }
0xf: {  	[smem:$0x3FA4] =	sst s7  }
0x10: {  	[smem:$0x3FA5] =	sst s8  }
0x11: {  	[smem:$0x3FA6] =	sst s9;
	s0 =	simm.s32 @!p0 $0x0  }
0x12: {  	s1 =	sld [smem:$0x3F8C];
	s0 =	simm.s32 @p0 $0x1  }
0x13: {  	[smem:$0x3FA7] =	sst s0;
	s0 =	simm.s32 @!p1 $0x0  }
0x14: {  	s2 =	sld [smem:$0x3F8B];
	s0 =	simm.s32 @p1 $0x1  }
0x15: {  	[smem:$0x3FA8] =	sst s0;
	s0 =	simm.s32 @!p2 $0x0  }
0x16: {  	s3 =	sld [smem:$0x3FDB];
	s0 =	simm.s32 @p2 $0x1  }
0x17: {  	s4 =	simm.s32 $0x1BF5;
	[smem:$0x3FAA] =	sst s0  }
0x18: {  	s0 =	sld [smem:$0x3F8D];
	_ =	swait.ge [sflag:s4], $0x0  }
0x19: {  	s7 =	sld [smem:$0x3F8E]  }
0x1a: {  	s8 =	sadd.s32 $0xFFFFE003, lr  }
0x1b: {  	s9 =	sadd.s32 $0xFFFFFEF7, lr;
	s5 =	simm.s32 $0xFFFFFFFF;
	p2 =	slt.u32 s8, $0xFFFFF086  }
0x1c: {  	p1 =	slt.u32 s9, $0xF7A;
	s5 =	simm.s32 @!p2 $0x0  }
0x1d: {  	s5 =	simm.s32 @p1 $0x1;
	p0 =	seq.s32 s7, s2  }
0x1e: {  	s7 =	smul.u32 @!p0 $0xF7A, s2;
	p2 =	seq.s32 @!p0 s5, $0x0  }
0x1f: {  	s9 =	smul.u32 $0xF7A, s1;
	s8 =	simm.s32 @!p0 $0x1BF5;
	p2 =	por !p2, p0  }
0x20: {  	[sflag:s8] =	ssyncset.s32 @!p0 $0xFFFFF086;
	s6 =	sadd.s32 @!p0 s3, s7;
	s7 =	simm.s32 @!p0 $0x108  }
0x21: {  	s3 =	sadd.s32 s3, s9;
	s6 =	sadd.s32 @!p0 $0x88, s6;
	s7 =	simm.s32 @p2 $0x1082  }
0x22: {  	[simem:s7], [sflag:s8] =	dma.local @!p0 [hbm:s6], $0xF7A  }
0x23: {  	s9 =	sor.u32 $0xD0000000, s2;
	s6 =	simm.s32 $0x108;
	_ =	swait.ge @!p0 [sflag:s8], $0x0  }
0x24: {  	s3 =	sadd.s32 $0x88, s3;
	s6 =	simm.s32 @!p1 $0x1082;
	[sflag:s4] =	ssyncset.s32 $0xFFFFF086  }
0x25: {  	[simem:s6], [sflag:s4] =	dma.local [hbm:s3], $0xF7A  }
0x26: {  	[smem:$0x3F8E] =	sst s1;
	(tag) =	ssettag s2;
	_ =	strace s9  }
0x27: {  	s1 =	sld [smem:$0x3F9E]  }
0x28: {  	s2 =	sld [smem:$0x3F9F]  }
0x29: {  	s4 =	sld [smem:$0x3FA1]  }
0x2a: {  	p0 =	seq.s32 s5, $0x0;
	s5 =	sld [smem:$0x3FA2]  }
0x2b: {  	s6 =	sld [smem:$0x3FA3]  }
0x2c: {  	s7 =	sld [smem:$0x3FA4]  }
0x2d: {  	s3 =	simm.s32 $0x108;
	s8 =	sld [smem:$0x3FA5]  }
0x2e: {  	s3 =	simm.s32 @!p0 $0x1082;
	s9 =	sld [smem:$0x3FA6]  }
0x2f: {  	lr =	sadd.s32 s0, s3;
	s0 =	sld [smem:$0x3F9D]  }
0x30: {  	s3 =	sld [smem:$0x3FA0]  }
0x31: {  	[smem:$0x3FA9] =	sst s10  }
0x32: {  	s10 =	sld [smem:$0x3FA7];
	_ =	sdelay $0x3  }
0x33: {  	p0 =	seq.s32 s10, $0x1;
	s10 =	sld [smem:$0x3FA9];
	_ =	sdelay $0x3  }
0x34: {  	[smem:$0x3FA9] =	sst s10  }
0x35: {  	s10 =	sld [smem:$0x3FA8];
	_ =	sdelay $0x3  }
0x36: {  	p1 =	seq.s32 s10, $0x1;
	s10 =	sld [smem:$0x3FA9];
	_ =	sdelay $0x3  }
0x37: {  	[smem:$0x3FA9] =	sst s10  }
0x38: {  	s10 =	sld [smem:$0x3FAA]  }
0x39: {  	_ = 	snop;
	(pc) =	sbr.ind lr, $3  }
0x3a: {  	_ = 	snop  }
0x3b: {  	_ = 	snop  }
0x3c: {  	p2 =	seq.s32 s10, $0x1;
	s10 =	sld [smem:$0x3FA9]  }
0x3d: {  	_ =	shalt  }
0x3e: {  	_ =	shalt  }
0x3f: {  	_ =	shalt  }
0x40: {  	_ =	shalt  }
0x41: {  	_ =	shalt  }
0x42: {  	_ =	shalt  }
0x43: {  	_ =	shalt  }
0x44: {  	_ =	shalt  }
0x45: {  	_ =	shalt  }
0x46: {  	_ =	shalt  }
0x47: {  	_ =	shalt  }
0x48: {  	_ =	shalt  }
0x49: {  	_ =	shalt  }
0x4a: {  	_ =	shalt  }
0x4b: {  	_ =	shalt  }
0x4c: {  	_ =	shalt  }
0x4d: {  	_ =	shalt  }
0x4e: {  	_ =	shalt  }
0x4f: {  	_ =	shalt  }
0x50: {  	_ =	shalt  }
0x51: {  	_ =	shalt  }
0x52: {  	_ =	shalt  }
0x53: {  	_ =	shalt  }
0x54: {  	_ =	shalt  }
0x55: {  	_ =	shalt  }
0x56: {  	_ =	shalt  }
0x57: {  	_ =	shalt  }
0x58: {  	_ =	shalt  }
0x59: {  	_ =	shalt  }
0x5a: {  	_ =	shalt  }
0x5b: {  	_ =	shalt  }
0x5c: {  	_ =	shalt  }
0x5d: {  	_ =	shalt  }
0x5e: {  	_ =	shalt  }
0x5f: {  	_ =	shalt  }
0x60: {  	_ =	shalt  }
0x61: {  	_ =	shalt  }
0x62: {  	_ =	shalt  }
0x63: {  	_ =	shalt  }
0x64: {  	_ =	shalt  }
0x65: {  	_ =	shalt  }
0x66: {  	_ =	shalt  }
0x67: {  	_ =	shalt  }
0x68: {  	_ =	shalt  }
0x69: {  	_ =	shalt  }
0x6a: {  	_ =	shalt  }
0x6b: {  	_ =	shalt  }
0x6c: {  	_ =	shalt  }
0x6d: {  	_ =	shalt  }
0x6e: {  	_ =	shalt  }
0x6f: {  	_ =	shalt  }
0x70: {  	_ =	shalt  }
0x71: {  	_ =	shalt  }
0x72: {  	_ =	shalt  }
0x73: {  	_ =	shalt  }
0x74: {  	_ =	shalt  }
0x75: {  	_ =	shalt  }
0x76: {  	_ =	shalt  }
0x77: {  	_ =	shalt  }
0x78: {  	_ =	shalt  }
0x79: {  	_ =	shalt  }
0x7a: {  	_ =	shalt  }
0x7b: {  	_ =	shalt  }
0x7c: {  	_ =	shalt  }
0x7d: {  	_ =	shalt  }
0x7e: {  	_ =	shalt  }
0x7f: {  	_ =	shalt  }
0x80: {  	_ =	shalt  }
0x81: {  	_ =	shalt  }
0x82: {  	_ =	shalt  }
0x83: {  	_ =	shalt  }
0x84: {  	_ =	shalt  }
0x85: {  	_ =	shalt  }
0x86: {  	_ =	shalt  }
0x87: {  	_ =	shalt  }
.Lfunc_end0:
.L_simem_size_0:
called_computation.2_lowered:
.L_overlay_start_0:
0x88: {  	s2 =	sld [smem:$0x3FD9]  }
0x89: {  	s3 =	sld [smem:$0x3FFE];
	_ =	sdelay $0x1  }
0x8a: {  	s1 =	srdreg.scid  }
0x8b: {  	s0 =	sand.u32 $0x1, s1  }
0x8c: {  	s16 =	sshll.u32 s0, $0xA;
	s2 =	sadd.s32 s3, s2  }
0x8d: {  	s2 =	sadd.s32 s2, s16  }
0x8e: {  	[smem:$0x3FB5] =	sst s2  }
0x8f: {  	_ = 	snop  }
0x90: {  	(tm) =	ssettm $0x1  }
0x91: {  	s17 =	sld [smem:$0x3FFB];
	_ =	sdelay $0x3  }
0x92: {  	_ =	strace s17  }
0x93: {  	s2 =	sld [smem:$0x3FFC];
	_ =	sdelay $0x3  }
0x94: {  	_ =	strace s2  }
0x95: {  	s2 =	sld [smem:$0x3FFD];
	_ =	sdelay $0x3  }
0x96: {  	_ =	strace s2  }
0x97: {  	_ =	strace $0x8FFFFFFF  }
0x98: {  	s18 =	sld [smem:$0x3FDB];
	_ =	sdelay $0x1  }
0x99: {  	s19 =	simm.s32 $_scs_section_size  }
0x9a: {  	s4 =	simm.s32 $_size__tile_overlayer_lowered;
	s5 =	simm.s32 $_tile_overlayer_lowered  }
0x9b: {  	s22 =	simm.s32 $0x1BFF;
	s21 =	sshll.u32 s5, $0x1;
	s2 =	sadd.s32 s19, s18  }
0x9c: {  	s6 =	simm.s32 $0x0;
	s20 =	sshll.u32 s4, $0x1;
	s4 =	sadd.s32 s21, s2  }
0x9d: {  	[timem:s6], [sflag:s22] =	dma.local [hbm:s4], s20  }
0x9e: {  	_ =	swait.ge [sflag:s22], s20  }
0x9f: {  	s3 =	ssub.s32 $0x0, s20;
	[sflag:s22] =	ssyncset.done $0x0  }
0xa0: {  	[sflag:s22] =	ssyncadd.s32 s3;
	_ =	sdelay $0x1  }
0xa1: {  	s23 =	simm.s32 $0x1B8B  }
0xa2: {  	_ =	swait.ge [sflag:s23], $0x1  }
0xa3: {  	[sflag:s23] =	ssyncset.done $0x0  }
0xa4: {  	s25 =	simm.s32 $0x1B8E;
	s24 =	sld [smem:$0x3FFE];
	[sflag:s23] =	ssyncadd.s32 $0xFFFFFFFF  }
0xa5: {  	s26 =	simm.s32 $execute0_lowered;
	[smem:$0x3FD2] =	sst s25  }
0xa6: {  	s4 =	sshll.u32 s26, $0x1;
	_ =	strace $0x80000049;
	[dreg:$0x1] =	wrdreg $0xFFFFFFFF  }
0xa7: {  	s28 =	simm.s32 $_size_execute0_lowered;
	s2 =	sadd.s32 s2, s4;
	[dreg:$0x0] =	wrdreg $0x0  }
0xa8: {  	s4 =	sshll.u32 s28, $0x1;
	[dreg:$0x2] =	wrdreg s2  }
0xa9: {  	[dreg:$0x3] =	wrdreg s4  }
0xaa: {  	[dreg:$0x4] =	wrdreg $0xC0  }
0xab: {  	_ =	task [dreg:s6], $0x5FFFF  }
0xac: {  	[dreg:$0x1] =	wrdreg $0xFFFFFFFF  }
0xad: {  	[dreg:$0x0] =	wrdreg $0x60  }
0xae: {  	[dreg:$0x2] =	wrdreg s24  }
0xaf: {  	[dreg:$0x3] =	wrdreg $0x0  }
0xb0: {  	[dreg:$0x4] =	wrdreg $0xA  }
0xb1: {  	_ =	task.clear_ibuf [dreg:s6], $0x5FFFF;
	_ =	strace $0x90000049  }
0xb2: {  	s29 =	simm.s32 $0xA;
	_ =	strace $0x8000004B  }
0xb3: {  	_ =	swait.ge [sflag:s29], $0x1  }
0xb4: {  	[sflag:s29] =	ssyncadd.s32 $0xFFFFFFFF  }
0xb5: {  	_ =	strace $0x9000004B  }
0xb6: {  	_ =	sfence  }
0xb7: {  	s30 =	sld [smem:$0x0];
	_ =	sdelay $0x2  }
0xb8: {  	s31 =	sshll.u32 s1, $0xD;
	s1 =	sshrl.u32 s1, $0x2  }
0xb9: {  	s3 =	sand.u32 $0x4000, s31;
	s1 =	sadd.s32 s1, s30  }
0xba: {  	s0 =	sor.u32 s3, s0;
	s1 =	sshll.u32 s1, $0x11  }
0xbb: {  	s0 =	sor.u32 s1, s0  }
0xbc: {  	s0 =	sadd.s32 $0x8F2B, s0  }
0xbd: {  	[sflag:s0] =	ssyncadd.remote.s32 $0x1  }
0xbe: {  	_ =	sfence.sel $0xFFFF  }
0xbf: {  	[dreg:$0x0] =	wrdreg $0xFFFFFFFF;
	(pc) =	sbr.abs _section_cstart, $3  }
0xc0: {  	[dreg:$0x1] =	wrdreg $0xFFFFFFFF  }
0xc1: {  	_ =	task.clear_ibuf [dreg:s6], $0x2FFFF;
	_ =	strace $0x9FFFFFFF  }
0xc2: {  	(tm) =	ssettm $0x7FFFFFFF  }
0xc3: {  	_ =	shalt  }
tec
execute0_lowered:
.L_overlay_start_1:
0x0: {  	(tag) =	ssettag $0x1  }
0x1: {  	s0 =	rddreg [dreg:$0x0]  }
0x2: {  	s2 =	rddreg [dreg:$0x1];
	s12 =	stileid.u32  }
0x3: {  	s3 =	simm.s32 $0x0;
	s1 =	srdreg.scid;
	s5 =	smul.u32 $0x271, s12  }
0x4: {  	[smem:$0x7FF] =	sst s3;
	s1 =	sand.u32 $0x1, s1;
	s7 =	smul.u32 $0x1388, s12  }
0x5: {  	s8 =	sadd.s32 $0xEB4E00, s0;
	s4 =	sadd.s32 $0x9A00, s0;
	s20 =	smul.u32 $0x13880, s12  }
0x6: {  	s10 =	sand.u32 $0x7, s12;
	s12 =	simm.s32 $0x1;
	s6 =	smul.u32 $0x13880, s1  }
0x7: {  	_ =	strace $0x8000004A;
	s9 =	ssub.s32 $0x2, s1;
	s5 =	ssub.s32 s5, s10  }
0x8: {  	s11 =	sshrl.u32 s9, $0x1;
	s6 =	sadd.s32 s7, s6;
	p0 =	slt.s32 s5, $0x2490  }
0x9: {  	s9 =	ssub.s32 s9, s11;
	s7 =	sadd.s32 $0x1360, s6;
	s5 =	simm.s32 @!p0 $0x2490  }
0xa: {  	s10 =	sadd.s32 $0x28, s6;
	p0 =	seq.s32 s1, $0x1;
	s9 =	smax.u32 s9, $0x1  }
0xb: {  	s18 =	sshll.u32 s6, $0x4;
	s1 =	smul.u32 $0x138800, s1;
	s21 =	sshrl.u32 s7, $0x3  }
0xc: {  	s7 =	sshll.u32 s7, $0x4;
	s22 =	sshll.u32 s5, $0x9;
	s5 =	sshll.u32 s5, $0x4  }
0xd: {  	[dreg:$0x5] =	wrdreg s9;
	s9 =	simm.s32 $0x35C00;
	s19 =	sshll.u32 s10, $0x4  }
0xe: {  	s11 =	sadd.s32 s4, s21;
	s7 =	sadd.s32 s8, s7;
	s23 =	sshra.s32 s22, $0x2  }
0xf: {  	s5 =	sand.u32 $0xFFFFF80, s5;
	s9 =	simm.s32 @!p0 $0xEA00;
	[dreg:$0x3] =	wrdreg s11  }
0x10: {  	s21 =	sadd.s32 s8, s18;
	s22 =	sadd.s32 s8, s19;
	[dreg:$0x4] =	wrdreg s7  }
0x11: {  	s1 =	sadd.s32 s1, s8;
	s7 =	sadd.s32 s23, s2;
	[dreg:$0x10] =	wrdreg s21  }
0x12: {  	s8 =	simm.s32 $0x14C80;
	[dreg:$0x11] =	wrdreg s22;
	s24 =	sadd.s32 $0x1400, s7  }
0x13: {  	s18 =	simm.s32 $0x0;
	s25 =	sadd.s32 $0x2800, s7;
	[dreg:$0x6] =	wrdreg s24  }
0x14: {  	s0 =	sadd.s32 s9, s0;
	s26 =	sadd.s32 $0x3C00, s7;
	[dreg:$0x7] =	wrdreg s25  }
0x15: {  	s23 =	sshrl.u32 s6, $0x3;
	s11 =	sadd.s32 $0x5000, s7;
	[dreg:$0x8] =	wrdreg s26  }
0x16: {  	s9 =	simm.s32 $0x17500;
	s13 =	sadd.s32 $0x6400, s7;
	[dreg:$0x9] =	wrdreg s11  }
0x17: {  	s14 =	sadd.s32 $0x7800, s7;
	s15 =	sadd.s32 $0x8C00, s7;
	[dreg:$0xa] =	wrdreg s13  }
0x18: {  	s16 =	sadd.s32 $0xA000, s7;
	s17 =	sadd.s32 $0xB400, s7;
	[dreg:$0xb] =	wrdreg s14  }
0x19: {  	s0 =	sadd.s32 s0, s5;
	s5 =	sadd.s32 s4, s23;
	[dreg:$0xc] =	wrdreg s15  }
0x1a: {  	s28 =	sadd.s32 $0xDC00, s7;
	s29 =	sadd.s32 $0xF000, s7;
	[dreg:$0xd] =	wrdreg s16  }
0x1b: {  	s30 =	sadd.s32 $0x10400, s7;
	s31 =	sadd.s32 $0x11800, s7;
	[dreg:$0xe] =	wrdreg s17  }
0x1c: {  	[dreg:$0xf] =	wrdreg s0;
	s0 =	sadd.s32 s20, s1;
	s24 =	sadd.s32 $0x78, s6  }
0x1d: {  	[dreg:$0x12] =	wrdreg s5;
	s25 =	sshrl.u32 s10, $0x3;
	s26 =	sadd.s32 $0xC800, s7  }
0x1e: {  	s10 =	simm.s32 $0x16080;
	s11 =	simm.s32 $0x3;
	s13 =	simm.s32 $0x28  }
0x1f: {  	s14 =	simm.s32 $0x4;
	s15 =	simm.s32 $0x2;
	s16 =	simm.s32 $0x5  }
0x20: {  	s17 =	simm.s32 $0x6;
	s1 =	sshrl.u32 s24, $0x3;
	s5 =	sadd.s32 s4, s25  }
0x21: {  	s23 =	sadd.s32 $0x780, s0;
	s25 =	sadd.s32 $0x50, s6;
	[dreg:$0x14] =	wrdreg s26  }
0x22: {  	s0 =	sadd.s32 $0x12C00, s7;
	s6 =	simm.s32 $0x17480;
	[dreg:$0x13] =	wrdreg s5  }
0x23: {  	v0 =	vimm.f32 $0.0e+00;
	s24 =	sadd.s32 s1, s4;
	s1 =	simm.s32 $0x13880;
	s5 =	simm.s32 $0x7  }
.LBB2_1:
0x24: {  	s19 =	simm.s32 $0x70;
	s20 =	simm.s32 $0x3C0  }
.LBB2_2:
0x25: {  	p0 =	sne.s32 s20, $0x4FC0;
	[tilespmem:s19+$0x13880] =	vst v0  }
0x26: {  	[tilespmem:s19+$0x13810] =	vst v0  }
0x27: {  	[tilespmem:s19+$0x13820] =	vst v0  }
.Ltmp0:
0x28: {  	[tilespmem:s19+$0x13830] =	vst v0;
	(pc) =	sbr.rel @p0 .LBB2_2-.Ltmp0, $4  }
0x29: {  	[tilespmem:s19+$0x13840] =	vst v0  }
0x2a: {  	[tilespmem:s19+$0x13850] =	vst v0  }
0x2b: {  	[tilespmem:s19+$0x13860] =	vst v0  }
0x2c: {  	[tilespmem:s19+$0x13870] =	vst v0;
	s19 =	sshra.s32 s20, $0x2;
	s20 =	sadd.s32 $0x200, s20  }
0x2d: {  	[tilespmem:s19+$0x13880] =	vst v0  }
0x2e: {  	[tilespmem:s19+$0x13810] =	vst v0  }
0x2f: {  	[tilespmem:s19+$0x13820] =	vst v0  }
0x30: {  	[tilespmem:s19+$0x13830] =	vst v0  }
0x31: {  	[tilespmem:s19+$0x13840] =	vst v0  }
0x32: {  	[tilespmem:s19+$0x13850] =	vst v0  }
0x33: {  	[tilespmem:s19+$0x13860] =	vst v0  }
0x34: {  	[tilespmem:s19+$0x13870] =	vst v0  }
0x35: {  	[spmem:s7] =	stream.linear.scatter [tilespmem:s1], [sflag:$0x7], $0x1400, $0x38;
	[tilespmem:$0x17580] =	vst v63  }
0x36: {  	_ =	swait.ge [sflag:s5], $0x1400  }
0x37: {  	[sflag:s5] =	ssyncset.done $0x0  }
0x38: {  	s26 =	rddreg [dreg:$0x6];
	[sflag:s5] =	ssyncadd.s32 $0xFFFFEC00  }
0x39: {  	[spmem:s26] =	stream.linear.scatter [tilespmem:s1], [sflag:$0x7], $0x1400, $0x38;
	[tilespmem:$0x17580] =	vst v63  }
0x3a: {  	_ =	swait.ge [sflag:s5], $0x1400  }
0x3b: {  	[sflag:s5] =	ssyncset.done $0x0  }
0x3c: {  	s20 =	rddreg [dreg:$0x7];
	[sflag:s5] =	ssyncadd.s32 $0xFFFFEC00  }
0x3d: {  	[spmem:s20] =	stream.linear.scatter [tilespmem:s1], [sflag:$0x7], $0x1400, $0x38;
	[tilespmem:$0x17580] =	vst v63  }
0x3e: {  	_ =	swait.ge [sflag:s5], $0x1400  }
0x3f: {  	[sflag:s5] =	ssyncset.done $0x0  }
0x40: {  	s21 =	rddreg [dreg:$0x8];
	[sflag:s5] =	ssyncadd.s32 $0xFFFFEC00  }
0x41: {  	[spmem:s21] =	stream.linear.scatter [tilespmem:s1], [sflag:$0x7], $0x1400, $0x38;
	[tilespmem:$0x17580] =	vst v63  }
0x42: {  	_ =	swait.ge [sflag:s5], $0x1400  }
0x43: {  	[sflag:s5] =	ssyncset.done $0x0  }
0x44: {  	s22 =	rddreg [dreg:$0x9];
	[sflag:s5] =	ssyncadd.s32 $0xFFFFEC00  }
0x45: {  	[spmem:s22] =	stream.linear.scatter [tilespmem:s1], [sflag:$0x7], $0x1400, $0x38;
	[tilespmem:$0x17580] =	vst v63  }
0x46: {  	_ =	swait.ge [sflag:s5], $0x1400  }
0x47: {  	[sflag:s5] =	ssyncset.done $0x0  }
0x48: {  	s26 =	rddreg [dreg:$0xa];
	[sflag:s5] =	ssyncadd.s32 $0xFFFFEC00  }
0x49: {  	[spmem:s26] =	stream.linear.scatter [tilespmem:s1], [sflag:$0x7], $0x1400, $0x38;
	[tilespmem:$0x17580] =	vst v63  }
0x4a: {  	_ =	swait.ge [sflag:s5], $0x1400  }
0x4b: {  	[sflag:s5] =	ssyncset.done $0x0  }
0x4c: {  	s20 =	rddreg [dreg:$0xb];
	[sflag:s5] =	ssyncadd.s32 $0xFFFFEC00  }
0x4d: {  	[spmem:s20] =	stream.linear.scatter [tilespmem:s1], [sflag:$0x7], $0x1400, $0x38;
	[tilespmem:$0x17580] =	vst v63  }
0x4e: {  	_ =	swait.ge [sflag:s5], $0x1400  }
0x4f: {  	[sflag:s5] =	ssyncset.done $0x0  }
0x50: {  	s21 =	rddreg [dreg:$0xc];
	[sflag:s5] =	ssyncadd.s32 $0xFFFFEC00  }
0x51: {  	[spmem:s21] =	stream.linear.scatter [tilespmem:s1], [sflag:$0x7], $0x1400, $0x38;
	[tilespmem:$0x17580] =	vst v63  }
0x52: {  	_ =	swait.ge [sflag:s5], $0x1400  }
0x53: {  	[sflag:s5] =	ssyncset.done $0x0  }
0x54: {  	s22 =	rddreg [dreg:$0xd];
	[sflag:s5] =	ssyncadd.s32 $0xFFFFEC00  }
0x55: {  	[spmem:s22] =	stream.linear.scatter [tilespmem:s1], [sflag:$0x7], $0x1400, $0x38;
	[tilespmem:$0x17580] =	vst v63  }
0x56: {  	_ =	swait.ge [sflag:s5], $0x1400  }
0x57: {  	[sflag:s5] =	ssyncset.done $0x0  }
0x58: {  	s26 =	rddreg [dreg:$0xe];
	[sflag:s5] =	ssyncadd.s32 $0xFFFFEC00  }
0x59: {  	[spmem:s26] =	stream.linear.scatter [tilespmem:s1], [sflag:$0x7], $0x1400, $0x38;
	[tilespmem:$0x17580] =	vst v63  }
0x5a: {  	_ =	swait.ge [sflag:s5], $0x1400  }
0x5b: {  	[sflag:s5] =	ssyncset.done $0x0  }
0x5c: {  	s20 =	rddreg [dreg:$0x14];
	[sflag:s5] =	ssyncadd.s32 $0xFFFFEC00  }
0x5d: {  	[spmem:s20] =	stream.linear.scatter [tilespmem:s1], [sflag:$0x7], $0x1400, $0x38;
	[tilespmem:$0x17580] =	vst v63  }
0x5e: {  	_ =	swait.ge [sflag:s5], $0x1400  }
0x5f: {  	[sflag:s5] =	ssyncset.done $0x0  }
0x60: {  	[sflag:s5] =	ssyncadd.s32 $0xFFFFEC00  }
0x61: {  	[spmem:s28] =	stream.linear.scatter [tilespmem:s1], [sflag:$0x7], $0x1400, $0x38;
	[tilespmem:$0x17580] =	vst v63  }
0x62: {  	_ =	swait.ge [sflag:s5], $0x1400  }
0x63: {  	[sflag:s5] =	ssyncset.done $0x0  }
0x64: {  	[sflag:s5] =	ssyncadd.s32 $0xFFFFEC00  }
0x65: {  	[spmem:s29] =	stream.linear.scatter [tilespmem:s1], [sflag:$0x7], $0x1400, $0x38;
	[tilespmem:$0x17580] =	vst v63  }
0x66: {  	_ =	swait.ge [sflag:s5], $0x1400  }
0x67: {  	[sflag:s5] =	ssyncset.done $0x0  }
0x68: {  	[sflag:s5] =	ssyncadd.s32 $0xFFFFEC00  }
0x69: {  	[spmem:s30] =	stream.linear.scatter [tilespmem:s1], [sflag:$0x7], $0x1400, $0x38;
	[tilespmem:$0x17580] =	vst v63  }
0x6a: {  	_ =	swait.ge [sflag:s5], $0x1400  }
0x6b: {  	[sflag:s5] =	ssyncset.done $0x0  }
0x6c: {  	[sflag:s5] =	ssyncadd.s32 $0xFFFFEC00  }
0x6d: {  	[spmem:s31] =	stream.linear.scatter [tilespmem:s1], [sflag:$0x7], $0x1400, $0x38;
	[tilespmem:$0x17580] =	vst v63  }
0x6e: {  	_ =	swait.ge [sflag:s5], $0x1400  }
0x6f: {  	[sflag:s5] =	ssyncset.done $0x0  }
0x70: {  	[sflag:s5] =	ssyncadd.s32 $0xFFFFEC00  }
0x71: {  	[spmem:s0] =	stream.linear.scatter [tilespmem:s1], [sflag:$0x7], $0x1400, $0x38;
	[tilespmem:$0x17580] =	vst v63  }
0x72: {  	_ =	swait.ge [sflag:s5], $0x1400  }
0x73: {  	[sflag:s5] =	ssyncset.done $0x0  }
0x74: {  	[sflag:s5] =	ssyncadd.s32 $0xFFFFEC00  }
0x75: {  	[bflag:$0x0] =	sbarrier.arrive $0xFFFF  }
0x76: {  	s19 =	simm.s32 $0x0;
	s20 =	rddreg [dreg:$0x12]  }
0x77: {  	[tilespmem:s6], [sflag:$0x3] =	stream.linear.gather [hbm4b:s20+s19], $0x28, $0x38;
	[tilespmem:$0x17580] =	vst v63  }
0x78: {  	s21 =	rddreg [dreg:$0x10]  }
0x79: {  	[tilespmem:s8], [sflag:$0x1] =	stream.linear.gather [hbm4b:s21+s19], $0x1400, $0x38;
	[tilespmem:$0x17580] =	vst v63  }
0x7a: {  	s22 =	rddreg [dreg:$0x13]  }
0x7b: {  	[tilespmem:s9], [sflag:$0x4] =	stream.linear.gather [hbm4b:s22+s19], $0x28, $0x38;
	[tilespmem:$0x17580] =	vst v63  }
0x7c: {  	s26 =	rddreg [dreg:$0x11]  }
0x7d: {  	[tilespmem:s10], [sflag:$0x2] =	stream.linear.gather [hbm4b:s26+s19], $0x1400, $0x38;
	[tilespmem:$0x17580] =	vst v63  }
0x7e: {  	_ =	swait.ge [sflag:s11], $0x28  }
0x7f: {  	[sflag:s11] =	ssyncset.done $0x0  }
0x80: {  	[sflag:s11] =	ssyncadd.s32 $0xFFFFFFD8  }
0x81: {  	_ =	swait.ge [sflag:s12], $0x1400  }
0x82: {  	[sflag:s12] =	ssyncset.done $0x0  }
0x83: {  	[sflag:s12] =	ssyncadd.s32 $0xFFFFEC00  }
0x84: {  	[spmem:s2] =	stream.indirect.scatter.add.f32 [tilespmem:s8], [sflag:$0x5], $0x80, s6, s13, $0xb8;
	[tilespmem:$0x17580] =	vst v63  }
0x85: {  	_ =	swait.ge [sflag:s14], $0x28  }
0x86: {  	[sflag:s14] =	ssyncset.done $0x0  }
0x87: {  	[sflag:s14] =	ssyncadd.s32 $0xFFFFFFD8  }
0x88: {  	_ =	swait.ge [sflag:s15], $0x1400  }
0x89: {  	[sflag:s15] =	ssyncset.done $0x0  }
0x8a: {  	[sflag:s15] =	ssyncadd.s32 $0xFFFFEC00  }
0x8b: {  	[spmem:s2] =	stream.indirect.scatter.add.f32 [tilespmem:s10], [sflag:$0x6], $0x80, s9, s13, $0xb8;
	[tilespmem:$0x17580] =	vst v63  }
0x8c: {  	_ =	swait.ge [sflag:s16], $0x1400  }
0x8d: {  	s21 =	sshrl.u32 s25, $0x3;
	[sflag:s16] =	ssyncset.done $0x0  }
0x8e: {  	s19 =	sadd.s32 s4, s21;
	[sflag:s16] =	ssyncadd.s32 $0xFFFFEC00  }
0x8f: {  	[tilespmem:s6], [sflag:$0x3] =	stream.linear.gather [hbm4b:s19+s3], $0x28, $0x38;
	[tilespmem:$0x17580] =	vst v63  }
0x90: {  	s22 =	sadd.s32 $0xFFFFFD80, s23  }
0x91: {  	[tilespmem:s8], [sflag:$0x1] =	stream.linear.gather [hbm4b:s22+s3], $0x1400, $0x38;
	[tilespmem:$0x17580] =	vst v63  }
0x92: {  	_ =	swait.ge [sflag:s17], $0x1400  }
0x93: {  	[sflag:s17] =	ssyncset.done $0x0  }
0x94: {  	s26 =	sadd.s32 $0x0, s24;
	[sflag:s17] =	ssyncadd.s32 $0xFFFFEC00  }
0x95: {  	[tilespmem:s9], [sflag:$0x4] =	stream.linear.gather [hbm4b:s26+s3], $0x28, $0x38;
	[tilespmem:$0x17580] =	vst v63  }
0x96: {  	_ = 	snop  }
0x97: {  	[tilespmem:s10], [sflag:$0x2] =	stream.linear.gather [hbm4b:s23+s3], $0x1400, $0x38;
	[tilespmem:$0x17580] =	vst v63  }
0x98: {  	_ =	swait.ge [sflag:s11], $0x28  }
0x99: {  	[sflag:s11] =	ssyncset.done $0x0  }
0x9a: {  	[sflag:s11] =	ssyncadd.s32 $0xFFFFFFD8  }
0x9b: {  	_ =	swait.ge [sflag:s12], $0x1400  }
0x9c: {  	[sflag:s12] =	ssyncset.done $0x0  }
0x9d: {  	[sflag:s12] =	ssyncadd.s32 $0xFFFFEC00  }
0x9e: {  	[spmem:s2] =	stream.indirect.scatter.add.f32 [tilespmem:s8], [sflag:$0x5], $0x80, s6, s13, $0xb8;
	[tilespmem:$0x17580] =	vst v63  }
0x9f: {  	_ =	swait.ge [sflag:s14], $0x28  }
0xa0: {  	[sflag:s14] =	ssyncset.done $0x0  }
0xa1: {  	[sflag:s14] =	ssyncadd.s32 $0xFFFFFFD8  }
0xa2: {  	_ =	swait.ge [sflag:s15], $0x1400  }
0xa3: {  	s20 =	sadd.s32 $0x500, s23;
	[sflag:s15] =	ssyncset.done $0x0  }
0xa4: {  	s21 =	sadd.s32 $0x50, s25;
	s19 =	simm.s32 $0xA;
	[sflag:s15] =	ssyncadd.s32 $0xFFFFEC00  }
.LBB2_4:
0xa5: {  	[spmem:s2] =	stream.indirect.scatter.add.f32 [tilespmem:s10], [sflag:$0x6], $0x80, s9, s13, $0xb8;
	[tilespmem:$0x17580] =	vst v63  }
0xa6: {  	s22 =	smov.u32 s19  }
0xa7: {  	p0 =	sne.s32 s19, $0x258;
	s19 =	sadd.s32 $0xA, s19;
	_ =	swait.ge [sflag:s16], $0x1400  }
0xa8: {  	s26 =	sshrl.u32 s21, $0x3;
	[sflag:s16] =	ssyncset.done $0x0  }
0xa9: {  	s26 =	sadd.s32 s4, s26;
	[sflag:s16] =	ssyncadd.s32 $0xFFFFEC00  }
0xaa: {  	[tilespmem:s6], [sflag:$0x3] =	stream.linear.gather [hbm4b:s26+s3], $0x28, $0x38;
	[tilespmem:$0x17580] =	vst v63  }
0xab: {  	s26 =	sadd.s32 $0xFFFFFD80, s20  }
0xac: {  	[tilespmem:s8], [sflag:$0x1] =	stream.linear.gather [hbm4b:s26+s3], $0x1400, $0x38;
	[tilespmem:$0x17580] =	vst v63  }
0xad: {  	_ =	swait.ge [sflag:s17], $0x1400  }
0xae: {  	[sflag:s17] =	ssyncset.done $0x0  }
0xaf: {  	s22 =	sadd.s32 s22, s24;
	[sflag:s17] =	ssyncadd.s32 $0xFFFFEC00  }
0xb0: {  	[tilespmem:s9], [sflag:$0x4] =	stream.linear.gather [hbm4b:s22+s3], $0x28, $0x38;
	[tilespmem:$0x17580] =	vst v63  }
0xb1: {  	_ = 	snop  }
0xb2: {  	[tilespmem:s10], [sflag:$0x2] =	stream.linear.gather [hbm4b:s20+s3], $0x1400, $0x38;
	[tilespmem:$0x17580] =	vst v63  }
0xb3: {  	_ =	swait.ge [sflag:s11], $0x28  }
0xb4: {  	[sflag:s11] =	ssyncset.done $0x0  }
0xb5: {  	[sflag:s11] =	ssyncadd.s32 $0xFFFFFFD8  }
0xb6: {  	_ =	swait.ge [sflag:s12], $0x1400  }
0xb7: {  	[sflag:s12] =	ssyncset.done $0x0  }
0xb8: {  	[sflag:s12] =	ssyncadd.s32 $0xFFFFEC00  }
0xb9: {  	[spmem:s2] =	stream.indirect.scatter.add.f32 [tilespmem:s8], [sflag:$0x5], $0x80, s6, s13, $0xb8;
	[tilespmem:$0x17580] =	vst v63  }
0xba: {  	_ =	swait.ge [sflag:s14], $0x28  }
.Ltmp1:
0xbb: {  	[sflag:s14] =	ssyncset.done $0x0;
	(pc) =	sbr.rel @p0 .LBB2_4-.Ltmp1, $4  }
0xbc: {  	[sflag:s14] =	ssyncadd.s32 $0xFFFFFFD8  }
0xbd: {  	_ =	swait.ge [sflag:s15], $0x1400  }
0xbe: {  	[sflag:s15] =	ssyncset.done $0x0  }
0xbf: {  	s21 =	sadd.s32 $0x50, s21;
	s20 =	sadd.s32 $0x500, s20;
	[sflag:s15] =	ssyncadd.s32 $0xFFFFEC00  }
0xc0: {  	[spmem:s2] =	stream.indirect.scatter.add.f32 [tilespmem:s10], [sflag:$0x6], $0x80, s9, s13, $0xb8;
	[tilespmem:$0x17580] =	vst v63  }
0xc1: {  	_ =	swait.ge [sflag:s16], $0x1400  }
0xc2: {  	[sflag:s16] =	ssyncset.done $0x0  }
0xc3: {  	s19 =	rddreg [dreg:$0x3];
	[sflag:s16] =	ssyncadd.s32 $0xFFFFEC00  }
0xc4: {  	[tilespmem:s6], [sflag:$0x7] =	stream.linear.gather [hbm4b:s19+s3], $0x28, $0x38;
	[tilespmem:$0x17580] =	vst v63  }
0xc5: {  	_ =	swait.ge [sflag:s5], $0x28  }
0xc6: {  	[sflag:s5] =	ssyncset.done $0x0  }
0xc7: {  	s21 =	rddreg [dreg:$0x4];
	[sflag:s5] =	ssyncadd.s32 $0xFFFFFFD8  }
0xc8: {  	[tilespmem:s8], [sflag:$0x7] =	stream.linear.gather [hbm4b:s21+s3], $0x1400, $0x38;
	[tilespmem:$0x17580] =	vst v63  }
0xc9: {  	_ =	swait.ge [sflag:s5], $0x1400  }
0xca: {  	[sflag:s5] =	ssyncset.done $0x0  }
0xcb: {  	[sflag:s5] =	ssyncadd.s32 $0xFFFFEC00  }
0xcc: {  	[spmem:s2] =	stream.indirect.scatter.add.f32 [tilespmem:s8], [sflag:$0x5], $0x80, s6, s13, $0xb8;
	[tilespmem:$0x17580] =	vst v63  }
0xcd: {  	_ =	swait.ge [sflag:s16], $0x1400  }
0xce: {  	[sflag:s16] =	ssyncset.done $0x0  }
0xcf: {  	[sflag:s16] =	ssyncadd.s32 $0xFFFFEC00  }
0xd0: {  	_ =	swait.ge [sflag:s17], $0x1400  }
0xd1: {  	[sflag:s17] =	ssyncset.done $0x0  }
0xd2: {  	s22 =	stileid.u32;
	[sflag:s17] =	ssyncadd.s32 $0xFFFFEC00  }
0xd3: {  	s19 =	sshll.u32 s22, $0x6;
	[bflag:$0x0] =	sbarrier.arrive $0xFFFF  }
0xd4: {  	s20 =	sshrl.u32 s7, $0x3;
	s19 =	sor.u32 $0x1C07, s19;
	s21 =	rddreg [dreg:$0xf]  }
0xd5: {  	[hbm:s21], [sflag:s19] =	dma.local [spmem:s20], $0x2800  }
0xd6: {  	_ =	swait.ge [sflag:s5], $0x2800  }
0xd7: {  	s18 =	sadd.s32 $0x1, s18;
	s26 =	rddreg [dreg:$0x5]  }
0xd8: {  	p0 =	sne.s32 s18, s26  }
.Ltmp2:
0xd9: {  	_ = 	snop;
	(pc) =	sbr.rel @p0 .LBB2_1-.Ltmp2, $3  }
0xda: {  	_ =	sdelay $0x1  }
0xdb: {  	[sflag:s5] =	ssyncset.done $0x0  }
0xdc: {  	[sflag:s5] =	ssyncadd.s32 $0xFFFFD800  }
0xdd: {  	_ =	sfence.sel $0x180000  }
0xde: {  	[bflag:$0x0] =	sbarrier.arrive $0xFFFF  }
0xdf: {  	_ =	strace $0x9000004A  }
0xe0: {  	s0 =	stileid.u32;
	[bflag:$0x2] =	sbarrier.arrive $0xFFFF  }
0xe1: {  	p0 =	sne.s32 s0, $0x0;
	s0 =	rddreg [dreg:$0x2]  }
0xe2: {  	s0 =	sadd.s32 @!p0 $0x100000, s0  }
0xe3: {  	[sflag:s0] =	ssyncadd.tile.s32 @!p0 $0x1;
	_ =	shalt  }
.Lfunc_end2:
_tile_overlayer_lowered:
.L_overlay_start_2:
0xe4: {  	(tag) =	ssettag $0x2  }
0xe5: {  	s0 =	rddreg [dreg:$0x0];
	s2 =	stileid.u32  }
0xe6: {  	s1 =	rddreg [dreg:$0x1];
	p0 =	sne.s32 s2, $0x0  }
0xe7: {  	s3 =	rddreg [dreg:$0x2];
	[bflag:$0x3] =	sbarrier.arrive $0xFFFF;
	s2 =	simm.s32 @!p0 $0x1C07  }
0xe8: {  	[timem:s3], [sflag:s2] =	dma.local @!p0 [hbm:s0], s1  }
0xe9: {  	s0 =	simm.s32 @!p0 $0x7  }
0xea: {  	_ =	swait.ge @!p0 [sflag:s0], s1  }
0xeb: {  	s1 =	ssub.s32 @!p0 $0x0, s1;
	[sflag:s0] =	ssyncset.done @!p0 $0x0  }
0xec: {  	[sflag:s0] =	ssyncadd.s32 @!p0 s1  }
0xed: {  	[bflag:$0x3] =	sbarrier.arrive $0xFFFF  }
0xee: {  	_ =	shalt  }

</sc_bundles>
